<compile_context>
chip_gen: v7x
topology: tpu7x:2x2x1
jax: 0.10.2.dev20260603
libtpu: 0.0.44.dev20260713+nightly
codegen_flags: <defaults>
</compile_context>

<pallas_src>
import functools

import jax
import jax.numpy as jnp
from jax import lax
from jax.experimental import pallas as pl
from jax.experimental.pallas import tpu as pltpu
from jax.experimental.pallas import tpu_sc as plsc

_NC = 2
_NS = 16
_NW = _NC * _NS
_L = 16

_B = 4096
_F = 100
_FPAD = 112
_D = 128
_DV = _D // _L
_BPW = _B // _NW
_NBUF = 4
_RPF = 1000


def _fm_body(idx_hbm, wl_hbm, bias_hbm, v_hbm, out_hbm,
             idx_all, out_v, bias_v, *bufs):
    rows = bufs[0:_NBUF]
    wvs = bufs[_NBUF:2 * _NBUF]
    sem_r = bufs[2 * _NBUF:3 * _NBUF]
    sem_w = bufs[3 * _NBUF:4 * _NBUF]

    wid = lax.axis_index("s") * _NC + lax.axis_index("c")
    base = wid * _BPW

    pltpu.sync_copy(idx_hbm.at[pl.ds(base, _BPW)], idx_all)
    pltpu.sync_copy(bias_hbm, bias_v.at[pl.ds(0, 1)])
    bias_s = bias_v[pl.ds(0, _L)][0]
    lane = lax.iota(jnp.int32, _L)
    lane_off = lane * _RPF

    zero16 = jnp.zeros((_L,), jnp.float32)
    for w in wvs:
        for c in range(_FPAD // _L):
            w[pl.ds(c * _L, _L)] = zero16

    _TAIL = _F - _L

    def start(b, slot):
        raw_tail = idx_all[b, pl.ds(_TAIL, _L)]
        for c in range(_F // _L):
            t = idx_all[b, pl.ds(c * _L, _L)]
            idx_all[b, pl.ds(c * _L, _L)] = t + (c * _L * _RPF + lane_off)
        idx_all[b, pl.ds(_TAIL, _L)] = raw_tail + (_TAIL * _RPF + lane_off)
        idx_row = idx_all.at[b]
        pltpu.async_copy(v_hbm.at[idx_row], rows[slot], sem_r[slot])
        pltpu.async_copy(wl_hbm.at[idx_row], wvs[slot].at[pl.ds(0, _F)],
                         sem_w[slot])

    def compute(b, slot):
        idx_row = idx_all.at[b]
        pltpu.make_async_copy(v_hbm.at[idx_row], rows[slot],
                              sem_r[slot]).wait()
        pltpu.make_async_copy(wl_hbm.at[idx_row],
                              wvs[slot].at[pl.ds(0, _F)],
                              sem_w[slot]).wait()
        r_ref = rows[slot]

        def row_body(r, carry):
            s = carry[:_DV]
            q = carry[_DV:]
            new_s = []
            new_q = []
            for j in range(_DV):
                v = r_ref[r, pl.ds(j * _L, _L)]
                new_s.append(s[j] + v)
                new_q.append(q[j] + v * v)
            return tuple(new_s) + tuple(new_q)

        carry = lax.fori_loop(0, _F, row_body, (zero16,) * (2 * _DV),
                              unroll=4)

        acc = zero16
        for j in range(_DV):
            s_j = carry[j]
            q_j = carry[_DV + j]
            acc = acc + (s_j * s_j - q_j)
        fm = jnp.sum(acc)

        w_ref = wvs[slot]
        lv = zero16
        for c in range(_FPAD // _L):
            lv = lv + w_ref[pl.ds(c * _L, _L)]
        lin = jnp.sum(lv)

        return lin + bias_s + 0.5 * fm

    for s in range(_NBUF):
        start(s, s)

    def outer(bg, y_vec):
        b0 = _NBUF * bg
        for s in range(_NBUF):
            b = b0 + s
            y = compute(b, s)

            @pl.when(b + _NBUF < _BPW)
            def _prefetch():
                start(b + _NBUF, s)

            y_vec = jnp.where(lane == b % _L, jnp.full((_L,), y), y_vec)

        @pl.when((b0 + _NBUF) % _L == 0)
        def _flush():
            out_v[pl.ds((b0 // _L) * _L, _L)] = y_vec

        return y_vec

    lax.fori_loop(0, _BPW // _NBUF, outer, zero16)

    pltpu.sync_copy(out_v, out_hbm.at[pl.ds(base, _BPW)])


_fm = functools.partial(
    pl.kernel,
    out_type=jax.ShapeDtypeStruct((_B,), jnp.float32),
    mesh=plsc.VectorSubcoreMesh(core_axis_name="c", subcore_axis_name="s",
                                num_cores=_NC, num_subcores=_NS),
    compiler_params=pltpu.CompilerParams(needs_layout_passes=False),
    scratch_types=[
        pltpu.VMEM((_BPW, _F), jnp.int32),
        pltpu.VMEM((_BPW,), jnp.float32),
        pltpu.VMEM((1,), jnp.float32),
    ]
    + [pltpu.VMEM((_F, _D), jnp.float32) for _ in range(_NBUF)]
    + [pltpu.VMEM((_FPAD,), jnp.float32) for _ in range(_NBUF)]
    + [pltpu.SemaphoreType.DMA for _ in range(2 * _NBUF)],
)(_fm_body)


@jax.jit
def kernel(x, W_lin, bias, V):
    return _fm(x.astype(jnp.int32), W_lin.reshape(-1), bias, V)

# --- scband reference (transcript-rebuilt; emitter-appended) ---
"""Pipeline reference for scband-factorization-machine-68204080661184 (READ-ONLY COPY).

The authoritative reference and input builder live on the scoring server;
editing this copy changes nothing except your own understanding.
"""

import jax, jax.numpy as jnp
import numpy as np

FIELD_DIMS = [1000] * 100
EMBED_DIM = 128
BATCH = 4096
N_FIELDS = len(FIELD_DIMS)
TOTAL_ROWS = int(np.sum(FIELD_DIMS))
OFFSETS = np.concatenate([[0], np.cumsum(FIELD_DIMS)[:-1]]).astype(np.int32)


def setup_inputs(seed: int = 0) -> dict:
    key = jax.random.key(seed)
    k1, k2, k3 = jax.random.split(key, 3)
    x = jax.random.randint(k1, (BATCH, N_FIELDS), 0, 1000)
    W_lin = jax.random.normal(k2, (TOTAL_ROWS, 1), dtype=jnp.float32) * 0.01
    bias = jnp.zeros((1,), dtype=jnp.float32)
    V = jax.random.normal(k3, (TOTAL_ROWS, EMBED_DIM), dtype=jnp.float32) * 0.01
    return {"x": x, "W_lin": W_lin, "bias": bias, "V": V}


def reference(x, W_lin, bias, V):
    # Per-field indices -> flat row indices into the concatenated embedding tables
    idx = x + jnp.asarray(OFFSETS)[None, :]
    # FeaturesLinear: sum of per-field scalar weights + bias -> [B, 1]
    lin = jnp.sum(jnp.take(W_lin, idx, axis=0), axis=1) + bias
    # FMLayer_Sparse: embed -> [B, F, k], pairwise interaction via
    # 0.5 * sum_k ((sum_f v)^2 - sum_f v^2)
    e = jnp.take(V, idx, axis=0)
    square_of_sum = jnp.sum(e, axis=1) ** 2
    sum_of_square = jnp.sum(e ** 2, axis=1)
    fm = 0.5 * jnp.sum(square_of_sum - sum_of_square, axis=1)
    y = lin.squeeze(1) + fm
    return y

if __name__ == "__main__":
    import jax
    _d = setup_inputs()
    print(jax.jit(kernel)(*tuple(_d.values())))

</pallas_src>

<mosaic_0001>
#map = affine_map<(d0, d1) -> (0, 0)>
#map1 = affine_map<(d0, d1) -> (0)>
module attributes {stable_mosaic.version = 14 : i64} {
  func.func @_fm_body(%arg0: i32, %arg1: i32, %arg2: memref<4096x100xi32, #tpu.memory_space<hbm>>, %arg3: memref<100000xf32, #tpu.memory_space<hbm>>, %arg4: memref<1xf32, #tpu.memory_space<hbm>>, %arg5: memref<100000x128xf32, #tpu.memory_space<hbm>>, %arg6: memref<4096xf32, #tpu.memory_space<hbm>>, %arg7: memref<128x100xi32, #tpu.memory_space<vmem>>, %arg8: memref<128xf32, #tpu.memory_space<vmem>>, %arg9: memref<1xf32, #tpu.memory_space<vmem>>, %arg10: memref<100x128xf32, #tpu.memory_space<vmem>>, %arg11: memref<100x128xf32, #tpu.memory_space<vmem>>, %arg12: memref<100x128xf32, #tpu.memory_space<vmem>>, %arg13: memref<100x128xf32, #tpu.memory_space<vmem>>, %arg14: memref<112xf32, #tpu.memory_space<vmem>>, %arg15: memref<112xf32, #tpu.memory_space<vmem>>, %arg16: memref<112xf32, #tpu.memory_space<vmem>>, %arg17: memref<112xf32, #tpu.memory_space<vmem>>, %arg18: memref<!tpu.dma_semaphore, #tpu.memory_space<semaphore_mem>>, %arg19: memref<!tpu.dma_semaphore, #tpu.memory_space<semaphore_mem>>, %arg20: memref<!tpu.dma_semaphore, #tpu.memory_space<semaphore_mem>>, %arg21: memref<!tpu.dma_semaphore, #tpu.memory_space<semaphore_mem>>, %arg22: memref<!tpu.dma_semaphore, #tpu.memory_space<semaphore_mem>>, %arg23: memref<!tpu.dma_semaphore, #tpu.memory_space<semaphore_mem>>, %arg24: memref<!tpu.dma_semaphore, #tpu.memory_space<semaphore_mem>>, %arg25: memref<!tpu.dma_semaphore, #tpu.memory_space<semaphore_mem>>) attributes {dimension_semantics = [#tpu.dimension_semantics<core_parallel>, #tpu.dimension_semantics<subcore_parallel>], iteration_bounds = array<i64: 2, 16>, scalar_prefetch = 0 : i64, scratch_operands = 19 : i64, tpu.core_type = #tpu.core_type<sc_vector_subcore>, window_params = [{transform_indices = #map}, {transform_indices = #map1}, {transform_indices = #map1}, {transform_indices = #map}, {transform_indices = #map1}]} {
    %mul3A = arith.constant 2 : i32
    %mul3A_0 = arith.muli %arg1, %mul3A : i32
    %add3A = arith.addi %mul3A_0, %arg0 : i32
    %mul3A_1 = arith.constant 128 : i32
    %mul3A_2 = arith.muli %add3A, %mul3A_1 : i32
    "tpu.region"() ({
      %run_scoped3A = tpu.sem_alloc : memref<!tpu.dma_semaphore, #tpu.memory_space<semaphore_mem>>
      %dma_start3A_463 = arith.constant 0 : i32
      %dma_start3A_464 = tpu.memref_slice %arg2[%mul3A_2, %dma_start3A_463] : memref<4096x100xi32, #tpu.memory_space<hbm>> -> memref<128x100xi32, #tpu.memory_space<hbm>>
      %dma_start3A_465 = arith.constant 0 : i32
      %dma_start3A_466 = tpu.memref_slice %arg2[%mul3A_2, %dma_start3A_465] : memref<4096x100xi32, #tpu.memory_space<hbm>> -> memref<128x100xi32, #tpu.memory_space<hbm>>
      tpu.enqueue_dma source(%dma_start3A_466 : memref<128x100xi32, #tpu.memory_space<hbm>>) target(%arg7 : memref<128x100xi32, #tpu.memory_space<vmem>>) target_semaphore(%run_scoped3A : memref<!tpu.dma_semaphore, #tpu.memory_space<semaphore_mem>>)
      %dma_wait3A = arith.constant 0 : i32
      %dma_wait3A_467 = tpu.memref_slice %arg2[%mul3A_2, %dma_wait3A] : memref<4096x100xi32, #tpu.memory_space<hbm>> -> memref<128x100xi32, #tpu.memory_space<hbm>>
      %dma_wait3A_468 = arith.constant 0 : i32
      %dma_wait3A_469 = tpu.memref_slice %arg2[%mul3A_2, %dma_wait3A_468] : memref<4096x100xi32, #tpu.memory_space<hbm>> -> memref<128x100xi32, #tpu.memory_space<hbm>>
      tpu.wait_dma2 semaphore(%run_scoped3A : memref<!tpu.dma_semaphore, #tpu.memory_space<semaphore_mem>>) src(%dma_wait3A_469 : memref<128x100xi32, #tpu.memory_space<hbm>>) dst(%arg7 : memref<128x100xi32, #tpu.memory_space<vmem>>)
      tpu.yield
    }) : () -> ()
    "tpu.region"() ({
      %run_scoped3A = tpu.sem_alloc : memref<!tpu.dma_semaphore, #tpu.memory_space<semaphore_mem>>
      %dma_start3A_463 = arith.constant 0 : i32
      %dma_start3A_464 = tpu.memref_slice %arg9[%dma_start3A_463] : memref<1xf32, #tpu.memory_space<vmem>> -> memref<1xf32, #tpu.memory_space<vmem>>
      %dma_start3A_465 = arith.constant 0 : i32
      %dma_start3A_466 = tpu.memref_slice %arg9[%dma_start3A_465] : memref<1xf32, #tpu.memory_space<vmem>> -> memref<1xf32, #tpu.memory_space<vmem>>
      tpu.enqueue_dma source(%arg4 : memref<1xf32, #tpu.memory_space<hbm>>) target(%dma_start3A_466 : memref<1xf32, #tpu.memory_space<vmem>>) target_semaphore(%run_scoped3A : memref<!tpu.dma_semaphore, #tpu.memory_space<semaphore_mem>>)
      %dma_wait3A = arith.constant 0 : i32
      %dma_wait3A_467 = tpu.memref_slice %arg9[%dma_wait3A] : memref<1xf32, #tpu.memory_space<vmem>> -> memref<1xf32, #tpu.memory_space<vmem>>
      %dma_wait3A_468 = arith.constant 0 : i32
      %dma_wait3A_469 = tpu.memref_slice %arg9[%dma_wait3A_468] : memref<1xf32, #tpu.memory_space<vmem>> -> memref<1xf32, #tpu.memory_space<vmem>>
      tpu.wait_dma2 semaphore(%run_scoped3A : memref<!tpu.dma_semaphore, #tpu.memory_space<semaphore_mem>>) src(%arg4 : memref<1xf32, #tpu.memory_space<hbm>>) dst(%dma_wait3A_469 : memref<1xf32, #tpu.memory_space<vmem>>)
      tpu.yield
    }) : () -> ()
    %get3A = arith.constant 0 : index
    %get3A_3 = tpu.vector_load %arg9[%get3A] {strides = array<i32>} : memref<1xf32, #tpu.memory_space<vmem>>, vector<16xf32>,
    %slice3A = vector.extract_strided_slice %get3A_3 {offsets = [0], sizes = [1], strides = [1]} : vector<16xf32> to vector<1xf32>
    %squeeze3A = vector.extract %slice3A[0] : f32 from vector<1xf32>
    %iota3A = tpu.iota {dimensions = array<i32: 0>} : vector<16xi32>
    %mul3A_4 = arith.constant 1000 : i32
    %mul3A_5 = vector.broadcast %mul3A_4 : i32 to vector<16xi32>
    %mul3A_6 = arith.muli %iota3A, %mul3A_5 : vector<16xi32>
    %broadcast_in_dim3A = arith.constant 0.000000e+00 : f32
    %broadcast_in_dim3A_7 = vector.broadcast %broadcast_in_dim3A : f32 to vector<16xf32>
    %swap3A = arith.constant 0 : index
    %swap3A_8 = tpu.vector_load %arg14[%swap3A] {strides = array<i32>} : memref<112xf32, #tpu.memory_space<vmem>>, vector<16xf32>,
    tpu.vector_store %arg14[%swap3A], %broadcast_in_dim3A_7 {strides = array<i32>} : memref<112xf32, #tpu.memory_space<vmem>>, vector<16xf32>,
    %swap3A_9 = arith.constant 16 : index
    %swap3A_10 = tpu.vector_load %arg14[%swap3A_9] {strides = array<i32>} : memref<112xf32, #tpu.memory_space<vmem>>, vector<16xf32>,
    tpu.vector_store %arg14[%swap3A_9], %broadcast_in_dim3A_7 {strides = array<i32>} : memref<112xf32, #tpu.memory_space<vmem>>, vector<16xf32>,
    %swap3A_11 = arith.constant 32 : index
    %swap3A_12 = tpu.vector_load %arg14[%swap3A_11] {strides = array<i32>} : memref<112xf32, #tpu.memory_space<vmem>>, vector<16xf32>,
    tpu.vector_store %arg14[%swap3A_11], %broadcast_in_dim3A_7 {strides = array<i32>} : memref<112xf32, #tpu.memory_space<vmem>>, vector<16xf32>,
    %swap3A_13 = arith.constant 48 : index
    %swap3A_14 = tpu.vector_load %arg14[%swap3A_13] {strides = array<i32>} : memref<112xf32, #tpu.memory_space<vmem>>, vector<16xf32>,
    tpu.vector_store %arg14[%swap3A_13], %broadcast_in_dim3A_7 {strides = array<i32>} : memref<112xf32, #tpu.memory_space<vmem>>, vector<16xf32>,
    %swap3A_15 = arith.constant 64 : index
    %swap3A_16 = tpu.vector_load %arg14[%swap3A_15] {strides = array<i32>} : memref<112xf32, #tpu.memory_space<vmem>>, vector<16xf32>,
    tpu.vector_store %arg14[%swap3A_15], %broadcast_in_dim3A_7 {strides = array<i32>} : memref<112xf32, #tpu.memory_space<vmem>>, vector<16xf32>,
    %swap3A_17 = arith.constant 80 : index
    %swap3A_18 = tpu.vector_load %arg14[%swap3A_17] {strides = array<i32>} : memref<112xf32, #tpu.memory_space<vmem>>, vector<16xf32>,
    tpu.vector_store %arg14[%swap3A_17], %broadcast_in_dim3A_7 {strides = array<i32>} : memref<112xf32, #tpu.memory_space<vmem>>, vector<16xf32>,
    %swap3A_19 = arith.constant 96 : index
    %swap3A_20 = tpu.vector_load %arg14[%swap3A_19] {strides = array<i32>} : memref<112xf32, #tpu.memory_space<vmem>>, vector<16xf32>,
    tpu.vector_store %arg14[%swap3A_19], %broadcast_in_dim3A_7 {strides = array<i32>} : memref<112xf32, #tpu.memory_space<vmem>>, vector<16xf32>,
    %swap3A_21 = arith.constant 0 : index
    %swap3A_22 = tpu.vector_load %arg15[%swap3A_21] {strides = array<i32>} : memref<112xf32, #tpu.memory_space<vmem>>, vector<16xf32>,
    tpu.vector_store %arg15[%swap3A_21], %broadcast_in_dim3A_7 {strides = array<i32>} : memref<112xf32, #tpu.memory_space<vmem>>, vector<16xf32>,
    %swap3A_23 = arith.constant 16 : index
    %swap3A_24 = tpu.vector_load %arg15[%swap3A_23] {strides = array<i32>} : memref<112xf32, #tpu.memory_space<vmem>>, vector<16xf32>,
    tpu.vector_store %arg15[%swap3A_23], %broadcast_in_dim3A_7 {strides = array<i32>} : memref<112xf32, #tpu.memory_space<vmem>>, vector<16xf32>,
    %swap3A_25 = arith.constant 32 : index
    %swap3A_26 = tpu.vector_load %arg15[%swap3A_25] {strides = array<i32>} : memref<112xf32, #tpu.memory_space<vmem>>, vector<16xf32>,
    tpu.vector_store %arg15[%swap3A_25], %broadcast_in_dim3A_7 {strides = array<i32>} : memref<112xf32, #tpu.memory_space<vmem>>, vector<16xf32>,
    %swap3A_27 = arith.constant 48 : index
    %swap3A_28 = tpu.vector_load %arg15[%swap3A_27] {strides = array<i32>} : memref<112xf32, #tpu.memory_space<vmem>>, vector<16xf32>,
    tpu.vector_store %arg15[%swap3A_27], %broadcast_in_dim3A_7 {strides = array<i32>} : memref<112xf32, #tpu.memory_space<vmem>>, vector<16xf32>,
    %swap3A_29 = arith.constant 64 : index
    %swap3A_30 = tpu.vector_load %arg15[%swap3A_29] {strides = array<i32>} : memref<112xf32, #tpu.memory_space<vmem>>, vector<16xf32>,
    tpu.vector_store %arg15[%swap3A_29], %broadcast_in_dim3A_7 {strides = array<i32>} : memref<112xf32, #tpu.memory_space<vmem>>, vector<16xf32>,
    %swap3A_31 = arith.constant 80 : index
    %swap3A_32 = tpu.vector_load %arg15[%swap3A_31] {strides = array<i32>} : memref<112xf32, #tpu.memory_space<vmem>>, vector<16xf32>,
    tpu.vector_store %arg15[%swap3A_31], %broadcast_in_dim3A_7 {strides = array<i32>} : memref<112xf32, #tpu.memory_space<vmem>>, vector<16xf32>,
    %swap3A_33 = arith.constant 96 : index
    %swap3A_34 = tpu.vector_load %arg15[%swap3A_33] {strides = array<i32>} : memref<112xf32, #tpu.memory_space<vmem>>, vector<16xf32>,
    tpu.vector_store %arg15[%swap3A_33], %broadcast_in_dim3A_7 {strides = array<i32>} : memref<112xf32, #tpu.memory_space<vmem>>, vector<16xf32>,
    %swap3A_35 = arith.constant 0 : index
    %swap3A_36 = tpu.vector_load %arg16[%swap3A_35] {strides = array<i32>} : memref<112xf32, #tpu.memory_space<vmem>>, vector<16xf32>,
    tpu.vector_store %arg16[%swap3A_35], %broadcast_in_dim3A_7 {strides = array<i32>} : memref<112xf32, #tpu.memory_space<vmem>>, vector<16xf32>,
    %swap3A_37 = arith.constant 16 : index
    %swap3A_38 = tpu.vector_load %arg16[%swap3A_37] {strides = array<i32>} : memref<112xf32, #tpu.memory_space<vmem>>, vector<16xf32>,
    tpu.vector_store %arg16[%swap3A_37], %broadcast_in_dim3A_7 {strides = array<i32>} : memref<112xf32, #tpu.memory_space<vmem>>, vector<16xf32>,
    %swap3A_39 = arith.constant 32 : index
    %swap3A_40 = tpu.vector_load %arg16[%swap3A_39] {strides = array<i32>} : memref<112xf32, #tpu.memory_space<vmem>>, vector<16xf32>,
    tpu.vector_store %arg16[%swap3A_39], %broadcast_in_dim3A_7 {strides = array<i32>} : memref<112xf32, #tpu.memory_space<vmem>>, vector<16xf32>,
    %swap3A_41 = arith.constant 48 : index
    %swap3A_42 = tpu.vector_load %arg16[%swap3A_41] {strides = array<i32>} : memref<112xf32, #tpu.memory_space<vmem>>, vector<16xf32>,
    tpu.vector_store %arg16[%swap3A_41], %broadcast_in_dim3A_7 {strides = array<i32>} : memref<112xf32, #tpu.memory_space<vmem>>, vector<16xf32>,
    %swap3A_43 = arith.constant 64 : index
    %swap3A_44 = tpu.vector_load %arg16[%swap3A_43] {strides = array<i32>} : memref<112xf32, #tpu.memory_space<vmem>>, vector<16xf32>,
    tpu.vector_store %arg16[%swap3A_43], %broadcast_in_dim3A_7 {strides = array<i32>} : memref<112xf32, #tpu.memory_space<vmem>>, vector<16xf32>,
    %swap3A_45 = arith.constant 80 : index
    %swap3A_46 = tpu.vector_load %arg16[%swap3A_45] {strides = array<i32>} : memref<112xf32, #tpu.memory_space<vmem>>, vector<16xf32>,
    tpu.vector_store %arg16[%swap3A_45], %broadcast_in_dim3A_7 {strides = array<i32>} : memref<112xf32, #tpu.memory_space<vmem>>, vector<16xf32>,
    %swap3A_47 = arith.constant 96 : index
    %swap3A_48 = tpu.vector_load %arg16[%swap3A_47] {strides = array<i32>} : memref<112xf32, #tpu.memory_space<vmem>>, vector<16xf32>,
    tpu.vector_store %arg16[%swap3A_47], %broadcast_in_dim3A_7 {strides = array<i32>} : memref<112xf32, #tpu.memory_space<vmem>>, vector<16xf32>,
    %swap3A_49 = arith.constant 0 : index
    %swap3A_50 = tpu.vector_load %arg17[%swap3A_49] {strides = array<i32>} : memref<112xf32, #tpu.memory_space<vmem>>, vector<16xf32>,
    tpu.vector_store %arg17[%swap3A_49], %broadcast_in_dim3A_7 {strides = array<i32>} : memref<112xf32, #tpu.memory_space<vmem>>, vector<16xf32>,
    %swap3A_51 = arith.constant 16 : index
    %swap3A_52 = tpu.vector_load %arg17[%swap3A_51] {strides = array<i32>} : memref<112xf32, #tpu.memory_space<vmem>>, vector<16xf32>,
    tpu.vector_store %arg17[%swap3A_51], %broadcast_in_dim3A_7 {strides = array<i32>} : memref<112xf32, #tpu.memory_space<vmem>>, vector<16xf32>,
    %swap3A_53 = arith.constant 32 : index
    %swap3A_54 = tpu.vector_load %arg17[%swap3A_53] {strides = array<i32>} : memref<112xf32, #tpu.memory_space<vmem>>, vector<16xf32>,
    tpu.vector_store %arg17[%swap3A_53], %broadcast_in_dim3A_7 {strides = array<i32>} : memref<112xf32, #tpu.memory_space<vmem>>, vector<16xf32>,
    %swap3A_55 = arith.constant 48 : index
    %swap3A_56 = tpu.vector_load %arg17[%swap3A_55] {strides = array<i32>} : memref<112xf32, #tpu.memory_space<vmem>>, vector<16xf32>,
    tpu.vector_store %arg17[%swap3A_55], %broadcast_in_dim3A_7 {strides = array<i32>} : memref<112xf32, #tpu.memory_space<vmem>>, vector<16xf32>,
    %swap3A_57 = arith.constant 64 : index
    %swap3A_58 = tpu.vector_load %arg17[%swap3A_57] {strides = array<i32>} : memref<112xf32, #tpu.memory_space<vmem>>, vector<16xf32>,
    tpu.vector_store %arg17[%swap3A_57], %broadcast_in_dim3A_7 {strides = array<i32>} : memref<112xf32, #tpu.memory_space<vmem>>, vector<16xf32>,
    %swap3A_59 = arith.constant 80 : index
    %swap3A_60 = tpu.vector_load %arg17[%swap3A_59] {strides = array<i32>} : memref<112xf32, #tpu.memory_space<vmem>>, vector<16xf32>,
    tpu.vector_store %arg17[%swap3A_59], %broadcast_in_dim3A_7 {strides = array<i32>} : memref<112xf32, #tpu.memory_space<vmem>>, vector<16xf32>,
    %swap3A_61 = arith.constant 96 : index
    %swap3A_62 = tpu.vector_load %arg17[%swap3A_61] {strides = array<i32>} : memref<112xf32, #tpu.memory_space<vmem>>, vector<16xf32>,
    tpu.vector_store %arg17[%swap3A_61], %broadcast_in_dim3A_7 {strides = array<i32>} : memref<112xf32, #tpu.memory_space<vmem>>, vector<16xf32>,
    %get3A_63 = arith.constant 0 : i32
    %get3A_64 = arith.index_cast %get3A_63 : i32 to index
    %get3A_65 = arith.constant 84 : index
    %get3A_66 = tpu.vector_load %arg7[%get3A_64, %get3A_65] {strides = array<i32>} : memref<128x100xi32, #tpu.memory_space<vmem>>, vector<16xi32>,
    %get3A_67 = arith.constant 0 : i32
    %get3A_68 = arith.index_cast %get3A_67 : i32 to index
    %get3A_69 = arith.constant 0 : index
    %get3A_70 = tpu.vector_load %arg7[%get3A_68, %get3A_69] {strides = array<i32>} : memref<128x100xi32, #tpu.memory_space<vmem>>, vector<16xi32>,
    %add3A_71 = arith.constant 0 : i32
    %add3A_72 = vector.broadcast %add3A_71 : i32 to vector<16xi32>
    %add3A_73 = arith.addi %add3A_72, %mul3A_6 : vector<16xi32>
    %add3A_74 = arith.addi %get3A_70, %add3A_73 : vector<16xi32>
    %swap3A_75 = arith.constant 0 : i32
    %swap3A_76 = arith.index_cast %swap3A_75 : i32 to index
    %swap3A_77 = arith.constant 0 : index
    %swap3A_78 = tpu.vector_load %arg7[%swap3A_76, %swap3A_77] {strides = array<i32>} : memref<128x100xi32, #tpu.memory_space<vmem>>, vector<16xi32>,
    tpu.vector_store %arg7[%swap3A_76, %swap3A_77], %add3A_74 {strides = array<i32>} : memref<128x100xi32, #tpu.memory_space<vmem>>, vector<16xi32>,
    %get3A_79 = arith.constant 0 : i32
    %get3A_80 = arith.index_cast %get3A_79 : i32 to index
    %get3A_81 = arith.constant 16 : index
    %get3A_82 = tpu.vector_load %arg7[%get3A_80, %get3A_81] {strides = array<i32>} : memref<128x100xi32, #tpu.memory_space<vmem>>, vector<16xi32>,
    %add3A_83 = arith.constant 16000 : i32
    %add3A_84 = vector.broadcast %add3A_83 : i32 to vector<16xi32>
    %add3A_85 = arith.addi %add3A_84, %mul3A_6 : vector<16xi32>
    %add3A_86 = arith.addi %get3A_82, %add3A_85 : vector<16xi32>
    %swap3A_87 = arith.constant 0 : i32
    %swap3A_88 = arith.index_cast %swap3A_87 : i32 to index
    %swap3A_89 = arith.constant 16 : index
    %swap3A_90 = tpu.vector_load %arg7[%swap3A_88, %swap3A_89] {strides = array<i32>} : memref<128x100xi32, #tpu.memory_space<vmem>>, vector<16xi32>,
    tpu.vector_store %arg7[%swap3A_88, %swap3A_89], %add3A_86 {strides = array<i32>} : memref<128x100xi32, #tpu.memory_space<vmem>>, vector<16xi32>,
    %get3A_91 = arith.constant 0 : i32
    %get3A_92 = arith.index_cast %get3A_91 : i32 to index
    %get3A_93 = arith.constant 32 : index
    %get3A_94 = tpu.vector_load %arg7[%get3A_92, %get3A_93] {strides = array<i32>} : memref<128x100xi32, #tpu.memory_space<vmem>>, vector<16xi32>,
    %add3A_95 = arith.constant 32000 : i32
    %add3A_96 = vector.broadcast %add3A_95 : i32 to vector<16xi32>
    %add3A_97 = arith.addi %add3A_96, %mul3A_6 : vector<16xi32>
    %add3A_98 = arith.addi %get3A_94, %add3A_97 : vector<16xi32>
    %swap3A_99 = arith.constant 0 : i32
    %swap3A_100 = arith.index_cast %swap3A_99 : i32 to index
    %swap3A_101 = arith.constant 32 : index
    %swap3A_102 = tpu.vector_load %arg7[%swap3A_100, %swap3A_101] {strides = array<i32>} : memref<128x100xi32, #tpu.memory_space<vmem>>, vector<16xi32>,
    tpu.vector_store %arg7[%swap3A_100, %swap3A_101], %add3A_98 {strides = array<i32>} : memref<128x100xi32, #tpu.memory_space<vmem>>, vector<16xi32>,
    %get3A_103 = arith.constant 0 : i32
    %get3A_104 = arith.index_cast %get3A_103 : i32 to index
    %get3A_105 = arith.constant 48 : index
    %get3A_106 = tpu.vector_load %arg7[%get3A_104, %get3A_105] {strides = array<i32>} : memref<128x100xi32, #tpu.memory_space<vmem>>, vector<16xi32>,
    %add3A_107 = arith.constant 48000 : i32
    %add3A_108 = vector.broadcast %add3A_107 : i32 to vector<16xi32>
    %add3A_109 = arith.addi %add3A_108, %mul3A_6 : vector<16xi32>
    %add3A_110 = arith.addi %get3A_106, %add3A_109 : vector<16xi32>
    %swap3A_111 = arith.constant 0 : i32
    %swap3A_112 = arith.index_cast %swap3A_111 : i32 to index
    %swap3A_113 = arith.constant 48 : index
    %swap3A_114 = tpu.vector_load %arg7[%swap3A_112, %swap3A_113] {strides = array<i32>} : memref<128x100xi32, #tpu.memory_space<vmem>>, vector<16xi32>,
    tpu.vector_store %arg7[%swap3A_112, %swap3A_113], %add3A_110 {strides = array<i32>} : memref<128x100xi32, #tpu.memory_space<vmem>>, vector<16xi32>,
    %get3A_115 = arith.constant 0 : i32
    %get3A_116 = arith.index_cast %get3A_115 : i32 to index
    %get3A_117 = arith.constant 64 : index
    %get3A_118 = tpu.vector_load %arg7[%get3A_116, %get3A_117] {strides = array<i32>} : memref<128x100xi32, #tpu.memory_space<vmem>>, vector<16xi32>,
    %add3A_119 = arith.constant 64000 : i32
    %add3A_120 = vector.broadcast %add3A_119 : i32 to vector<16xi32>
    %add3A_121 = arith.addi %add3A_120, %mul3A_6 : vector<16xi32>
    %add3A_122 = arith.addi %get3A_118, %add3A_121 : vector<16xi32>
    %swap3A_123 = arith.constant 0 : i32
    %swap3A_124 = arith.index_cast %swap3A_123 : i32 to index
    %swap3A_125 = arith.constant 64 : index
    %swap3A_126 = tpu.vector_load %arg7[%swap3A_124, %swap3A_125] {strides = array<i32>} : memref<128x100xi32, #tpu.memory_space<vmem>>, vector<16xi32>,
    tpu.vector_store %arg7[%swap3A_124, %swap3A_125], %add3A_122 {strides = array<i32>} : memref<128x100xi32, #tpu.memory_space<vmem>>, vector<16xi32>,
    %get3A_127 = arith.constant 0 : i32
    %get3A_128 = arith.index_cast %get3A_127 : i32 to index
    %get3A_129 = arith.constant 80 : index
    %get3A_130 = tpu.vector_load %arg7[%get3A_128, %get3A_129] {strides = array<i32>} : memref<128x100xi32, #tpu.memory_space<vmem>>, vector<16xi32>,
    %add3A_131 = arith.constant 80000 : i32
    %add3A_132 = vector.broadcast %add3A_131 : i32 to vector<16xi32>
    %add3A_133 = arith.addi %add3A_132, %mul3A_6 : vector<16xi32>
    %add3A_134 = arith.addi %get3A_130, %add3A_133 : vector<16xi32>
    %swap3A_135 = arith.constant 0 : i32
    %swap3A_136 = arith.index_cast %swap3A_135 : i32 to index
    %swap3A_137 = arith.constant 80 : index
    %swap3A_138 = tpu.vector_load %arg7[%swap3A_136, %swap3A_137] {strides = array<i32>} : memref<128x100xi32, #tpu.memory_space<vmem>>, vector<16xi32>,
    tpu.vector_store %arg7[%swap3A_136, %swap3A_137], %add3A_134 {strides = array<i32>} : memref<128x100xi32, #tpu.memory_space<vmem>>, vector<16xi32>,
    %add3A_139 = arith.constant 84000 : i32
    %add3A_140 = vector.broadcast %add3A_139 : i32 to vector<16xi32>
    %add3A_141 = arith.addi %add3A_140, %mul3A_6 : vector<16xi32>
    %add3A_142 = arith.addi %get3A_66, %add3A_141 : vector<16xi32>
    %swap3A_143 = arith.constant 0 : i32
    %swap3A_144 = arith.index_cast %swap3A_143 : i32 to index
    %swap3A_145 = arith.constant 84 : index
    %swap3A_146 = tpu.vector_load %arg7[%swap3A_144, %swap3A_145] {strides = array<i32>} : memref<128x100xi32, #tpu.memory_space<vmem>>, vector<16xi32>,
    tpu.vector_store %arg7[%swap3A_144, %swap3A_145], %add3A_142 {strides = array<i32>} : memref<128x100xi32, #tpu.memory_space<vmem>>, vector<16xi32>,
    %dma_start3A = arith.constant 0 : i32
    %dma_start3A_147 = arith.constant 0 : i32
    %dma_start3A_148 = tpu.memref_slice %arg7[%dma_start3A, %dma_start3A_147] : memref<128x100xi32, #tpu.memory_space<vmem>> -> memref<1x100xi32, #tpu.memory_space<vmem>>
    %dma_start3A_149 = tpu.memref_squeeze %dma_start3A_148 : memref<1x100xi32, #tpu.memory_space<vmem>> -> memref<100xi32, #tpu.memory_space<vmem>>
    %dma_start3A_150 = arith.constant 0 : i32
    %dma_start3A_151 = arith.constant 0 : i32
    %dma_start3A_152 = tpu.memref_slice %arg5[%dma_start3A_150, %dma_start3A_151] : memref<100000x128xf32, #tpu.memory_space<hbm>> -> memref<100000x128xf32, #tpu.memory_space<hbm>>
    tpu.enqueue_indirect_dma source(%dma_start3A_152 : memref<100000x128xf32, #tpu.memory_space<hbm>>) target(%arg10 : memref<100x128xf32, #tpu.memory_space<vmem>>) offsets(%dma_start3A_149 : memref<100xi32, #tpu.memory_space<vmem>>) semaphore(%arg18 : memref<!tpu.dma_semaphore, #tpu.memory_space<semaphore_mem>>)
    %dma_start3A_153 = arith.constant 0 : i32
    %dma_start3A_154 = arith.constant 0 : i32
    %dma_start3A_155 = tpu.memref_slice %arg14[%dma_start3A_154] : memref<112xf32, #tpu.memory_space<vmem>> -> memref<100xf32, #tpu.memory_space<vmem>>
    %dma_start3A_156 = arith.constant 0 : i32
    %dma_start3A_157 = tpu.memref_slice %arg7[%dma_start3A_153, %dma_start3A_156] : memref<128x100xi32, #tpu.memory_space<vmem>> -> memref<1x100xi32, #tpu.memory_space<vmem>>
    %dma_start3A_158 = tpu.memref_squeeze %dma_start3A_157 : memref<1x100xi32, #tpu.memory_space<vmem>> -> memref<100xi32, #tpu.memory_space<vmem>>
    %dma_start3A_159 = arith.constant 0 : i32
    %dma_start3A_160 = tpu.memref_slice %arg3[%dma_start3A_159] : memref<100000xf32, #tpu.memory_space<hbm>> -> memref<100000xf32, #tpu.memory_space<hbm>>
    tpu.enqueue_indirect_dma source(%dma_start3A_160 : memref<100000xf32, #tpu.memory_space<hbm>>) target(%dma_start3A_155 : memref<100xf32, #tpu.memory_space<vmem>>) offsets(%dma_start3A_158 : memref<100xi32, #tpu.memory_space<vmem>>) semaphore(%arg22 : memref<!tpu.dma_semaphore, #tpu.memory_space<semaphore_mem>>)
    %get3A_161 = arith.constant 1 : i32
    %get3A_162 = arith.index_cast %get3A_161 : i32 to index
    %get3A_163 = arith.constant 84 : index
    %get3A_164 = tpu.vector_load %arg7[%get3A_162, %get3A_163] {strides = array<i32>} : memref<128x100xi32, #tpu.memory_space<vmem>>, vector<16xi32>,
    %get3A_165 = arith.constant 1 : i32
    %get3A_166 = arith.index_cast %get3A_165 : i32 to index
    %get3A_167 = arith.constant 0 : index
    %get3A_168 = tpu.vector_load %arg7[%get3A_166, %get3A_167] {strides = array<i32>} : memref<128x100xi32, #tpu.memory_space<vmem>>, vector<16xi32>,
    %add3A_169 = arith.constant 0 : i32
    %add3A_170 = vector.broadcast %add3A_169 : i32 to vector<16xi32>
    %add3A_171 = arith.addi %add3A_170, %mul3A_6 : vector<16xi32>
    %add3A_172 = arith.addi %get3A_168, %add3A_171 : vector<16xi32>
    %swap3A_173 = arith.constant 1 : i32
    %swap3A_174 = arith.index_cast %swap3A_173 : i32 to index
    %swap3A_175 = arith.constant 0 : index
    %swap3A_176 = tpu.vector_load %arg7[%swap3A_174, %swap3A_175] {strides = array<i32>} : memref<128x100xi32, #tpu.memory_space<vmem>>, vector<16xi32>,
    tpu.vector_store %arg7[%swap3A_174, %swap3A_175], %add3A_172 {strides = array<i32>} : memref<128x100xi32, #tpu.memory_space<vmem>>, vector<16xi32>,
    %get3A_177 = arith.constant 1 : i32
    %get3A_178 = arith.index_cast %get3A_177 : i32 to index
    %get3A_179 = arith.constant 16 : index
    %get3A_180 = tpu.vector_load %arg7[%get3A_178, %get3A_179] {strides = array<i32>} : memref<128x100xi32, #tpu.memory_space<vmem>>, vector<16xi32>,
    %add3A_181 = arith.constant 16000 : i32
    %add3A_182 = vector.broadcast %add3A_181 : i32 to vector<16xi32>
    %add3A_183 = arith.addi %add3A_182, %mul3A_6 : vector<16xi32>
    %add3A_184 = arith.addi %get3A_180, %add3A_183 : vector<16xi32>
    %swap3A_185 = arith.constant 1 : i32
    %swap3A_186 = arith.index_cast %swap3A_185 : i32 to index
    %swap3A_187 = arith.constant 16 : index
    %swap3A_188 = tpu.vector_load %arg7[%swap3A_186, %swap3A_187] {strides = array<i32>} : memref<128x100xi32, #tpu.memory_space<vmem>>, vector<16xi32>,
    tpu.vector_store %arg7[%swap3A_186, %swap3A_187], %add3A_184 {strides = array<i32>} : memref<128x100xi32, #tpu.memory_space<vmem>>, vector<16xi32>,
    %get3A_189 = arith.constant 1 : i32
    %get3A_190 = arith.index_cast %get3A_189 : i32 to index
    %get3A_191 = arith.constant 32 : index
    %get3A_192 = tpu.vector_load %arg7[%get3A_190, %get3A_191] {strides = array<i32>} : memref<128x100xi32, #tpu.memory_space<vmem>>, vector<16xi32>,
    %add3A_193 = arith.constant 32000 : i32
    %add3A_194 = vector.broadcast %add3A_193 : i32 to vector<16xi32>
    %add3A_195 = arith.addi %add3A_194, %mul3A_6 : vector<16xi32>
    %add3A_196 = arith.addi %get3A_192, %add3A_195 : vector<16xi32>
    %swap3A_197 = arith.constant 1 : i32
    %swap3A_198 = arith.index_cast %swap3A_197 : i32 to index
    %swap3A_199 = arith.constant 32 : index
    %swap3A_200 = tpu.vector_load %arg7[%swap3A_198, %swap3A_199] {strides = array<i32>} : memref<128x100xi32, #tpu.memory_space<vmem>>, vector<16xi32>,
    tpu.vector_store %arg7[%swap3A_198, %swap3A_199], %add3A_196 {strides = array<i32>} : memref<128x100xi32, #tpu.memory_space<vmem>>, vector<16xi32>,
    %get3A_201 = arith.constant 1 : i32
    %get3A_202 = arith.index_cast %get3A_201 : i32 to index
    %get3A_203 = arith.constant 48 : index
    %get3A_204 = tpu.vector_load %arg7[%get3A_202, %get3A_203] {strides = array<i32>} : memref<128x100xi32, #tpu.memory_space<vmem>>, vector<16xi32>,
    %add3A_205 = arith.constant 48000 : i32
    %add3A_206 = vector.broadcast %add3A_205 : i32 to vector<16xi32>
    %add3A_207 = arith.addi %add3A_206, %mul3A_6 : vector<16xi32>
    %add3A_208 = arith.addi %get3A_204, %add3A_207 : vector<16xi32>
    %swap3A_209 = arith.constant 1 : i32
    %swap3A_210 = arith.index_cast %swap3A_209 : i32 to index
    %swap3A_211 = arith.constant 48 : index
    %swap3A_212 = tpu.vector_load %arg7[%swap3A_210, %swap3A_211] {strides = array<i32>} : memref<128x100xi32, #tpu.memory_space<vmem>>, vector<16xi32>,
    tpu.vector_store %arg7[%swap3A_210, %swap3A_211], %add3A_208 {strides = array<i32>} : memref<128x100xi32, #tpu.memory_space<vmem>>, vector<16xi32>,
    %get3A_213 = arith.constant 1 : i32
    %get3A_214 = arith.index_cast %get3A_213 : i32 to index
    %get3A_215 = arith.constant 64 : index
    %get3A_216 = tpu.vector_load %arg7[%get3A_214, %get3A_215] {strides = array<i32>} : memref<128x100xi32, #tpu.memory_space<vmem>>, vector<16xi32>,
    %add3A_217 = arith.constant 64000 : i32
    %add3A_218 = vector.broadcast %add3A_217 : i32 to vector<16xi32>
    %add3A_219 = arith.addi %add3A_218, %mul3A_6 : vector<16xi32>
    %add3A_220 = arith.addi %get3A_216, %add3A_219 : vector<16xi32>
    %swap3A_221 = arith.constant 1 : i32
    %swap3A_222 = arith.index_cast %swap3A_221 : i32 to index
    %swap3A_223 = arith.constant 64 : index
    %swap3A_224 = tpu.vector_load %arg7[%swap3A_222, %swap3A_223] {strides = array<i32>} : memref<128x100xi32, #tpu.memory_space<vmem>>, vector<16xi32>,
    tpu.vector_store %arg7[%swap3A_222, %swap3A_223], %add3A_220 {strides = array<i32>} : memref<128x100xi32, #tpu.memory_space<vmem>>, vector<16xi32>,
    %get3A_225 = arith.constant 1 : i32
    %get3A_226 = arith.index_cast %get3A_225 : i32 to index
    %get3A_227 = arith.constant 80 : index
    %get3A_228 = tpu.vector_load %arg7[%get3A_226, %get3A_227] {strides = array<i32>} : memref<128x100xi32, #tpu.memory_space<vmem>>, vector<16xi32>,
    %add3A_229 = arith.constant 80000 : i32
    %add3A_230 = vector.broadcast %add3A_229 : i32 to vector<16xi32>
    %add3A_231 = arith.addi %add3A_230, %mul3A_6 : vector<16xi32>
    %add3A_232 = arith.addi %get3A_228, %add3A_231 : vector<16xi32>
    %swap3A_233 = arith.constant 1 : i32
    %swap3A_234 = arith.index_cast %swap3A_233 : i32 to index
    %swap3A_235 = arith.constant 80 : index
    %swap3A_236 = tpu.vector_load %arg7[%swap3A_234, %swap3A_235] {strides = array<i32>} : memref<128x100xi32, #tpu.memory_space<vmem>>, vector<16xi32>,
    tpu.vector_store %arg7[%swap3A_234, %swap3A_235], %add3A_232 {strides = array<i32>} : memref<128x100xi32, #tpu.memory_space<vmem>>, vector<16xi32>,
    %add3A_237 = arith.constant 84000 : i32
    %add3A_238 = vector.broadcast %add3A_237 : i32 to vector<16xi32>
    %add3A_239 = arith.addi %add3A_238, %mul3A_6 : vector<16xi32>
    %add3A_240 = arith.addi %get3A_164, %add3A_239 : vector<16xi32>
    %swap3A_241 = arith.constant 1 : i32
    %swap3A_242 = arith.index_cast %swap3A_241 : i32 to index
    %swap3A_243 = arith.constant 84 : index
    %swap3A_244 = tpu.vector_load %arg7[%swap3A_242, %swap3A_243] {strides = array<i32>} : memref<128x100xi32, #tpu.memory_space<vmem>>, vector<16xi32>,
    tpu.vector_store %arg7[%swap3A_242, %swap3A_243], %add3A_240 {strides = array<i32>} : memref<128x100xi32, #tpu.memory_space<vmem>>, vector<16xi32>,
    %dma_start3A_245 = arith.constant 1 : i32
    %dma_start3A_246 = arith.constant 0 : i32
    %dma_start3A_247 = tpu.memref_slice %arg7[%dma_start3A_245, %dma_start3A_246] : memref<128x100xi32, #tpu.memory_space<vmem>> -> memref<1x100xi32, #tpu.memory_space<vmem>>
    %dma_start3A_248 = tpu.memref_squeeze %dma_start3A_247 : memref<1x100xi32, #tpu.memory_space<vmem>> -> memref<100xi32, #tpu.memory_space<vmem>>
    %dma_start3A_249 = arith.constant 0 : i32
    %dma_start3A_250 = arith.constant 0 : i32
    %dma_start3A_251 = tpu.memref_slice %arg5[%dma_start3A_249, %dma_start3A_250] : memref<100000x128xf32, #tpu.memory_space<hbm>> -> memref<100000x128xf32, #tpu.memory_space<hbm>>
    tpu.enqueue_indirect_dma source(%dma_start3A_251 : memref<100000x128xf32, #tpu.memory_space<hbm>>) target(%arg11 : memref<100x128xf32, #tpu.memory_space<vmem>>) offsets(%dma_start3A_248 : memref<100xi32, #tpu.memory_space<vmem>>) semaphore(%arg19 : memref<!tpu.dma_semaphore, #tpu.memory_space<semaphore_mem>>)
    %dma_start3A_252 = arith.constant 1 : i32
    %dma_start3A_253 = arith.constant 0 : i32
    %dma_start3A_254 = tpu.memref_slice %arg15[%dma_start3A_253] : memref<112xf32, #tpu.memory_space<vmem>> -> memref<100xf32, #tpu.memory_space<vmem>>
    %dma_start3A_255 = arith.constant 0 : i32
    %dma_start3A_256 = tpu.memref_slice %arg7[%dma_start3A_252, %dma_start3A_255] : memref<128x100xi32, #tpu.memory_space<vmem>> -> memref<1x100xi32, #tpu.memory_space<vmem>>
    %dma_start3A_257 = tpu.memref_squeeze %dma_start3A_256 : memref<1x100xi32, #tpu.memory_space<vmem>> -> memref<100xi32, #tpu.memory_space<vmem>>
    %dma_start3A_258 = arith.constant 0 : i32
    %dma_start3A_259 = tpu.memref_slice %arg3[%dma_start3A_258] : memref<100000xf32, #tpu.memory_space<hbm>> -> memref<100000xf32, #tpu.memory_space<hbm>>
    tpu.enqueue_indirect_dma source(%dma_start3A_259 : memref<100000xf32, #tpu.memory_space<hbm>>) target(%dma_start3A_254 : memref<100xf32, #tpu.memory_space<vmem>>) offsets(%dma_start3A_257 : memref<100xi32, #tpu.memory_space<vmem>>) semaphore(%arg23 : memref<!tpu.dma_semaphore, #tpu.memory_space<semaphore_mem>>)
    %get3A_260 = arith.constant 2 : i32
    %get3A_261 = arith.index_cast %get3A_260 : i32 to index
    %get3A_262 = arith.constant 84 : index
    %get3A_263 = tpu.vector_load %arg7[%get3A_261, %get3A_262] {strides = array<i32>} : memref<128x100xi32, #tpu.memory_space<vmem>>, vector<16xi32>,
    %get3A_264 = arith.constant 2 : i32
    %get3A_265 = arith.index_cast %get3A_264 : i32 to index
    %get3A_266 = arith.constant 0 : index
    %get3A_267 = tpu.vector_load %arg7[%get3A_265, %get3A_266] {strides = array<i32>} : memref<128x100xi32, #tpu.memory_space<vmem>>, vector<16xi32>,
    %add3A_268 = arith.constant 0 : i32
    %add3A_269 = vector.broadcast %add3A_268 : i32 to vector<16xi32>
    %add3A_270 = arith.addi %add3A_269, %mul3A_6 : vector<16xi32>
    %add3A_271 = arith.addi %get3A_267, %add3A_270 : vector<16xi32>
    %swap3A_272 = arith.constant 2 : i32
    %swap3A_273 = arith.index_cast %swap3A_272 : i32 to index
    %swap3A_274 = arith.constant 0 : index
    %swap3A_275 = tpu.vector_load %arg7[%swap3A_273, %swap3A_274] {strides = array<i32>} : memref<128x100xi32, #tpu.memory_space<vmem>>, vector<16xi32>,
    tpu.vector_store %arg7[%swap3A_273, %swap3A_274], %add3A_271 {strides = array<i32>} : memref<128x100xi32, #tpu.memory_space<vmem>>, vector<16xi32>,
    %get3A_276 = arith.constant 2 : i32
    %get3A_277 = arith.index_cast %get3A_276 : i32 to index
    %get3A_278 = arith.constant 16 : index
    %get3A_279 = tpu.vector_load %arg7[%get3A_277, %get3A_278] {strides = array<i32>} : memref<128x100xi32, #tpu.memory_space<vmem>>, vector<16xi32>,
    %add3A_280 = arith.constant 16000 : i32
    %add3A_281 = vector.broadcast %add3A_280 : i32 to vector<16xi32>
    %add3A_282 = arith.addi %add3A_281, %mul3A_6 : vector<16xi32>
    %add3A_283 = arith.addi %get3A_279, %add3A_282 : vector<16xi32>
    %swap3A_284 = arith.constant 2 : i32
    %swap3A_285 = arith.index_cast %swap3A_284 : i32 to index
    %swap3A_286 = arith.constant 16 : index
    %swap3A_287 = tpu.vector_load %arg7[%swap3A_285, %swap3A_286] {strides = array<i32>} : memref<128x100xi32, #tpu.memory_space<vmem>>, vector<16xi32>,
    tpu.vector_store %arg7[%swap3A_285, %swap3A_286], %add3A_283 {strides = array<i32>} : memref<128x100xi32, #tpu.memory_space<vmem>>, vector<16xi32>,
    %get3A_288 = arith.constant 2 : i32
    %get3A_289 = arith.index_cast %get3A_288 : i32 to index
    %get3A_290 = arith.constant 32 : index
    %get3A_291 = tpu.vector_load %arg7[%get3A_289, %get3A_290] {strides = array<i32>} : memref<128x100xi32, #tpu.memory_space<vmem>>, vector<16xi32>,
    %add3A_292 = arith.constant 32000 : i32
    %add3A_293 = vector.broadcast %add3A_292 : i32 to vector<16xi32>
    %add3A_294 = arith.addi %add3A_293, %mul3A_6 : vector<16xi32>
    %add3A_295 = arith.addi %get3A_291, %add3A_294 : vector<16xi32>
    %swap3A_296 = arith.constant 2 : i32
    %swap3A_297 = arith.index_cast %swap3A_296 : i32 to index
    %swap3A_298 = arith.constant 32 : index
    %swap3A_299 = tpu.vector_load %arg7[%swap3A_297, %swap3A_298] {strides = array<i32>} : memref<128x100xi32, #tpu.memory_space<vmem>>, vector<16xi32>,
    tpu.vector_store %arg7[%swap3A_297, %swap3A_298], %add3A_295 {strides = array<i32>} : memref<128x100xi32, #tpu.memory_space<vmem>>, vector<16xi32>,
    %get3A_300 = arith.constant 2 : i32
    %get3A_301 = arith.index_cast %get3A_300 : i32 to index
    %get3A_302 = arith.constant 48 : index
    %get3A_303 = tpu.vector_load %arg7[%get3A_301, %get3A_302] {strides = array<i32>} : memref<128x100xi32, #tpu.memory_space<vmem>>, vector<16xi32>,
    %add3A_304 = arith.constant 48000 : i32
    %add3A_305 = vector.broadcast %add3A_304 : i32 to vector<16xi32>
    %add3A_306 = arith.addi %add3A_305, %mul3A_6 : vector<16xi32>
    %add3A_307 = arith.addi %get3A_303, %add3A_306 : vector<16xi32>
    %swap3A_308 = arith.constant 2 : i32
    %swap3A_309 = arith.index_cast %swap3A_308 : i32 to index
    %swap3A_310 = arith.constant 48 : index
    %swap3A_311 = tpu.vector_load %arg7[%swap3A_309, %swap3A_310] {strides = array<i32>} : memref<128x100xi32, #tpu.memory_space<vmem>>, vector<16xi32>,
    tpu.vector_store %arg7[%swap3A_309, %swap3A_310], %add3A_307 {strides = array<i32>} : memref<128x100xi32, #tpu.memory_space<vmem>>, vector<16xi32>,
    %get3A_312 = arith.constant 2 : i32
    %get3A_313 = arith.index_cast %get3A_312 : i32 to index
    %get3A_314 = arith.constant 64 : index
    %get3A_315 = tpu.vector_load %arg7[%get3A_313, %get3A_314] {strides = array<i32>} : memref<128x100xi32, #tpu.memory_space<vmem>>, vector<16xi32>,
    %add3A_316 = arith.constant 64000 : i32
    %add3A_317 = vector.broadcast %add3A_316 : i32 to vector<16xi32>
    %add3A_318 = arith.addi %add3A_317, %mul3A_6 : vector<16xi32>
    %add3A_319 = arith.addi %get3A_315, %add3A_318 : vector<16xi32>
    %swap3A_320 = arith.constant 2 : i32
    %swap3A_321 = arith.index_cast %swap3A_320 : i32 to index
    %swap3A_322 = arith.constant 64 : index
    %swap3A_323 = tpu.vector_load %arg7[%swap3A_321, %swap3A_322] {strides = array<i32>} : memref<128x100xi32, #tpu.memory_space<vmem>>, vector<16xi32>,
    tpu.vector_store %arg7[%swap3A_321, %swap3A_322], %add3A_319 {strides = array<i32>} : memref<128x100xi32, #tpu.memory_space<vmem>>, vector<16xi32>,
    %get3A_324 = arith.constant 2 : i32
    %get3A_325 = arith.index_cast %get3A_324 : i32 to index
    %get3A_326 = arith.constant 80 : index
    %get3A_327 = tpu.vector_load %arg7[%get3A_325, %get3A_326] {strides = array<i32>} : memref<128x100xi32, #tpu.memory_space<vmem>>, vector<16xi32>,
    %add3A_328 = arith.constant 80000 : i32
    %add3A_329 = vector.broadcast %add3A_328 : i32 to vector<16xi32>
    %add3A_330 = arith.addi %add3A_329, %mul3A_6 : vector<16xi32>
    %add3A_331 = arith.addi %get3A_327, %add3A_330 : vector<16xi32>
    %swap3A_332 = arith.constant 2 : i32
    %swap3A_333 = arith.index_cast %swap3A_332 : i32 to index
    %swap3A_334 = arith.constant 80 : index
    %swap3A_335 = tpu.vector_load %arg7[%swap3A_333, %swap3A_334] {strides = array<i32>} : memref<128x100xi32, #tpu.memory_space<vmem>>, vector<16xi32>,
    tpu.vector_store %arg7[%swap3A_333, %swap3A_334], %add3A_331 {strides = array<i32>} : memref<128x100xi32, #tpu.memory_space<vmem>>, vector<16xi32>,
    %add3A_336 = arith.constant 84000 : i32
    %add3A_337 = vector.broadcast %add3A_336 : i32 to vector<16xi32>
    %add3A_338 = arith.addi %add3A_337, %mul3A_6 : vector<16xi32>
    %add3A_339 = arith.addi %get3A_263, %add3A_338 : vector<16xi32>
    %swap3A_340 = arith.constant 2 : i32
    %swap3A_341 = arith.index_cast %swap3A_340 : i32 to index
    %swap3A_342 = arith.constant 84 : index
    %swap3A_343 = tpu.vector_load %arg7[%swap3A_341, %swap3A_342] {strides = array<i32>} : memref<128x100xi32, #tpu.memory_space<vmem>>, vector<16xi32>,
    tpu.vector_store %arg7[%swap3A_341, %swap3A_342], %add3A_339 {strides = array<i32>} : memref<128x100xi32, #tpu.memory_space<vmem>>, vector<16xi32>,
    %dma_start3A_344 = arith.constant 2 : i32
    %dma_start3A_345 = arith.constant 0 : i32
    %dma_start3A_346 = tpu.memref_slice %arg7[%dma_start3A_344, %dma_start3A_345] : memref<128x100xi32, #tpu.memory_space<vmem>> -> memref<1x100xi32, #tpu.memory_space<vmem>>
    %dma_start3A_347 = tpu.memref_squeeze %dma_start3A_346 : memref<1x100xi32, #tpu.memory_space<vmem>> -> memref<100xi32, #tpu.memory_space<vmem>>
    %dma_start3A_348 = arith.constant 0 : i32
    %dma_start3A_349 = arith.constant 0 : i32
    %dma_start3A_350 = tpu.memref_slice %arg5[%dma_start3A_348, %dma_start3A_349] : memref<100000x128xf32, #tpu.memory_space<hbm>> -> memref<100000x128xf32, #tpu.memory_space<hbm>>
    tpu.enqueue_indirect_dma source(%dma_start3A_350 : memref<100000x128xf32, #tpu.memory_space<hbm>>) target(%arg12 : memref<100x128xf32, #tpu.memory_space<vmem>>) offsets(%dma_start3A_347 : memref<100xi32, #tpu.memory_space<vmem>>) semaphore(%arg20 : memref<!tpu.dma_semaphore, #tpu.memory_space<semaphore_mem>>)
    %dma_start3A_351 = arith.constant 2 : i32
    %dma_start3A_352 = arith.constant 0 : i32
    %dma_start3A_353 = tpu.memref_slice %arg16[%dma_start3A_352] : memref<112xf32, #tpu.memory_space<vmem>> -> memref<100xf32, #tpu.memory_space<vmem>>
    %dma_start3A_354 = arith.constant 0 : i32
    %dma_start3A_355 = tpu.memref_slice %arg7[%dma_start3A_351, %dma_start3A_354] : memref<128x100xi32, #tpu.memory_space<vmem>> -> memref<1x100xi32, #tpu.memory_space<vmem>>
    %dma_start3A_356 = tpu.memref_squeeze %dma_start3A_355 : memref<1x100xi32, #tpu.memory_space<vmem>> -> memref<100xi32, #tpu.memory_space<vmem>>
    %dma_start3A_357 = arith.constant 0 : i32
    %dma_start3A_358 = tpu.memref_slice %arg3[%dma_start3A_357] : memref<100000xf32, #tpu.memory_space<hbm>> -> memref<100000xf32, #tpu.memory_space<hbm>>
    tpu.enqueue_indirect_dma source(%dma_start3A_358 : memref<100000xf32, #tpu.memory_space<hbm>>) target(%dma_start3A_353 : memref<100xf32, #tpu.memory_space<vmem>>) offsets(%dma_start3A_356 : memref<100xi32, #tpu.memory_space<vmem>>) semaphore(%arg24 : memref<!tpu.dma_semaphore, #tpu.memory_space<semaphore_mem>>)
    %get3A_359 = arith.constant 3 : i32
    %get3A_360 = arith.index_cast %get3A_359 : i32 to index
    %get3A_361 = arith.constant 84 : index
    %get3A_362 = tpu.vector_load %arg7[%get3A_360, %get3A_361] {strides = array<i32>} : memref<128x100xi32, #tpu.memory_space<vmem>>, vector<16xi32>,
    %get3A_363 = arith.constant 3 : i32
    %get3A_364 = arith.index_cast %get3A_363 : i32 to index
    %get3A_365 = arith.constant 0 : index
    %get3A_366 = tpu.vector_load %arg7[%get3A_364, %get3A_365] {strides = array<i32>} : memref<128x100xi32, #tpu.memory_space<vmem>>, vector<16xi32>,
    %add3A_367 = arith.constant 0 : i32
    %add3A_368 = vector.broadcast %add3A_367 : i32 to vector<16xi32>
    %add3A_369 = arith.addi %add3A_368, %mul3A_6 : vector<16xi32>
    %add3A_370 = arith.addi %get3A_366, %add3A_369 : vector<16xi32>
    %swap3A_371 = arith.constant 3 : i32
    %swap3A_372 = arith.index_cast %swap3A_371 : i32 to index
    %swap3A_373 = arith.constant 0 : index
    %swap3A_374 = tpu.vector_load %arg7[%swap3A_372, %swap3A_373] {strides = array<i32>} : memref<128x100xi32, #tpu.memory_space<vmem>>, vector<16xi32>,
    tpu.vector_store %arg7[%swap3A_372, %swap3A_373], %add3A_370 {strides = array<i32>} : memref<128x100xi32, #tpu.memory_space<vmem>>, vector<16xi32>,
    %get3A_375 = arith.constant 3 : i32
    %get3A_376 = arith.index_cast %get3A_375 : i32 to index
    %get3A_377 = arith.constant 16 : index
    %get3A_378 = tpu.vector_load %arg7[%get3A_376, %get3A_377] {strides = array<i32>} : memref<128x100xi32, #tpu.memory_space<vmem>>, vector<16xi32>,
    %add3A_379 = arith.constant 16000 : i32
    %add3A_380 = vector.broadcast %add3A_379 : i32 to vector<16xi32>
    %add3A_381 = arith.addi %add3A_380, %mul3A_6 : vector<16xi32>
    %add3A_382 = arith.addi %get3A_378, %add3A_381 : vector<16xi32>
    %swap3A_383 = arith.constant 3 : i32
    %swap3A_384 = arith.index_cast %swap3A_383 : i32 to index
    %swap3A_385 = arith.constant 16 : index
    %swap3A_386 = tpu.vector_load %arg7[%swap3A_384, %swap3A_385] {strides = array<i32>} : memref<128x100xi32, #tpu.memory_space<vmem>>, vector<16xi32>,
    tpu.vector_store %arg7[%swap3A_384, %swap3A_385], %add3A_382 {strides = array<i32>} : memref<128x100xi32, #tpu.memory_space<vmem>>, vector<16xi32>,
    %get3A_387 = arith.constant 3 : i32
    %get3A_388 = arith.index_cast %get3A_387 : i32 to index
    %get3A_389 = arith.constant 32 : index
    %get3A_390 = tpu.vector_load %arg7[%get3A_388, %get3A_389] {strides = array<i32>} : memref<128x100xi32, #tpu.memory_space<vmem>>, vector<16xi32>,
    %add3A_391 = arith.constant 32000 : i32
    %add3A_392 = vector.broadcast %add3A_391 : i32 to vector<16xi32>
    %add3A_393 = arith.addi %add3A_392, %mul3A_6 : vector<16xi32>
    %add3A_394 = arith.addi %get3A_390, %add3A_393 : vector<16xi32>
    %swap3A_395 = arith.constant 3 : i32
    %swap3A_396 = arith.index_cast %swap3A_395 : i32 to index
    %swap3A_397 = arith.constant 32 : index
    %swap3A_398 = tpu.vector_load %arg7[%swap3A_396, %swap3A_397] {strides = array<i32>} : memref<128x100xi32, #tpu.memory_space<vmem>>, vector<16xi32>,
    tpu.vector_store %arg7[%swap3A_396, %swap3A_397], %add3A_394 {strides = array<i32>} : memref<128x100xi32, #tpu.memory_space<vmem>>, vector<16xi32>,
    %get3A_399 = arith.constant 3 : i32
    %get3A_400 = arith.index_cast %get3A_399 : i32 to index
    %get3A_401 = arith.constant 48 : index
    %get3A_402 = tpu.vector_load %arg7[%get3A_400, %get3A_401] {strides = array<i32>} : memref<128x100xi32, #tpu.memory_space<vmem>>, vector<16xi32>,
    %add3A_403 = arith.constant 48000 : i32
    %add3A_404 = vector.broadcast %add3A_403 : i32 to vector<16xi32>
    %add3A_405 = arith.addi %add3A_404, %mul3A_6 : vector<16xi32>
    %add3A_406 = arith.addi %get3A_402, %add3A_405 : vector<16xi32>
    %swap3A_407 = arith.constant 3 : i32
    %swap3A_408 = arith.index_cast %swap3A_407 : i32 to index
    %swap3A_409 = arith.constant 48 : index
    %swap3A_410 = tpu.vector_load %arg7[%swap3A_408, %swap3A_409] {strides = array<i32>} : memref<128x100xi32, #tpu.memory_space<vmem>>, vector<16xi32>,
    tpu.vector_store %arg7[%swap3A_408, %swap3A_409], %add3A_406 {strides = array<i32>} : memref<128x100xi32, #tpu.memory_space<vmem>>, vector<16xi32>,
    %get3A_411 = arith.constant 3 : i32
    %get3A_412 = arith.index_cast %get3A_411 : i32 to index
    %get3A_413 = arith.constant 64 : index
    %get3A_414 = tpu.vector_load %arg7[%get3A_412, %get3A_413] {strides = array<i32>} : memref<128x100xi32, #tpu.memory_space<vmem>>, vector<16xi32>,
    %add3A_415 = arith.constant 64000 : i32
    %add3A_416 = vector.broadcast %add3A_415 : i32 to vector<16xi32>
    %add3A_417 = arith.addi %add3A_416, %mul3A_6 : vector<16xi32>
    %add3A_418 = arith.addi %get3A_414, %add3A_417 : vector<16xi32>
    %swap3A_419 = arith.constant 3 : i32
    %swap3A_420 = arith.index_cast %swap3A_419 : i32 to index
    %swap3A_421 = arith.constant 64 : index
    %swap3A_422 = tpu.vector_load %arg7[%swap3A_420, %swap3A_421] {strides = array<i32>} : memref<128x100xi32, #tpu.memory_space<vmem>>, vector<16xi32>,
    tpu.vector_store %arg7[%swap3A_420, %swap3A_421], %add3A_418 {strides = array<i32>} : memref<128x100xi32, #tpu.memory_space<vmem>>, vector<16xi32>,
    %get3A_423 = arith.constant 3 : i32
    %get3A_424 = arith.index_cast %get3A_423 : i32 to index
    %get3A_425 = arith.constant 80 : index
    %get3A_426 = tpu.vector_load %arg7[%get3A_424, %get3A_425] {strides = array<i32>} : memref<128x100xi32, #tpu.memory_space<vmem>>, vector<16xi32>,
    %add3A_427 = arith.constant 80000 : i32
    %add3A_428 = vector.broadcast %add3A_427 : i32 to vector<16xi32>
    %add3A_429 = arith.addi %add3A_428, %mul3A_6 : vector<16xi32>
    %add3A_430 = arith.addi %get3A_426, %add3A_429 : vector<16xi32>
    %swap3A_431 = arith.constant 3 : i32
    %swap3A_432 = arith.index_cast %swap3A_431 : i32 to index
    %swap3A_433 = arith.constant 80 : index
    %swap3A_434 = tpu.vector_load %arg7[%swap3A_432, %swap3A_433] {strides = array<i32>} : memref<128x100xi32, #tpu.memory_space<vmem>>, vector<16xi32>,
    tpu.vector_store %arg7[%swap3A_432, %swap3A_433], %add3A_430 {strides = array<i32>} : memref<128x100xi32, #tpu.memory_space<vmem>>, vector<16xi32>,
    %add3A_435 = arith.constant 84000 : i32
    %add3A_436 = vector.broadcast %add3A_435 : i32 to vector<16xi32>
    %add3A_437 = arith.addi %add3A_436, %mul3A_6 : vector<16xi32>
    %add3A_438 = arith.addi %get3A_362, %add3A_437 : vector<16xi32>
    %swap3A_439 = arith.constant 3 : i32
    %swap3A_440 = arith.index_cast %swap3A_439 : i32 to index
    %swap3A_441 = arith.constant 84 : index
    %swap3A_442 = tpu.vector_load %arg7[%swap3A_440, %swap3A_441] {strides = array<i32>} : memref<128x100xi32, #tpu.memory_space<vmem>>, vector<16xi32>,
    tpu.vector_store %arg7[%swap3A_440, %swap3A_441], %add3A_438 {strides = array<i32>} : memref<128x100xi32, #tpu.memory_space<vmem>>, vector<16xi32>,
    %dma_start3A_443 = arith.constant 3 : i32
    %dma_start3A_444 = arith.constant 0 : i32
    %dma_start3A_445 = tpu.memref_slice %arg7[%dma_start3A_443, %dma_start3A_444] : memref<128x100xi32, #tpu.memory_space<vmem>> -> memref<1x100xi32, #tpu.memory_space<vmem>>
    %dma_start3A_446 = tpu.memref_squeeze %dma_start3A_445 : memref<1x100xi32, #tpu.memory_space<vmem>> -> memref<100xi32, #tpu.memory_space<vmem>>
    %dma_start3A_447 = arith.constant 0 : i32
    %dma_start3A_448 = arith.constant 0 : i32
    %dma_start3A_449 = tpu.memref_slice %arg5[%dma_start3A_447, %dma_start3A_448] : memref<100000x128xf32, #tpu.memory_space<hbm>> -> memref<100000x128xf32, #tpu.memory_space<hbm>>
    tpu.enqueue_indirect_dma source(%dma_start3A_449 : memref<100000x128xf32, #tpu.memory_space<hbm>>) target(%arg13 : memref<100x128xf32, #tpu.memory_space<vmem>>) offsets(%dma_start3A_446 : memref<100xi32, #tpu.memory_space<vmem>>) semaphore(%arg21 : memref<!tpu.dma_semaphore, #tpu.memory_space<semaphore_mem>>)
    %dma_start3A_450 = arith.constant 3 : i32
    %dma_start3A_451 = arith.constant 0 : i32
    %dma_start3A_452 = tpu.memref_slice %arg17[%dma_start3A_451] : memref<112xf32, #tpu.memory_space<vmem>> -> memref<100xf32, #tpu.memory_space<vmem>>
    %dma_start3A_453 = arith.constant 0 : i32
    %dma_start3A_454 = tpu.memref_slice %arg7[%dma_start3A_450, %dma_start3A_453] : memref<128x100xi32, #tpu.memory_space<vmem>> -> memref<1x100xi32, #tpu.memory_space<vmem>>
    %dma_start3A_455 = tpu.memref_squeeze %dma_start3A_454 : memref<1x100xi32, #tpu.memory_space<vmem>> -> memref<100xi32, #tpu.memory_space<vmem>>
    %dma_start3A_456 = arith.constant 0 : i32
    %dma_start3A_457 = tpu.memref_slice %arg3[%dma_start3A_456] : memref<100000xf32, #tpu.memory_space<hbm>> -> memref<100000xf32, #tpu.memory_space<hbm>>
    tpu.enqueue_indirect_dma source(%dma_start3A_457 : memref<100000xf32, #tpu.memory_space<hbm>>) target(%dma_start3A_452 : memref<100xf32, #tpu.memory_space<vmem>>) offsets(%dma_start3A_455 : memref<100xi32, #tpu.memory_space<vmem>>) semaphore(%arg25 : memref<!tpu.dma_semaphore, #tpu.memory_space<semaphore_mem>>)
    %scan3A = arith.constant 0 : i32
    %scan3A_458 = arith.constant 32 : i32
    %scan3A_459 = arith.addi %scan3A, %scan3A_458 : i32
    %scan3A_460 = arith.constant 1 : i32
    %scan3A_461 = scf.for %scan3A_463 = %scan3A to %scan3A_459 step %scan3A_460 iter_args(%scan3A_464 = %broadcast_in_dim3A_7) -> (vector<16xf32>)  : i32 {
      %mul3A_465 = arith.constant 4 : i32
      %mul3A_466 = arith.muli %mul3A_465, %scan3A_463 : i32
      %add3A_467 = arith.constant 0 : i32
      %add3A_468 = arith.addi %mul3A_466, %add3A_467 : i32
      %dma_wait3A = arith.constant 0 : i32
      %dma_wait3A_469 = tpu.memref_slice %arg7[%add3A_468, %dma_wait3A] : memref<128x100xi32, #tpu.memory_space<vmem>> -> memref<1x100xi32, #tpu.memory_space<vmem>>
      %dma_wait3A_470 = tpu.memref_squeeze %dma_wait3A_469 : memref<1x100xi32, #tpu.memory_space<vmem>> -> memref<100xi32, #tpu.memory_space<vmem>>
      %dma_wait3A_471 = arith.constant 0 : i32
      %dma_wait3A_472 = arith.constant 0 : i32
      %dma_wait3A_473 = tpu.memref_slice %arg5[%dma_wait3A_471, %dma_wait3A_472] : memref<100000x128xf32, #tpu.memory_space<hbm>> -> memref<100000x128xf32, #tpu.memory_space<hbm>>
      tpu.wait_indirect_dma semaphore(%arg18 : memref<!tpu.dma_semaphore, #tpu.memory_space<semaphore_mem>>) src(%dma_wait3A_473 : memref<100000x128xf32, #tpu.memory_space<hbm>>) dst(%arg10 : memref<100x128xf32, #tpu.memory_space<vmem>>)
      %dma_wait3A_474 = arith.constant 0 : i32
      %dma_wait3A_475 = tpu.memref_slice %arg14[%dma_wait3A_474] : memref<112xf32, #tpu.memory_space<vmem>> -> memref<100xf32, #tpu.memory_space<vmem>>
      %dma_wait3A_476 = arith.constant 0 : i32
      %dma_wait3A_477 = tpu.memref_slice %arg7[%add3A_468, %dma_wait3A_476] : memref<128x100xi32, #tpu.memory_space<vmem>> -> memref<1x100xi32, #tpu.memory_space<vmem>>
      %dma_wait3A_478 = tpu.memref_squeeze %dma_wait3A_477 : memref<1x100xi32, #tpu.memory_space<vmem>> -> memref<100xi32, #tpu.memory_space<vmem>>
      %dma_wait3A_479 = arith.constant 0 : i32
      %dma_wait3A_480 = tpu.memref_slice %arg3[%dma_wait3A_479] : memref<100000xf32, #tpu.memory_space<hbm>> -> memref<100000xf32, #tpu.memory_space<hbm>>
      tpu.wait_indirect_dma semaphore(%arg22 : memref<!tpu.dma_semaphore, #tpu.memory_space<semaphore_mem>>) src(%dma_wait3A_480 : memref<100000xf32, #tpu.memory_space<hbm>>) dst(%dma_wait3A_475 : memref<100xf32, #tpu.memory_space<vmem>>)
      %scan3A_481 = arith.constant 0 : i32
      %scan3A_482 = arith.constant 100 : i32
      %scan3A_483 = arith.addi %scan3A_481, %scan3A_482 : i32
      %scan3A_484 = arith.constant 4 : i32
      %scan3A_485:16 = scf.for %scan3A_898 = %scan3A_481 to %scan3A_483 step %scan3A_484 iter_args(%scan3A_899 = %broadcast_in_dim3A_7, %scan3A_900 = %broadcast_in_dim3A_7, %scan3A_901 = %broadcast_in_dim3A_7, %scan3A_902 = %broadcast_in_dim3A_7, %scan3A_903 = %broadcast_in_dim3A_7, %scan3A_904 = %broadcast_in_dim3A_7, %scan3A_905 = %broadcast_in_dim3A_7, %scan3A_906 = %broadcast_in_dim3A_7, %scan3A_907 = %broadcast_in_dim3A_7, %scan3A_908 = %broadcast_in_dim3A_7, %scan3A_909 = %broadcast_in_dim3A_7, %scan3A_910 = %broadcast_in_dim3A_7, %scan3A_911 = %broadcast_in_dim3A_7, %scan3A_912 = %broadcast_in_dim3A_7, %scan3A_913 = %broadcast_in_dim3A_7, %scan3A_914 = %broadcast_in_dim3A_7) -> (vector<16xf32>, vector<16xf32>, vector<16xf32>, vector<16xf32>, vector<16xf32>, vector<16xf32>, vector<16xf32>, vector<16xf32>, vector<16xf32>, vector<16xf32>, vector<16xf32>, vector<16xf32>, vector<16xf32>, vector<16xf32>, vector<16xf32>, vector<16xf32>)  : i32 {
        %get3A_915 = arith.index_cast %scan3A_898 : i32 to index
        %get3A_916 = arith.constant 0 : index
        %get3A_917 = tpu.vector_load %arg10[%get3A_915, %get3A_916] {strides = array<i32>} : memref<100x128xf32, #tpu.memory_space<vmem>>, vector<16xf32>,
        %add3A_918 = arith.addf %scan3A_899, %get3A_917 : vector<16xf32>
        %mul3A_919 = arith.mulf %get3A_917, %get3A_917 : vector<16xf32>
        %add3A_920 = arith.addf %scan3A_907, %mul3A_919 : vector<16xf32>
        %get3A_921 = arith.index_cast %scan3A_898 : i32 to index
        %get3A_922 = arith.constant 16 : index
        %get3A_923 = tpu.vector_load %arg10[%get3A_921, %get3A_922] {strides = array<i32>} : memref<100x128xf32, #tpu.memory_space<vmem>>, vector<16xf32>,
        %add3A_924 = arith.addf %scan3A_900, %get3A_923 : vector<16xf32>
        %mul3A_925 = arith.mulf %get3A_923, %get3A_923 : vector<16xf32>
        %add3A_926 = arith.addf %scan3A_908, %mul3A_925 : vector<16xf32>
        %get3A_927 = arith.index_cast %scan3A_898 : i32 to index
        %get3A_928 = arith.constant 32 : index
        %get3A_929 = tpu.vector_load %arg10[%get3A_927, %get3A_928] {strides = array<i32>} : memref<100x128xf32, #tpu.memory_space<vmem>>, vector<16xf32>,
        %add3A_930 = arith.addf %scan3A_901, %get3A_929 : vector<16xf32>
        %mul3A_931 = arith.mulf %get3A_929, %get3A_929 : vector<16xf32>
        %add3A_932 = arith.addf %scan3A_909, %mul3A_931 : vector<16xf32>
        %get3A_933 = arith.index_cast %scan3A_898 : i32 to index
        %get3A_934 = arith.constant 48 : index
        %get3A_935 = tpu.vector_load %arg10[%get3A_933, %get3A_934] {strides = array<i32>} : memref<100x128xf32, #tpu.memory_space<vmem>>, vector<16xf32>,
        %add3A_936 = arith.addf %scan3A_902, %get3A_935 : vector<16xf32>
        %mul3A_937 = arith.mulf %get3A_935, %get3A_935 : vector<16xf32>
        %add3A_938 = arith.addf %scan3A_910, %mul3A_937 : vector<16xf32>
        %get3A_939 = arith.index_cast %scan3A_898 : i32 to index
        %get3A_940 = arith.constant 64 : index
        %get3A_941 = tpu.vector_load %arg10[%get3A_939, %get3A_940] {strides = array<i32>} : memref<100x128xf32, #tpu.memory_space<vmem>>, vector<16xf32>,
        %add3A_942 = arith.addf %scan3A_903, %get3A_941 : vector<16xf32>
        %mul3A_943 = arith.mulf %get3A_941, %get3A_941 : vector<16xf32>
        %add3A_944 = arith.addf %scan3A_911, %mul3A_943 : vector<16xf32>
        %get3A_945 = arith.index_cast %scan3A_898 : i32 to index
        %get3A_946 = arith.constant 80 : index
        %get3A_947 = tpu.vector_load %arg10[%get3A_945, %get3A_946] {strides = array<i32>} : memref<100x128xf32, #tpu.memory_space<vmem>>, vector<16xf32>,
        %add3A_948 = arith.addf %scan3A_904, %get3A_947 : vector<16xf32>
        %mul3A_949 = arith.mulf %get3A_947, %get3A_947 : vector<16xf32>
        %add3A_950 = arith.addf %scan3A_912, %mul3A_949 : vector<16xf32>
        %get3A_951 = arith.index_cast %scan3A_898 : i32 to index
        %get3A_952 = arith.constant 96 : index
        %get3A_953 = tpu.vector_load %arg10[%get3A_951, %get3A_952] {strides = array<i32>} : memref<100x128xf32, #tpu.memory_space<vmem>>, vector<16xf32>,
        %add3A_954 = arith.addf %scan3A_905, %get3A_953 : vector<16xf32>
        %mul3A_955 = arith.mulf %get3A_953, %get3A_953 : vector<16xf32>
        %add3A_956 = arith.addf %scan3A_913, %mul3A_955 : vector<16xf32>
        %get3A_957 = arith.index_cast %scan3A_898 : i32 to index
        %get3A_958 = arith.constant 112 : index
        %get3A_959 = tpu.vector_load %arg10[%get3A_957, %get3A_958] {strides = array<i32>} : memref<100x128xf32, #tpu.memory_space<vmem>>, vector<16xf32>,
        %add3A_960 = arith.addf %scan3A_906, %get3A_959 : vector<16xf32>
        %mul3A_961 = arith.mulf %get3A_959, %get3A_959 : vector<16xf32>
        %add3A_962 = arith.addf %scan3A_914, %mul3A_961 : vector<16xf32>
        %scan3A_963 = arith.constant 1 : i32
        %scan3A_964 = arith.addi %scan3A_898, %scan3A_963 : i32
        %get3A_965 = arith.index_cast %scan3A_964 : i32 to index
        %get3A_966 = arith.constant 0 : index
        %get3A_967 = tpu.vector_load %arg10[%get3A_965, %get3A_966] {strides = array<i32>} : memref<100x128xf32, #tpu.memory_space<vmem>>, vector<16xf32>,
        %add3A_968 = arith.addf %add3A_918, %get3A_967 : vector<16xf32>
        %mul3A_969 = arith.mulf %get3A_967, %get3A_967 : vector<16xf32>
        %add3A_970 = arith.addf %add3A_920, %mul3A_969 : vector<16xf32>
        %get3A_971 = arith.index_cast %scan3A_964 : i32 to index
        %get3A_972 = arith.constant 16 : index
        %get3A_973 = tpu.vector_load %arg10[%get3A_971, %get3A_972] {strides = array<i32>} : memref<100x128xf32, #tpu.memory_space<vmem>>, vector<16xf32>,
        %add3A_974 = arith.addf %add3A_924, %get3A_973 : vector<16xf32>
        %mul3A_975 = arith.mulf %get3A_973, %get3A_973 : vector<16xf32>
        %add3A_976 = arith.addf %add3A_926, %mul3A_975 : vector<16xf32>
        %get3A_977 = arith.index_cast %scan3A_964 : i32 to index
        %get3A_978 = arith.constant 32 : index
        %get3A_979 = tpu.vector_load %arg10[%get3A_977, %get3A_978] {strides = array<i32>} : memref<100x128xf32, #tpu.memory_space<vmem>>, vector<16xf32>,
        %add3A_980 = arith.addf %add3A_930, %get3A_979 : vector<16xf32>
        %mul3A_981 = arith.mulf %get3A_979, %get3A_979 : vector<16xf32>
        %add3A_982 = arith.addf %add3A_932, %mul3A_981 : vector<16xf32>
        %get3A_983 = arith.index_cast %scan3A_964 : i32 to index
        %get3A_984 = arith.constant 48 : index
        %get3A_985 = tpu.vector_load %arg10[%get3A_983, %get3A_984] {strides = array<i32>} : memref<100x128xf32, #tpu.memory_space<vmem>>, vector<16xf32>,
        %add3A_986 = arith.addf %add3A_936, %get3A_985 : vector<16xf32>
        %mul3A_987 = arith.mulf %get3A_985, %get3A_985 : vector<16xf32>
        %add3A_988 = arith.addf %add3A_938, %mul3A_987 : vector<16xf32>
        %get3A_989 = arith.index_cast %scan3A_964 : i32 to index
        %get3A_990 = arith.constant 64 : index
        %get3A_991 = tpu.vector_load %arg10[%get3A_989, %get3A_990] {strides = array<i32>} : memref<100x128xf32, #tpu.memory_space<vmem>>, vector<16xf32>,
        %add3A_992 = arith.addf %add3A_942, %get3A_991 : vector<16xf32>
        %mul3A_993 = arith.mulf %get3A_991, %get3A_991 : vector<16xf32>
        %add3A_994 = arith.addf %add3A_944, %mul3A_993 : vector<16xf32>
        %get3A_995 = arith.index_cast %scan3A_964 : i32 to index
        %get3A_996 = arith.constant 80 : index
        %get3A_997 = tpu.vector_load %arg10[%get3A_995, %get3A_996] {strides = array<i32>} : memref<100x128xf32, #tpu.memory_space<vmem>>, vector<16xf32>,
        %add3A_998 = arith.addf %add3A_948, %get3A_997 : vector<16xf32>
        %mul3A_999 = arith.mulf %get3A_997, %get3A_997 : vector<16xf32>
        %add3A_1000 = arith.addf %add3A_950, %mul3A_999 : vector<16xf32>
        %get3A_1001 = arith.index_cast %scan3A_964 : i32 to index
        %get3A_1002 = arith.constant 96 : index
        %get3A_1003 = tpu.vector_load %arg10[%get3A_1001, %get3A_1002] {strides = array<i32>} : memref<100x128xf32, #tpu.memory_space<vmem>>, vector<16xf32>,
        %add3A_1004 = arith.addf %add3A_954, %get3A_1003 : vector<16xf32>
        %mul3A_1005 = arith.mulf %get3A_1003, %get3A_1003 : vector<16xf32>
        %add3A_1006 = arith.addf %add3A_956, %mul3A_1005 : vector<16xf32>
        %get3A_1007 = arith.index_cast %scan3A_964 : i32 to index
        %get3A_1008 = arith.constant 112 : index
        %get3A_1009 = tpu.vector_load %arg10[%get3A_1007, %get3A_1008] {strides = array<i32>} : memref<100x128xf32, #tpu.memory_space<vmem>>, vector<16xf32>,
        %add3A_1010 = arith.addf %add3A_960, %get3A_1009 : vector<16xf32>
        %mul3A_1011 = arith.mulf %get3A_1009, %get3A_1009 : vector<16xf32>
        %add3A_1012 = arith.addf %add3A_962, %mul3A_1011 : vector<16xf32>
        %scan3A_1013 = arith.constant 2 : i32
        %scan3A_1014 = arith.addi %scan3A_898, %scan3A_1013 : i32
        %get3A_1015 = arith.index_cast %scan3A_1014 : i32 to index
        %get3A_1016 = arith.constant 0 : index
        %get3A_1017 = tpu.vector_load %arg10[%get3A_1015, %get3A_1016] {strides = array<i32>} : memref<100x128xf32, #tpu.memory_space<vmem>>, vector<16xf32>,
        %add3A_1018 = arith.addf %add3A_968, %get3A_1017 : vector<16xf32>
        %mul3A_1019 = arith.mulf %get3A_1017, %get3A_1017 : vector<16xf32>
        %add3A_1020 = arith.addf %add3A_970, %mul3A_1019 : vector<16xf32>
        %get3A_1021 = arith.index_cast %scan3A_1014 : i32 to index
        %get3A_1022 = arith.constant 16 : index
        %get3A_1023 = tpu.vector_load %arg10[%get3A_1021, %get3A_1022] {strides = array<i32>} : memref<100x128xf32, #tpu.memory_space<vmem>>, vector<16xf32>,
        %add3A_1024 = arith.addf %add3A_974, %get3A_1023 : vector<16xf32>
        %mul3A_1025 = arith.mulf %get3A_1023, %get3A_1023 : vector<16xf32>
        %add3A_1026 = arith.addf %add3A_976, %mul3A_1025 : vector<16xf32>
        %get3A_1027 = arith.index_cast %scan3A_1014 : i32 to index
        %get3A_1028 = arith.constant 32 : index
        %get3A_1029 = tpu.vector_load %arg10[%get3A_1027, %get3A_1028] {strides = array<i32>} : memref<100x128xf32, #tpu.memory_space<vmem>>, vector<16xf32>,
        %add3A_1030 = arith.addf %add3A_980, %get3A_1029 : vector<16xf32>
        %mul3A_1031 = arith.mulf %get3A_1029, %get3A_1029 : vector<16xf32>
        %add3A_1032 = arith.addf %add3A_982, %mul3A_1031 : vector<16xf32>
        %get3A_1033 = arith.index_cast %scan3A_1014 : i32 to index
        %get3A_1034 = arith.constant 48 : index
        %get3A_1035 = tpu.vector_load %arg10[%get3A_1033, %get3A_1034] {strides = array<i32>} : memref<100x128xf32, #tpu.memory_space<vmem>>, vector<16xf32>,
        %add3A_1036 = arith.addf %add3A_986, %get3A_1035 : vector<16xf32>
        %mul3A_1037 = arith.mulf %get3A_1035, %get3A_1035 : vector<16xf32>
        %add3A_1038 = arith.addf %add3A_988, %mul3A_1037 : vector<16xf32>
        %get3A_1039 = arith.index_cast %scan3A_1014 : i32 to index
        %get3A_1040 = arith.constant 64 : index
        %get3A_1041 = tpu.vector_load %arg10[%get3A_1039, %get3A_1040] {strides = array<i32>} : memref<100x128xf32, #tpu.memory_space<vmem>>, vector<16xf32>,
        %add3A_1042 = arith.addf %add3A_992, %get3A_1041 : vector<16xf32>
        %mul3A_1043 = arith.mulf %get3A_1041, %get3A_1041 : vector<16xf32>
        %add3A_1044 = arith.addf %add3A_994, %mul3A_1043 : vector<16xf32>
        %get3A_1045 = arith.index_cast %scan3A_1014 : i32 to index
        %get3A_1046 = arith.constant 80 : index
        %get3A_1047 = tpu.vector_load %arg10[%get3A_1045, %get3A_1046] {strides = array<i32>} : memref<100x128xf32, #tpu.memory_space<vmem>>, vector<16xf32>,
        %add3A_1048 = arith.addf %add3A_998, %get3A_1047 : vector<16xf32>
        %mul3A_1049 = arith.mulf %get3A_1047, %get3A_1047 : vector<16xf32>
        %add3A_1050 = arith.addf %add3A_1000, %mul3A_1049 : vector<16xf32>
        %get3A_1051 = arith.index_cast %scan3A_1014 : i32 to index
        %get3A_1052 = arith.constant 96 : index
        %get3A_1053 = tpu.vector_load %arg10[%get3A_1051, %get3A_1052] {strides = array<i32>} : memref<100x128xf32, #tpu.memory_space<vmem>>, vector<16xf32>,
        %add3A_1054 = arith.addf %add3A_1004, %get3A_1053 : vector<16xf32>
        %mul3A_1055 = arith.mulf %get3A_1053, %get3A_1053 : vector<16xf32>
        %add3A_1056 = arith.addf %add3A_1006, %mul3A_1055 : vector<16xf32>
        %get3A_1057 = arith.index_cast %scan3A_1014 : i32 to index
        %get3A_1058 = arith.constant 112 : index
        %get3A_1059 = tpu.vector_load %arg10[%get3A_1057, %get3A_1058] {strides = array<i32>} : memref<100x128xf32, #tpu.memory_space<vmem>>, vector<16xf32>,
        %add3A_1060 = arith.addf %add3A_1010, %get3A_1059 : vector<16xf32>
        %mul3A_1061 = arith.mulf %get3A_1059, %get3A_1059 : vector<16xf32>
        %add3A_1062 = arith.addf %add3A_1012, %mul3A_1061 : vector<16xf32>
        %scan3A_1063 = arith.constant 3 : i32
        %scan3A_1064 = arith.addi %scan3A_898, %scan3A_1063 : i32
        %get3A_1065 = arith.index_cast %scan3A_1064 : i32 to index
        %get3A_1066 = arith.constant 0 : index
        %get3A_1067 = tpu.vector_load %arg10[%get3A_1065, %get3A_1066] {strides = array<i32>} : memref<100x128xf32, #tpu.memory_space<vmem>>, vector<16xf32>,
        %add3A_1068 = arith.addf %add3A_1018, %get3A_1067 : vector<16xf32>
        %mul3A_1069 = arith.mulf %get3A_1067, %get3A_1067 : vector<16xf32>
        %add3A_1070 = arith.addf %add3A_1020, %mul3A_1069 : vector<16xf32>
        %get3A_1071 = arith.index_cast %scan3A_1064 : i32 to index
        %get3A_1072 = arith.constant 16 : index
        %get3A_1073 = tpu.vector_load %arg10[%get3A_1071, %get3A_1072] {strides = array<i32>} : memref<100x128xf32, #tpu.memory_space<vmem>>, vector<16xf32>,
        %add3A_1074 = arith.addf %add3A_1024, %get3A_1073 : vector<16xf32>
        %mul3A_1075 = arith.mulf %get3A_1073, %get3A_1073 : vector<16xf32>
        %add3A_1076 = arith.addf %add3A_1026, %mul3A_1075 : vector<16xf32>
        %get3A_1077 = arith.index_cast %scan3A_1064 : i32 to index
        %get3A_1078 = arith.constant 32 : index
        %get3A_1079 = tpu.vector_load %arg10[%get3A_1077, %get3A_1078] {strides = array<i32>} : memref<100x128xf32, #tpu.memory_space<vmem>>, vector<16xf32>,
        %add3A_1080 = arith.addf %add3A_1030, %get3A_1079 : vector<16xf32>
        %mul3A_1081 = arith.mulf %get3A_1079, %get3A_1079 : vector<16xf32>
        %add3A_1082 = arith.addf %add3A_1032, %mul3A_1081 : vector<16xf32>
        %get3A_1083 = arith.index_cast %scan3A_1064 : i32 to index
        %get3A_1084 = arith.constant 48 : index
        %get3A_1085 = tpu.vector_load %arg10[%get3A_1083, %get3A_1084] {strides = array<i32>} : memref<100x128xf32, #tpu.memory_space<vmem>>, vector<16xf32>,
        %add3A_1086 = arith.addf %add3A_1036, %get3A_1085 : vector<16xf32>
        %mul3A_1087 = arith.mulf %get3A_1085, %get3A_1085 : vector<16xf32>
        %add3A_1088 = arith.addf %add3A_1038, %mul3A_1087 : vector<16xf32>
        %get3A_1089 = arith.index_cast %scan3A_1064 : i32 to index
        %get3A_1090 = arith.constant 64 : index
        %get3A_1091 = tpu.vector_load %arg10[%get3A_1089, %get3A_1090] {strides = array<i32>} : memref<100x128xf32, #tpu.memory_space<vmem>>, vector<16xf32>,
        %add3A_1092 = arith.addf %add3A_1042, %get3A_1091 : vector<16xf32>
        %mul3A_1093 = arith.mulf %get3A_1091, %get3A_1091 : vector<16xf32>
        %add3A_1094 = arith.addf %add3A_1044, %mul3A_1093 : vector<16xf32>
        %get3A_1095 = arith.index_cast %scan3A_1064 : i32 to index
        %get3A_1096 = arith.constant 80 : index
        %get3A_1097 = tpu.vector_load %arg10[%get3A_1095, %get3A_1096] {strides = array<i32>} : memref<100x128xf32, #tpu.memory_space<vmem>>, vector<16xf32>,
        %add3A_1098 = arith.addf %add3A_1048, %get3A_1097 : vector<16xf32>
        %mul3A_1099 = arith.mulf %get3A_1097, %get3A_1097 : vector<16xf32>
        %add3A_1100 = arith.addf %add3A_1050, %mul3A_1099 : vector<16xf32>
        %get3A_1101 = arith.index_cast %scan3A_1064 : i32 to index
        %get3A_1102 = arith.constant 96 : index
        %get3A_1103 = tpu.vector_load %arg10[%get3A_1101, %get3A_1102] {strides = array<i32>} : memref<100x128xf32, #tpu.memory_space<vmem>>, vector<16xf32>,
        %add3A_1104 = arith.addf %add3A_1054, %get3A_1103 : vector<16xf32>
        %mul3A_1105 = arith.mulf %get3A_1103, %get3A_1103 : vector<16xf32>
        %add3A_1106 = arith.addf %add3A_1056, %mul3A_1105 : vector<16xf32>
        %get3A_1107 = arith.index_cast %scan3A_1064 : i32 to index
        %get3A_1108 = arith.constant 112 : index
        %get3A_1109 = tpu.vector_load %arg10[%get3A_1107, %get3A_1108] {strides = array<i32>} : memref<100x128xf32, #tpu.memory_space<vmem>>, vector<16xf32>,
        %add3A_1110 = arith.addf %add3A_1060, %get3A_1109 : vector<16xf32>
        %mul3A_1111 = arith.mulf %get3A_1109, %get3A_1109 : vector<16xf32>
        %add3A_1112 = arith.addf %add3A_1062, %mul3A_1111 : vector<16xf32>
        scf.yield %add3A_1068, %add3A_1074, %add3A_1080, %add3A_1086, %add3A_1092, %add3A_1098, %add3A_1104, %add3A_1110, %add3A_1070, %add3A_1076, %add3A_1082, %add3A_1088, %add3A_1094, %add3A_1100, %add3A_1106, %add3A_1112 : vector<16xf32>, vector<16xf32>, vector<16xf32>, vector<16xf32>, vector<16xf32>, vector<16xf32>, vector<16xf32>, vector<16xf32>, vector<16xf32>, vector<16xf32>, vector<16xf32>, vector<16xf32>, vector<16xf32>, vector<16xf32>, vector<16xf32>, vector<16xf32>
      }
      %scan3A_486 = arith.constant 100 : i32
      %mul3A_487 = arith.mulf %scan3A_485#0, %scan3A_485#0 : vector<16xf32>
      %sub3A = arith.subf %mul3A_487, %scan3A_485#8 : vector<16xf32>
      %add3A_488 = arith.addf %broadcast_in_dim3A_7, %sub3A : vector<16xf32>
      %mul3A_489 = arith.mulf %scan3A_485#1, %scan3A_485#1 : vector<16xf32>
      %sub3A_490 = arith.subf %mul3A_489, %scan3A_485#9 : vector<16xf32>
      %add3A_491 = arith.addf %add3A_488, %sub3A_490 : vector<16xf32>
      %mul3A_492 = arith.mulf %scan3A_485#2, %scan3A_485#2 : vector<16xf32>
      %sub3A_493 = arith.subf %mul3A_492, %scan3A_485#10 : vector<16xf32>
      %add3A_494 = arith.addf %add3A_491, %sub3A_493 : vector<16xf32>
      %mul3A_495 = arith.mulf %scan3A_485#3, %scan3A_485#3 : vector<16xf32>
      %sub3A_496 = arith.subf %mul3A_495, %scan3A_485#11 : vector<16xf32>
      %add3A_497 = arith.addf %add3A_494, %sub3A_496 : vector<16xf32>
      %mul3A_498 = arith.mulf %scan3A_485#4, %scan3A_485#4 : vector<16xf32>
      %sub3A_499 = arith.subf %mul3A_498, %scan3A_485#12 : vector<16xf32>
      %add3A_500 = arith.addf %add3A_497, %sub3A_499 : vector<16xf32>
      %mul3A_501 = arith.mulf %scan3A_485#5, %scan3A_485#5 : vector<16xf32>
      %sub3A_502 = arith.subf %mul3A_501, %scan3A_485#13 : vector<16xf32>
      %add3A_503 = arith.addf %add3A_500, %sub3A_502 : vector<16xf32>
      %mul3A_504 = arith.mulf %scan3A_485#6, %scan3A_485#6 : vector<16xf32>
      %sub3A_505 = arith.subf %mul3A_504, %scan3A_485#14 : vector<16xf32>
      %add3A_506 = arith.addf %add3A_503, %sub3A_505 : vector<16xf32>
      %mul3A_507 = arith.mulf %scan3A_485#7, %scan3A_485#7 : vector<16xf32>
      %sub3A_508 = arith.subf %mul3A_507, %scan3A_485#15 : vector<16xf32>
      %add3A_509 = arith.addf %add3A_506, %sub3A_508 : vector<16xf32>
      %reduce_sum3A = arith.constant true
      %reduce_sum3A_510 = vector.broadcast %reduce_sum3A : i1 to vector<16xi1>
      %reduce_sum3A_511 = tpu.scan <sum>, %add3A_509 masked %reduce_sum3A_510 : vector<16xf32>, vector<16xi1> -> vector<16xf32>
      %reduce_sum3A_512 = vector.extract %reduce_sum3A_511[15] : f32 from vector<16xf32>
      %get3A_513 = arith.constant 0 : index
      %get3A_514 = tpu.vector_load %arg14[%get3A_513] {strides = array<i32>} : memref<112xf32, #tpu.memory_space<vmem>>, vector<16xf32>,
      %add3A_515 = arith.addf %broadcast_in_dim3A_7, %get3A_514 : vector<16xf32>
      %get3A_516 = arith.constant 16 : index
      %get3A_517 = tpu.vector_load %arg14[%get3A_516] {strides = array<i32>} : memref<112xf32, #tpu.memory_space<vmem>>, vector<16xf32>,
      %add3A_518 = arith.addf %add3A_515, %get3A_517 : vector<16xf32>
      %get3A_519 = arith.constant 32 : index
      %get3A_520 = tpu.vector_load %arg14[%get3A_519] {strides = array<i32>} : memref<112xf32, #tpu.memory_space<vmem>>, vector<16xf32>,
      %add3A_521 = arith.addf %add3A_518, %get3A_520 : vector<16xf32>
      %get3A_522 = arith.constant 48 : index
      %get3A_523 = tpu.vector_load %arg14[%get3A_522] {strides = array<i32>} : memref<112xf32, #tpu.memory_space<vmem>>, vector<16xf32>,
      %add3A_524 = arith.addf %add3A_521, %get3A_523 : vector<16xf32>
      %get3A_525 = arith.constant 64 : index
      %get3A_526 = tpu.vector_load %arg14[%get3A_525] {strides = array<i32>} : memref<112xf32, #tpu.memory_space<vmem>>, vector<16xf32>,
      %add3A_527 = arith.addf %add3A_524, %get3A_526 : vector<16xf32>
      %get3A_528 = arith.constant 80 : index
      %get3A_529 = tpu.vector_load %arg14[%get3A_528] {strides = array<i32>} : memref<112xf32, #tpu.memory_space<vmem>>, vector<16xf32>,
      %add3A_530 = arith.addf %add3A_527, %get3A_529 : vector<16xf32>
      %get3A_531 = arith.constant 96 : index
      %get3A_532 = tpu.vector_load %arg14[%get3A_531] {strides = array<i32>} : memref<112xf32, #tpu.memory_space<vmem>>, vector<16xf32>,
      %add3A_533 = arith.addf %add3A_530, %get3A_532 : vector<16xf32>
      %reduce_sum3A_534 = arith.constant true
      %reduce_sum3A_535 = vector.broadcast %reduce_sum3A_534 : i1 to vector<16xi1>
      %reduce_sum3A_536 = tpu.scan <sum>, %add3A_533 masked %reduce_sum3A_535 : vector<16xf32>, vector<16xi1> -> vector<16xf32>
      %reduce_sum3A_537 = vector.extract %reduce_sum3A_536[15] : f32 from vector<16xf32>
      %add3A_538 = arith.addf %reduce_sum3A_537, %squeeze3A : f32
      %mul3A_539 = arith.constant 5.000000e-01 : f32
      %mul3A_540 = arith.mulf %mul3A_539, %reduce_sum3A_512 : f32
      %add3A_541 = arith.addf %add3A_538, %mul3A_540 : f32
      %add3A_542 = arith.constant 4 : i32
      %add3A_543 = arith.addi %add3A_468, %add3A_542 : i32
      %lt3A = arith.constant 128 : i32
      %lt3A_544 = arith.cmpi slt, %add3A_543, %lt3A : i32
      %convert_element_type3A = arith.extui %lt3A_544 : i1 to i32
      %cond3A = arith.constant 0 : i32
      %cond3A_545 = arith.cmpi ne, %convert_element_type3A, %cond3A : i32
      scf.if %cond3A_545 {
        %add3A_898 = arith.constant 4 : i32
        %add3A_899 = arith.addi %add3A_468, %add3A_898 : i32
        %get3A_900 = arith.index_cast %add3A_899 : i32 to index
        %get3A_901 = arith.constant 84 : index
        %get3A_902 = tpu.vector_load %arg7[%get3A_900, %get3A_901] {strides = array<i32>} : memref<128x100xi32, #tpu.memory_space<vmem>>, vector<16xi32>,
        %get3A_903 = arith.index_cast %add3A_899 : i32 to index
        %get3A_904 = arith.constant 0 : index
        %get3A_905 = tpu.vector_load %arg7[%get3A_903, %get3A_904] {strides = array<i32>} : memref<128x100xi32, #tpu.memory_space<vmem>>, vector<16xi32>,
        %add3A_906 = arith.constant 0 : i32
        %add3A_907 = vector.broadcast %add3A_906 : i32 to vector<16xi32>
        %add3A_908 = arith.addi %add3A_907, %mul3A_6 : vector<16xi32>
        %add3A_909 = arith.addi %get3A_905, %add3A_908 : vector<16xi32>
        %swap3A_910 = arith.index_cast %add3A_899 : i32 to index
        %swap3A_911 = arith.constant 0 : index
        %swap3A_912 = tpu.vector_load %arg7[%swap3A_910, %swap3A_911] {strides = array<i32>} : memref<128x100xi32, #tpu.memory_space<vmem>>, vector<16xi32>,
        tpu.vector_store %arg7[%swap3A_910, %swap3A_911], %add3A_909 {strides = array<i32>} : memref<128x100xi32, #tpu.memory_space<vmem>>, vector<16xi32>,
        %get3A_913 = arith.index_cast %add3A_899 : i32 to index
        %get3A_914 = arith.constant 16 : index
        %get3A_915 = tpu.vector_load %arg7[%get3A_913, %get3A_914] {strides = array<i32>} : memref<128x100xi32, #tpu.memory_space<vmem>>, vector<16xi32>,
        %add3A_916 = arith.constant 16000 : i32
        %add3A_917 = vector.broadcast %add3A_916 : i32 to vector<16xi32>
        %add3A_918 = arith.addi %add3A_917, %mul3A_6 : vector<16xi32>
        %add3A_919 = arith.addi %get3A_915, %add3A_918 : vector<16xi32>
        %swap3A_920 = arith.index_cast %add3A_899 : i32 to index
        %swap3A_921 = arith.constant 16 : index
        %swap3A_922 = tpu.vector_load %arg7[%swap3A_920, %swap3A_921] {strides = array<i32>} : memref<128x100xi32, #tpu.memory_space<vmem>>, vector<16xi32>,
        tpu.vector_store %arg7[%swap3A_920, %swap3A_921], %add3A_919 {strides = array<i32>} : memref<128x100xi32, #tpu.memory_space<vmem>>, vector<16xi32>,
        %get3A_923 = arith.index_cast %add3A_899 : i32 to index
        %get3A_924 = arith.constant 32 : index
        %get3A_925 = tpu.vector_load %arg7[%get3A_923, %get3A_924] {strides = array<i32>} : memref<128x100xi32, #tpu.memory_space<vmem>>, vector<16xi32>,
        %add3A_926 = arith.constant 32000 : i32
        %add3A_927 = vector.broadcast %add3A_926 : i32 to vector<16xi32>
        %add3A_928 = arith.addi %add3A_927, %mul3A_6 : vector<16xi32>
        %add3A_929 = arith.addi %get3A_925, %add3A_928 : vector<16xi32>
        %swap3A_930 = arith.index_cast %add3A_899 : i32 to index
        %swap3A_931 = arith.constant 32 : index
        %swap3A_932 = tpu.vector_load %arg7[%swap3A_930, %swap3A_931] {strides = array<i32>} : memref<128x100xi32, #tpu.memory_space<vmem>>, vector<16xi32>,
        tpu.vector_store %arg7[%swap3A_930, %swap3A_931], %add3A_929 {strides = array<i32>} : memref<128x100xi32, #tpu.memory_space<vmem>>, vector<16xi32>,
        %get3A_933 = arith.index_cast %add3A_899 : i32 to index
        %get3A_934 = arith.constant 48 : index
        %get3A_935 = tpu.vector_load %arg7[%get3A_933, %get3A_934] {strides = array<i32>} : memref<128x100xi32, #tpu.memory_space<vmem>>, vector<16xi32>,
        %add3A_936 = arith.constant 48000 : i32
        %add3A_937 = vector.broadcast %add3A_936 : i32 to vector<16xi32>
        %add3A_938 = arith.addi %add3A_937, %mul3A_6 : vector<16xi32>
        %add3A_939 = arith.addi %get3A_935, %add3A_938 : vector<16xi32>
        %swap3A_940 = arith.index_cast %add3A_899 : i32 to index
        %swap3A_941 = arith.constant 48 : index
        %swap3A_942 = tpu.vector_load %arg7[%swap3A_940, %swap3A_941] {strides = array<i32>} : memref<128x100xi32, #tpu.memory_space<vmem>>, vector<16xi32>,
        tpu.vector_store %arg7[%swap3A_940, %swap3A_941], %add3A_939 {strides = array<i32>} : memref<128x100xi32, #tpu.memory_space<vmem>>, vector<16xi32>,
        %get3A_943 = arith.index_cast %add3A_899 : i32 to index
        %get3A_944 = arith.constant 64 : index
        %get3A_945 = tpu.vector_load %arg7[%get3A_943, %get3A_944] {strides = array<i32>} : memref<128x100xi32, #tpu.memory_space<vmem>>, vector<16xi32>,
        %add3A_946 = arith.constant 64000 : i32
        %add3A_947 = vector.broadcast %add3A_946 : i32 to vector<16xi32>
        %add3A_948 = arith.addi %add3A_947, %mul3A_6 : vector<16xi32>
        %add3A_949 = arith.addi %get3A_945, %add3A_948 : vector<16xi32>
        %swap3A_950 = arith.index_cast %add3A_899 : i32 to index
        %swap3A_951 = arith.constant 64 : index
        %swap3A_952 = tpu.vector_load %arg7[%swap3A_950, %swap3A_951] {strides = array<i32>} : memref<128x100xi32, #tpu.memory_space<vmem>>, vector<16xi32>,
        tpu.vector_store %arg7[%swap3A_950, %swap3A_951], %add3A_949 {strides = array<i32>} : memref<128x100xi32, #tpu.memory_space<vmem>>, vector<16xi32>,
        %get3A_953 = arith.index_cast %add3A_899 : i32 to index
        %get3A_954 = arith.constant 80 : index
        %get3A_955 = tpu.vector_load %arg7[%get3A_953, %get3A_954] {strides = array<i32>} : memref<128x100xi32, #tpu.memory_space<vmem>>, vector<16xi32>,
        %add3A_956 = arith.constant 80000 : i32
        %add3A_957 = vector.broadcast %add3A_956 : i32 to vector<16xi32>
        %add3A_958 = arith.addi %add3A_957, %mul3A_6 : vector<16xi32>
        %add3A_959 = arith.addi %get3A_955, %add3A_958 : vector<16xi32>
        %swap3A_960 = arith.index_cast %add3A_899 : i32 to index
        %swap3A_961 = arith.constant 80 : index
        %swap3A_962 = tpu.vector_load %arg7[%swap3A_960, %swap3A_961] {strides = array<i32>} : memref<128x100xi32, #tpu.memory_space<vmem>>, vector<16xi32>,
        tpu.vector_store %arg7[%swap3A_960, %swap3A_961], %add3A_959 {strides = array<i32>} : memref<128x100xi32, #tpu.memory_space<vmem>>, vector<16xi32>,
        %add3A_963 = arith.constant 84000 : i32
        %add3A_964 = vector.broadcast %add3A_963 : i32 to vector<16xi32>
        %add3A_965 = arith.addi %add3A_964, %mul3A_6 : vector<16xi32>
        %add3A_966 = arith.addi %get3A_902, %add3A_965 : vector<16xi32>
        %swap3A_967 = arith.index_cast %add3A_899 : i32 to index
        %swap3A_968 = arith.constant 84 : index
        %swap3A_969 = tpu.vector_load %arg7[%swap3A_967, %swap3A_968] {strides = array<i32>} : memref<128x100xi32, #tpu.memory_space<vmem>>, vector<16xi32>,
        tpu.vector_store %arg7[%swap3A_967, %swap3A_968], %add3A_966 {strides = array<i32>} : memref<128x100xi32, #tpu.memory_space<vmem>>, vector<16xi32>,
        %dma_start3A_970 = arith.constant 0 : i32
        %dma_start3A_971 = tpu.memref_slice %arg7[%add3A_899, %dma_start3A_970] : memref<128x100xi32, #tpu.memory_space<vmem>> -> memref<1x100xi32, #tpu.memory_space<vmem>>
        %dma_start3A_972 = tpu.memref_squeeze %dma_start3A_971 : memref<1x100xi32, #tpu.memory_space<vmem>> -> memref<100xi32, #tpu.memory_space<vmem>>
        %dma_start3A_973 = arith.constant 0 : i32
        %dma_start3A_974 = arith.constant 0 : i32
        %dma_start3A_975 = tpu.memref_slice %arg5[%dma_start3A_973, %dma_start3A_974] : memref<100000x128xf32, #tpu.memory_space<hbm>> -> memref<100000x128xf32, #tpu.memory_space<hbm>>
        tpu.enqueue_indirect_dma source(%dma_start3A_975 : memref<100000x128xf32, #tpu.memory_space<hbm>>) target(%arg10 : memref<100x128xf32, #tpu.memory_space<vmem>>) offsets(%dma_start3A_972 : memref<100xi32, #tpu.memory_space<vmem>>) semaphore(%arg18 : memref<!tpu.dma_semaphore, #tpu.memory_space<semaphore_mem>>)
        %dma_start3A_976 = arith.constant 0 : i32
        %dma_start3A_977 = tpu.memref_slice %arg14[%dma_start3A_976] : memref<112xf32, #tpu.memory_space<vmem>> -> memref<100xf32, #tpu.memory_space<vmem>>
        %dma_start3A_978 = arith.constant 0 : i32
        %dma_start3A_979 = tpu.memref_slice %arg7[%add3A_899, %dma_start3A_978] : memref<128x100xi32, #tpu.memory_space<vmem>> -> memref<1x100xi32, #tpu.memory_space<vmem>>
        %dma_start3A_980 = tpu.memref_squeeze %dma_start3A_979 : memref<1x100xi32, #tpu.memory_space<vmem>> -> memref<100xi32, #tpu.memory_space<vmem>>
        %dma_start3A_981 = arith.constant 0 : i32
        %dma_start3A_982 = tpu.memref_slice %arg3[%dma_start3A_981] : memref<100000xf32, #tpu.memory_space<hbm>> -> memref<100000xf32, #tpu.memory_space<hbm>>
        tpu.enqueue_indirect_dma source(%dma_start3A_982 : memref<100000xf32, #tpu.memory_space<hbm>>) target(%dma_start3A_977 : memref<100xf32, #tpu.memory_space<vmem>>) offsets(%dma_start3A_980 : memref<100xi32, #tpu.memory_space<vmem>>) semaphore(%arg22 : memref<!tpu.dma_semaphore, #tpu.memory_space<semaphore_mem>>)
      } else {
      }
      %jit3A = arith.constant 16 : i32
      %eq3A = arith.constant 0 : i32
      %eq3A_546 = arith.cmpi eq, %jit3A, %eq3A : i32
      %jit3A_547 = arith.constant 1 : i32
      %select_n3A = arith.select %eq3A_546, %jit3A_547, %jit3A : i32
      %rem3A = arith.remsi %add3A_468, %select_n3A : i32
      %ne3A = arith.constant 0 : i32
      %ne3A_548 = arith.cmpi ne, %rem3A, %ne3A : i32
      %lt3A_549 = arith.constant 0 : i32
      %lt3A_550 = arith.cmpi slt, %rem3A, %lt3A_549 : i32
      %lt3A_551 = arith.constant 0 : i32
      %lt3A_552 = arith.cmpi slt, %select_n3A, %lt3A_551 : i32
      %ne3A_553 = arith.xori %lt3A_550, %lt3A_552 : i1
      %and3A = arith.andi %ne3A_553, %ne3A_548 : i1
      %add3A_554 = arith.addi %rem3A, %select_n3A : i32
      %select_n3A_555 = arith.select %and3A, %add3A_554, %rem3A : i32
      %eq3A_556 = vector.broadcast %select_n3A_555 : i32 to vector<16xi32>
      %eq3A_557 = arith.cmpi eq, %iota3A, %eq3A_556 : vector<16xi32>
      %broadcast_in_dim3A_558 = vector.broadcast %add3A_541 : f32 to vector<16xf32>
      %select_n3A_559 = arith.select %eq3A_557, %broadcast_in_dim3A_558, %scan3A_464 : vector<16xi1>, vector<16xf32>
      %add3A_560 = arith.constant 1 : i32
      %add3A_561 = arith.addi %mul3A_466, %add3A_560 : i32
      %dma_wait3A_562 = arith.constant 0 : i32
      %dma_wait3A_563 = tpu.memref_slice %arg7[%add3A_561, %dma_wait3A_562] : memref<128x100xi32, #tpu.memory_space<vmem>> -> memref<1x100xi32, #tpu.memory_space<vmem>>
      %dma_wait3A_564 = tpu.memref_squeeze %dma_wait3A_563 : memref<1x100xi32, #tpu.memory_space<vmem>> -> memref<100xi32, #tpu.memory_space<vmem>>
      %dma_wait3A_565 = arith.constant 0 : i32
      %dma_wait3A_566 = arith.constant 0 : i32
      %dma_wait3A_567 = tpu.memref_slice %arg5[%dma_wait3A_565, %dma_wait3A_566] : memref<100000x128xf32, #tpu.memory_space<hbm>> -> memref<100000x128xf32, #tpu.memory_space<hbm>>
      tpu.wait_indirect_dma semaphore(%arg19 : memref<!tpu.dma_semaphore, #tpu.memory_space<semaphore_mem>>) src(%dma_wait3A_567 : memref<100000x128xf32, #tpu.memory_space<hbm>>) dst(%arg11 : memref<100x128xf32, #tpu.memory_space<vmem>>)
      %dma_wait3A_568 = arith.constant 0 : i32
      %dma_wait3A_569 = tpu.memref_slice %arg15[%dma_wait3A_568] : memref<112xf32, #tpu.memory_space<vmem>> -> memref<100xf32, #tpu.memory_space<vmem>>
      %dma_wait3A_570 = arith.constant 0 : i32
      %dma_wait3A_571 = tpu.memref_slice %arg7[%add3A_561, %dma_wait3A_570] : memref<128x100xi32, #tpu.memory_space<vmem>> -> memref<1x100xi32, #tpu.memory_space<vmem>>
      %dma_wait3A_572 = tpu.memref_squeeze %dma_wait3A_571 : memref<1x100xi32, #tpu.memory_space<vmem>> -> memref<100xi32, #tpu.memory_space<vmem>>
      %dma_wait3A_573 = arith.constant 0 : i32
      %dma_wait3A_574 = tpu.memref_slice %arg3[%dma_wait3A_573] : memref<100000xf32, #tpu.memory_space<hbm>> -> memref<100000xf32, #tpu.memory_space<hbm>>
      tpu.wait_indirect_dma semaphore(%arg23 : memref<!tpu.dma_semaphore, #tpu.memory_space<semaphore_mem>>) src(%dma_wait3A_574 : memref<100000xf32, #tpu.memory_space<hbm>>) dst(%dma_wait3A_569 : memref<100xf32, #tpu.memory_space<vmem>>)
      %scan3A_575 = arith.constant 0 : i32
      %scan3A_576 = arith.constant 100 : i32
      %scan3A_577 = arith.addi %scan3A_575, %scan3A_576 : i32
      %scan3A_578 = arith.constant 4 : i32
      %scan3A_579:16 = scf.for %scan3A_898 = %scan3A_575 to %scan3A_577 step %scan3A_578 iter_args(%scan3A_899 = %broadcast_in_dim3A_7, %scan3A_900 = %broadcast_in_dim3A_7, %scan3A_901 = %broadcast_in_dim3A_7, %scan3A_902 = %broadcast_in_dim3A_7, %scan3A_903 = %broadcast_in_dim3A_7, %scan3A_904 = %broadcast_in_dim3A_7, %scan3A_905 = %broadcast_in_dim3A_7, %scan3A_906 = %broadcast_in_dim3A_7, %scan3A_907 = %broadcast_in_dim3A_7, %scan3A_908 = %broadcast_in_dim3A_7, %scan3A_909 = %broadcast_in_dim3A_7, %scan3A_910 = %broadcast_in_dim3A_7, %scan3A_911 = %broadcast_in_dim3A_7, %scan3A_912 = %broadcast_in_dim3A_7, %scan3A_913 = %broadcast_in_dim3A_7, %scan3A_914 = %broadcast_in_dim3A_7) -> (vector<16xf32>, vector<16xf32>, vector<16xf32>, vector<16xf32>, vector<16xf32>, vector<16xf32>, vector<16xf32>, vector<16xf32>, vector<16xf32>, vector<16xf32>, vector<16xf32>, vector<16xf32>, vector<16xf32>, vector<16xf32>, vector<16xf32>, vector<16xf32>)  : i32 {
        %get3A_915 = arith.index_cast %scan3A_898 : i32 to index
        %get3A_916 = arith.constant 0 : index
        %get3A_917 = tpu.vector_load %arg11[%get3A_915, %get3A_916] {strides = array<i32>} : memref<100x128xf32, #tpu.memory_space<vmem>>, vector<16xf32>,
        %add3A_918 = arith.addf %scan3A_899, %get3A_917 : vector<16xf32>
        %mul3A_919 = arith.mulf %get3A_917, %get3A_917 : vector<16xf32>
        %add3A_920 = arith.addf %scan3A_907, %mul3A_919 : vector<16xf32>
        %get3A_921 = arith.index_cast %scan3A_898 : i32 to index
        %get3A_922 = arith.constant 16 : index
        %get3A_923 = tpu.vector_load %arg11[%get3A_921, %get3A_922] {strides = array<i32>} : memref<100x128xf32, #tpu.memory_space<vmem>>, vector<16xf32>,
        %add3A_924 = arith.addf %scan3A_900, %get3A_923 : vector<16xf32>
        %mul3A_925 = arith.mulf %get3A_923, %get3A_923 : vector<16xf32>
        %add3A_926 = arith.addf %scan3A_908, %mul3A_925 : vector<16xf32>
        %get3A_927 = arith.index_cast %scan3A_898 : i32 to index
        %get3A_928 = arith.constant 32 : index
        %get3A_929 = tpu.vector_load %arg11[%get3A_927, %get3A_928] {strides = array<i32>} : memref<100x128xf32, #tpu.memory_space<vmem>>, vector<16xf32>,
        %add3A_930 = arith.addf %scan3A_901, %get3A_929 : vector<16xf32>
        %mul3A_931 = arith.mulf %get3A_929, %get3A_929 : vector<16xf32>
        %add3A_932 = arith.addf %scan3A_909, %mul3A_931 : vector<16xf32>
        %get3A_933 = arith.index_cast %scan3A_898 : i32 to index
        %get3A_934 = arith.constant 48 : index
        %get3A_935 = tpu.vector_load %arg11[%get3A_933, %get3A_934] {strides = array<i32>} : memref<100x128xf32, #tpu.memory_space<vmem>>, vector<16xf32>,
        %add3A_936 = arith.addf %scan3A_902, %get3A_935 : vector<16xf32>
        %mul3A_937 = arith.mulf %get3A_935, %get3A_935 : vector<16xf32>
        %add3A_938 = arith.addf %scan3A_910, %mul3A_937 : vector<16xf32>
        %get3A_939 = arith.index_cast %scan3A_898 : i32 to index
        %get3A_940 = arith.constant 64 : index
        %get3A_941 = tpu.vector_load %arg11[%get3A_939, %get3A_940] {strides = array<i32>} : memref<100x128xf32, #tpu.memory_space<vmem>>, vector<16xf32>,
        %add3A_942 = arith.addf %scan3A_903, %get3A_941 : vector<16xf32>
        %mul3A_943 = arith.mulf %get3A_941, %get3A_941 : vector<16xf32>
        %add3A_944 = arith.addf %scan3A_911, %mul3A_943 : vector<16xf32>
        %get3A_945 = arith.index_cast %scan3A_898 : i32 to index
        %get3A_946 = arith.constant 80 : index
        %get3A_947 = tpu.vector_load %arg11[%get3A_945, %get3A_946] {strides = array<i32>} : memref<100x128xf32, #tpu.memory_space<vmem>>, vector<16xf32>,
        %add3A_948 = arith.addf %scan3A_904, %get3A_947 : vector<16xf32>
        %mul3A_949 = arith.mulf %get3A_947, %get3A_947 : vector<16xf32>
        %add3A_950 = arith.addf %scan3A_912, %mul3A_949 : vector<16xf32>
        %get3A_951 = arith.index_cast %scan3A_898 : i32 to index
        %get3A_952 = arith.constant 96 : index
        %get3A_953 = tpu.vector_load %arg11[%get3A_951, %get3A_952] {strides = array<i32>} : memref<100x128xf32, #tpu.memory_space<vmem>>, vector<16xf32>,
        %add3A_954 = arith.addf %scan3A_905, %get3A_953 : vector<16xf32>
        %mul3A_955 = arith.mulf %get3A_953, %get3A_953 : vector<16xf32>
        %add3A_956 = arith.addf %scan3A_913, %mul3A_955 : vector<16xf32>
        %get3A_957 = arith.index_cast %scan3A_898 : i32 to index
        %get3A_958 = arith.constant 112 : index
        %get3A_959 = tpu.vector_load %arg11[%get3A_957, %get3A_958] {strides = array<i32>} : memref<100x128xf32, #tpu.memory_space<vmem>>, vector<16xf32>,
        %add3A_960 = arith.addf %scan3A_906, %get3A_959 : vector<16xf32>
        %mul3A_961 = arith.mulf %get3A_959, %get3A_959 : vector<16xf32>
        %add3A_962 = arith.addf %scan3A_914, %mul3A_961 : vector<16xf32>
        %scan3A_963 = arith.constant 1 : i32
        %scan3A_964 = arith.addi %scan3A_898, %scan3A_963 : i32
        %get3A_965 = arith.index_cast %scan3A_964 : i32 to index
        %get3A_966 = arith.constant 0 : index
        %get3A_967 = tpu.vector_load %arg11[%get3A_965, %get3A_966] {strides = array<i32>} : memref<100x128xf32, #tpu.memory_space<vmem>>, vector<16xf32>,
        %add3A_968 = arith.addf %add3A_918, %get3A_967 : vector<16xf32>
        %mul3A_969 = arith.mulf %get3A_967, %get3A_967 : vector<16xf32>
        %add3A_970 = arith.addf %add3A_920, %mul3A_969 : vector<16xf32>
        %get3A_971 = arith.index_cast %scan3A_964 : i32 to index
        %get3A_972 = arith.constant 16 : index
        %get3A_973 = tpu.vector_load %arg11[%get3A_971, %get3A_972] {strides = array<i32>} : memref<100x128xf32, #tpu.memory_space<vmem>>, vector<16xf32>,
        %add3A_974 = arith.addf %add3A_924, %get3A_973 : vector<16xf32>
        %mul3A_975 = arith.mulf %get3A_973, %get3A_973 : vector<16xf32>
        %add3A_976 = arith.addf %add3A_926, %mul3A_975 : vector<16xf32>
        %get3A_977 = arith.index_cast %scan3A_964 : i32 to index
        %get3A_978 = arith.constant 32 : index
        %get3A_979 = tpu.vector_load %arg11[%get3A_977, %get3A_978] {strides = array<i32>} : memref<100x128xf32, #tpu.memory_space<vmem>>, vector<16xf32>,
        %add3A_980 = arith.addf %add3A_930, %get3A_979 : vector<16xf32>
        %mul3A_981 = arith.mulf %get3A_979, %get3A_979 : vector<16xf32>
        %add3A_982 = arith.addf %add3A_932, %mul3A_981 : vector<16xf32>
        %get3A_983 = arith.index_cast %scan3A_964 : i32 to index
        %get3A_984 = arith.constant 48 : index
        %get3A_985 = tpu.vector_load %arg11[%get3A_983, %get3A_984] {strides = array<i32>} : memref<100x128xf32, #tpu.memory_space<vmem>>, vector<16xf32>,
        %add3A_986 = arith.addf %add3A_936, %get3A_985 : vector<16xf32>
        %mul3A_987 = arith.mulf %get3A_985, %get3A_985 : vector<16xf32>
        %add3A_988 = arith.addf %add3A_938, %mul3A_987 : vector<16xf32>
        %get3A_989 = arith.index_cast %scan3A_964 : i32 to index
        %get3A_990 = arith.constant 64 : index
        %get3A_991 = tpu.vector_load %arg11[%get3A_989, %get3A_990] {strides = array<i32>} : memref<100x128xf32, #tpu.memory_space<vmem>>, vector<16xf32>,
        %add3A_992 = arith.addf %add3A_942, %get3A_991 : vector<16xf32>
        %mul3A_993 = arith.mulf %get3A_991, %get3A_991 : vector<16xf32>
        %add3A_994 = arith.addf %add3A_944, %mul3A_993 : vector<16xf32>
        %get3A_995 = arith.index_cast %scan3A_964 : i32 to index
        %get3A_996 = arith.constant 80 : index
        %get3A_997 = tpu.vector_load %arg11[%get3A_995, %get3A_996] {strides = array<i32>} : memref<100x128xf32, #tpu.memory_space<vmem>>, vector<16xf32>,
        %add3A_998 = arith.addf %add3A_948, %get3A_997 : vector<16xf32>
        %mul3A_999 = arith.mulf %get3A_997, %get3A_997 : vector<16xf32>
        %add3A_1000 = arith.addf %add3A_950, %mul3A_999 : vector<16xf32>
        %get3A_1001 = arith.index_cast %scan3A_964 : i32 to index
        %get3A_1002 = arith.constant 96 : index
        %get3A_1003 = tpu.vector_load %arg11[%get3A_1001, %get3A_1002] {strides = array<i32>} : memref<100x128xf32, #tpu.memory_space<vmem>>, vector<16xf32>,
        %add3A_1004 = arith.addf %add3A_954, %get3A_1003 : vector<16xf32>
        %mul3A_1005 = arith.mulf %get3A_1003, %get3A_1003 : vector<16xf32>
        %add3A_1006 = arith.addf %add3A_956, %mul3A_1005 : vector<16xf32>
        %get3A_1007 = arith.index_cast %scan3A_964 : i32 to index
        %get3A_1008 = arith.constant 112 : index
        %get3A_1009 = tpu.vector_load %arg11[%get3A_1007, %get3A_1008] {strides = array<i32>} : memref<100x128xf32, #tpu.memory_space<vmem>>, vector<16xf32>,
        %add3A_1010 = arith.addf %add3A_960, %get3A_1009 : vector<16xf32>
        %mul3A_1011 = arith.mulf %get3A_1009, %get3A_1009 : vector<16xf32>
        %add3A_1012 = arith.addf %add3A_962, %mul3A_1011 : vector<16xf32>
        %scan3A_1013 = arith.constant 2 : i32
        %scan3A_1014 = arith.addi %scan3A_898, %scan3A_1013 : i32
        %get3A_1015 = arith.index_cast %scan3A_1014 : i32 to index
        %get3A_1016 = arith.constant 0 : index
        %get3A_1017 = tpu.vector_load %arg11[%get3A_1015, %get3A_1016] {strides = array<i32>} : memref<100x128xf32, #tpu.memory_space<vmem>>, vector<16xf32>,
        %add3A_1018 = arith.addf %add3A_968, %get3A_1017 : vector<16xf32>
        %mul3A_1019 = arith.mulf %get3A_1017, %get3A_1017 : vector<16xf32>
        %add3A_1020 = arith.addf %add3A_970, %mul3A_1019 : vector<16xf32>
        %get3A_1021 = arith.index_cast %scan3A_1014 : i32 to index
        %get3A_1022 = arith.constant 16 : index
        %get3A_1023 = tpu.vector_load %arg11[%get3A_1021, %get3A_1022] {strides = array<i32>} : memref<100x128xf32, #tpu.memory_space<vmem>>, vector<16xf32>,
        %add3A_1024 = arith.addf %add3A_974, %get3A_1023 : vector<16xf32>
        %mul3A_1025 = arith.mulf %get3A_1023, %get3A_1023 : vector<16xf32>
        %add3A_1026 = arith.addf %add3A_976, %mul3A_1025 : vector<16xf32>
        %get3A_1027 = arith.index_cast %scan3A_1014 : i32 to index
        %get3A_1028 = arith.constant 32 : index
        %get3A_1029 = tpu.vector_load %arg11[%get3A_1027, %get3A_1028] {strides = array<i32>} : memref<100x128xf32, #tpu.memory_space<vmem>>, vector<16xf32>,
        %add3A_1030 = arith.addf %add3A_980, %get3A_1029 : vector<16xf32>
        %mul3A_1031 = arith.mulf %get3A_1029, %get3A_1029 : vector<16xf32>
        %add3A_1032 = arith.addf %add3A_982, %mul3A_1031 : vector<16xf32>
        %get3A_1033 = arith.index_cast %scan3A_1014 : i32 to index
        %get3A_1034 = arith.constant 48 : index
        %get3A_1035 = tpu.vector_load %arg11[%get3A_1033, %get3A_1034] {strides = array<i32>} : memref<100x128xf32, #tpu.memory_space<vmem>>, vector<16xf32>,
        %add3A_1036 = arith.addf %add3A_986, %get3A_1035 : vector<16xf32>
        %mul3A_1037 = arith.mulf %get3A_1035, %get3A_1035 : vector<16xf32>
        %add3A_1038 = arith.addf %add3A_988, %mul3A_1037 : vector<16xf32>
        %get3A_1039 = arith.index_cast %scan3A_1014 : i32 to index
        %get3A_1040 = arith.constant 64 : index
        %get3A_1041 = tpu.vector_load %arg11[%get3A_1039, %get3A_1040] {strides = array<i32>} : memref<100x128xf32, #tpu.memory_space<vmem>>, vector<16xf32>,
        %add3A_1042 = arith.addf %add3A_992, %get3A_1041 : vector<16xf32>
        %mul3A_1043 = arith.mulf %get3A_1041, %get3A_1041 : vector<16xf32>
        %add3A_1044 = arith.addf %add3A_994, %mul3A_1043 : vector<16xf32>
        %get3A_1045 = arith.index_cast %scan3A_1014 : i32 to index
        %get3A_1046 = arith.constant 80 : index
        %get3A_1047 = tpu.vector_load %arg11[%get3A_1045, %get3A_1046] {strides = array<i32>} : memref<100x128xf32, #tpu.memory_space<vmem>>, vector<16xf32>,
        %add3A_1048 = arith.addf %add3A_998, %get3A_1047 : vector<16xf32>
        %mul3A_1049 = arith.mulf %get3A_1047, %get3A_1047 : vector<16xf32>
        %add3A_1050 = arith.addf %add3A_1000, %mul3A_1049 : vector<16xf32>
        %get3A_1051 = arith.index_cast %scan3A_1014 : i32 to index
        %get3A_1052 = arith.constant 96 : index
        %get3A_1053 = tpu.vector_load %arg11[%get3A_1051, %get3A_1052] {strides = array<i32>} : memref<100x128xf32, #tpu.memory_space<vmem>>, vector<16xf32>,
        %add3A_1054 = arith.addf %add3A_1004, %get3A_1053 : vector<16xf32>
        %mul3A_1055 = arith.mulf %get3A_1053, %get3A_1053 : vector<16xf32>
        %add3A_1056 = arith.addf %add3A_1006, %mul3A_1055 : vector<16xf32>
        %get3A_1057 = arith.index_cast %scan3A_1014 : i32 to index
        %get3A_1058 = arith.constant 112 : index
        %get3A_1059 = tpu.vector_load %arg11[%get3A_1057, %get3A_1058] {strides = array<i32>} : memref<100x128xf32, #tpu.memory_space<vmem>>, vector<16xf32>,
        %add3A_1060 = arith.addf %add3A_1010, %get3A_1059 : vector<16xf32>
        %mul3A_1061 = arith.mulf %get3A_1059, %get3A_1059 : vector<16xf32>
        %add3A_1062 = arith.addf %add3A_1012, %mul3A_1061 : vector<16xf32>
        %scan3A_1063 = arith.constant 3 : i32
        %scan3A_1064 = arith.addi %scan3A_898, %scan3A_1063 : i32
        %get3A_1065 = arith.index_cast %scan3A_1064 : i32 to index
        %get3A_1066 = arith.constant 0 : index
        %get3A_1067 = tpu.vector_load %arg11[%get3A_1065, %get3A_1066] {strides = array<i32>} : memref<100x128xf32, #tpu.memory_space<vmem>>, vector<16xf32>,
        %add3A_1068 = arith.addf %add3A_1018, %get3A_1067 : vector<16xf32>
        %mul3A_1069 = arith.mulf %get3A_1067, %get3A_1067 : vector<16xf32>
        %add3A_1070 = arith.addf %add3A_1020, %mul3A_1069 : vector<16xf32>
        %get3A_1071 = arith.index_cast %scan3A_1064 : i32 to index
        %get3A_1072 = arith.constant 16 : index
        %get3A_1073 = tpu.vector_load %arg11[%get3A_1071, %get3A_1072] {strides = array<i32>} : memref<100x128xf32, #tpu.memory_space<vmem>>, vector<16xf32>,
        %add3A_1074 = arith.addf %add3A_1024, %get3A_1073 : vector<16xf32>
        %mul3A_1075 = arith.mulf %get3A_1073, %get3A_1073 : vector<16xf32>
        %add3A_1076 = arith.addf %add3A_1026, %mul3A_1075 : vector<16xf32>
        %get3A_1077 = arith.index_cast %scan3A_1064 : i32 to index
        %get3A_1078 = arith.constant 32 : index
        %get3A_1079 = tpu.vector_load %arg11[%get3A_1077, %get3A_1078] {strides = array<i32>} : memref<100x128xf32, #tpu.memory_space<vmem>>, vector<16xf32>,
        %add3A_1080 = arith.addf %add3A_1030, %get3A_1079 : vector<16xf32>
        %mul3A_1081 = arith.mulf %get3A_1079, %get3A_1079 : vector<16xf32>
        %add3A_1082 = arith.addf %add3A_1032, %mul3A_1081 : vector<16xf32>
        %get3A_1083 = arith.index_cast %scan3A_1064 : i32 to index
        %get3A_1084 = arith.constant 48 : index
        %get3A_1085 = tpu.vector_load %arg11[%get3A_1083, %get3A_1084] {strides = array<i32>} : memref<100x128xf32, #tpu.memory_space<vmem>>, vector<16xf32>,
        %add3A_1086 = arith.addf %add3A_1036, %get3A_1085 : vector<16xf32>
        %mul3A_1087 = arith.mulf %get3A_1085, %get3A_1085 : vector<16xf32>
        %add3A_1088 = arith.addf %add3A_1038, %mul3A_1087 : vector<16xf32>
        %get3A_1089 = arith.index_cast %scan3A_1064 : i32 to index
        %get3A_1090 = arith.constant 64 : index
        %get3A_1091 = tpu.vector_load %arg11[%get3A_1089, %get3A_1090] {strides = array<i32>} : memref<100x128xf32, #tpu.memory_space<vmem>>, vector<16xf32>,
        %add3A_1092 = arith.addf %add3A_1042, %get3A_1091 : vector<16xf32>
        %mul3A_1093 = arith.mulf %get3A_1091, %get3A_1091 : vector<16xf32>
        %add3A_1094 = arith.addf %add3A_1044, %mul3A_1093 : vector<16xf32>
        %get3A_1095 = arith.index_cast %scan3A_1064 : i32 to index
        %get3A_1096 = arith.constant 80 : index
        %get3A_1097 = tpu.vector_load %arg11[%get3A_1095, %get3A_1096] {strides = array<i32>} : memref<100x128xf32, #tpu.memory_space<vmem>>, vector<16xf32>,
        %add3A_1098 = arith.addf %add3A_1048, %get3A_1097 : vector<16xf32>
        %mul3A_1099 = arith.mulf %get3A_1097, %get3A_1097 : vector<16xf32>
        %add3A_1100 = arith.addf %add3A_1050, %mul3A_1099 : vector<16xf32>
        %get3A_1101 = arith.index_cast %scan3A_1064 : i32 to index
        %get3A_1102 = arith.constant 96 : index
        %get3A_1103 = tpu.vector_load %arg11[%get3A_1101, %get3A_1102] {strides = array<i32>} : memref<100x128xf32, #tpu.memory_space<vmem>>, vector<16xf32>,
        %add3A_1104 = arith.addf %add3A_1054, %get3A_1103 : vector<16xf32>
        %mul3A_1105 = arith.mulf %get3A_1103, %get3A_1103 : vector<16xf32>
        %add3A_1106 = arith.addf %add3A_1056, %mul3A_1105 : vector<16xf32>
        %get3A_1107 = arith.index_cast %scan3A_1064 : i32 to index
        %get3A_1108 = arith.constant 112 : index
        %get3A_1109 = tpu.vector_load %arg11[%get3A_1107, %get3A_1108] {strides = array<i32>} : memref<100x128xf32, #tpu.memory_space<vmem>>, vector<16xf32>,
        %add3A_1110 = arith.addf %add3A_1060, %get3A_1109 : vector<16xf32>
        %mul3A_1111 = arith.mulf %get3A_1109, %get3A_1109 : vector<16xf32>
        %add3A_1112 = arith.addf %add3A_1062, %mul3A_1111 : vector<16xf32>
        scf.yield %add3A_1068, %add3A_1074, %add3A_1080, %add3A_1086, %add3A_1092, %add3A_1098, %add3A_1104, %add3A_1110, %add3A_1070, %add3A_1076, %add3A_1082, %add3A_1088, %add3A_1094, %add3A_1100, %add3A_1106, %add3A_1112 : vector<16xf32>, vector<16xf32>, vector<16xf32>, vector<16xf32>, vector<16xf32>, vector<16xf32>, vector<16xf32>, vector<16xf32>, vector<16xf32>, vector<16xf32>, vector<16xf32>, vector<16xf32>, vector<16xf32>, vector<16xf32>, vector<16xf32>, vector<16xf32>
      }
      %scan3A_580 = arith.constant 100 : i32
      %mul3A_581 = arith.mulf %scan3A_579#0, %scan3A_579#0 : vector<16xf32>
      %sub3A_582 = arith.subf %mul3A_581, %scan3A_579#8 : vector<16xf32>
      %add3A_583 = arith.addf %broadcast_in_dim3A_7, %sub3A_582 : vector<16xf32>
      %mul3A_584 = arith.mulf %scan3A_579#1, %scan3A_579#1 : vector<16xf32>
      %sub3A_585 = arith.subf %mul3A_584, %scan3A_579#9 : vector<16xf32>
      %add3A_586 = arith.addf %add3A_583, %sub3A_585 : vector<16xf32>
      %mul3A_587 = arith.mulf %scan3A_579#2, %scan3A_579#2 : vector<16xf32>
      %sub3A_588 = arith.subf %mul3A_587, %scan3A_579#10 : vector<16xf32>
      %add3A_589 = arith.addf %add3A_586, %sub3A_588 : vector<16xf32>
      %mul3A_590 = arith.mulf %scan3A_579#3, %scan3A_579#3 : vector<16xf32>
      %sub3A_591 = arith.subf %mul3A_590, %scan3A_579#11 : vector<16xf32>
      %add3A_592 = arith.addf %add3A_589, %sub3A_591 : vector<16xf32>
      %mul3A_593 = arith.mulf %scan3A_579#4, %scan3A_579#4 : vector<16xf32>
      %sub3A_594 = arith.subf %mul3A_593, %scan3A_579#12 : vector<16xf32>
      %add3A_595 = arith.addf %add3A_592, %sub3A_594 : vector<16xf32>
      %mul3A_596 = arith.mulf %scan3A_579#5, %scan3A_579#5 : vector<16xf32>
      %sub3A_597 = arith.subf %mul3A_596, %scan3A_579#13 : vector<16xf32>
      %add3A_598 = arith.addf %add3A_595, %sub3A_597 : vector<16xf32>
      %mul3A_599 = arith.mulf %scan3A_579#6, %scan3A_579#6 : vector<16xf32>
      %sub3A_600 = arith.subf %mul3A_599, %scan3A_579#14 : vector<16xf32>
      %add3A_601 = arith.addf %add3A_598, %sub3A_600 : vector<16xf32>
      %mul3A_602 = arith.mulf %scan3A_579#7, %scan3A_579#7 : vector<16xf32>
      %sub3A_603 = arith.subf %mul3A_602, %scan3A_579#15 : vector<16xf32>
      %add3A_604 = arith.addf %add3A_601, %sub3A_603 : vector<16xf32>
      %reduce_sum3A_605 = arith.constant true
      %reduce_sum3A_606 = vector.broadcast %reduce_sum3A_605 : i1 to vector<16xi1>
      %reduce_sum3A_607 = tpu.scan <sum>, %add3A_604 masked %reduce_sum3A_606 : vector<16xf32>, vector<16xi1> -> vector<16xf32>
      %reduce_sum3A_608 = vector.extract %reduce_sum3A_607[15] : f32 from vector<16xf32>
      %get3A_609 = arith.constant 0 : index
      %get3A_610 = tpu.vector_load %arg15[%get3A_609] {strides = array<i32>} : memref<112xf32, #tpu.memory_space<vmem>>, vector<16xf32>,
      %add3A_611 = arith.addf %broadcast_in_dim3A_7, %get3A_610 : vector<16xf32>
      %get3A_612 = arith.constant 16 : index
      %get3A_613 = tpu.vector_load %arg15[%get3A_612] {strides = array<i32>} : memref<112xf32, #tpu.memory_space<vmem>>, vector<16xf32>,
      %add3A_614 = arith.addf %add3A_611, %get3A_613 : vector<16xf32>
      %get3A_615 = arith.constant 32 : index
      %get3A_616 = tpu.vector_load %arg15[%get3A_615] {strides = array<i32>} : memref<112xf32, #tpu.memory_space<vmem>>, vector<16xf32>,
      %add3A_617 = arith.addf %add3A_614, %get3A_616 : vector<16xf32>
      %get3A_618 = arith.constant 48 : index
      %get3A_619 = tpu.vector_load %arg15[%get3A_618] {strides = array<i32>} : memref<112xf32, #tpu.memory_space<vmem>>, vector<16xf32>,
      %add3A_620 = arith.addf %add3A_617, %get3A_619 : vector<16xf32>
      %get3A_621 = arith.constant 64 : index
      %get3A_622 = tpu.vector_load %arg15[%get3A_621] {strides = array<i32>} : memref<112xf32, #tpu.memory_space<vmem>>, vector<16xf32>,
      %add3A_623 = arith.addf %add3A_620, %get3A_622 : vector<16xf32>
      %get3A_624 = arith.constant 80 : index
      %get3A_625 = tpu.vector_load %arg15[%get3A_624] {strides = array<i32>} : memref<112xf32, #tpu.memory_space<vmem>>, vector<16xf32>,
      %add3A_626 = arith.addf %add3A_623, %get3A_625 : vector<16xf32>
      %get3A_627 = arith.constant 96 : index
      %get3A_628 = tpu.vector_load %arg15[%get3A_627] {strides = array<i32>} : memref<112xf32, #tpu.memory_space<vmem>>, vector<16xf32>,
      %add3A_629 = arith.addf %add3A_626, %get3A_628 : vector<16xf32>
      %reduce_sum3A_630 = arith.constant true
      %reduce_sum3A_631 = vector.broadcast %reduce_sum3A_630 : i1 to vector<16xi1>
      %reduce_sum3A_632 = tpu.scan <sum>, %add3A_629 masked %reduce_sum3A_631 : vector<16xf32>, vector<16xi1> -> vector<16xf32>
      %reduce_sum3A_633 = vector.extract %reduce_sum3A_632[15] : f32 from vector<16xf32>
      %add3A_634 = arith.addf %reduce_sum3A_633, %squeeze3A : f32
      %mul3A_635 = arith.constant 5.000000e-01 : f32
      %mul3A_636 = arith.mulf %mul3A_635, %reduce_sum3A_608 : f32
      %add3A_637 = arith.addf %add3A_634, %mul3A_636 : f32
      %add3A_638 = arith.constant 4 : i32
      %add3A_639 = arith.addi %add3A_561, %add3A_638 : i32
      %lt3A_640 = arith.constant 128 : i32
      %lt3A_641 = arith.cmpi slt, %add3A_639, %lt3A_640 : i32
      %convert_element_type3A_642 = arith.extui %lt3A_641 : i1 to i32
      %cond3A_643 = arith.constant 0 : i32
      %cond3A_644 = arith.cmpi ne, %convert_element_type3A_642, %cond3A_643 : i32
      scf.if %cond3A_644 {
        %add3A_898 = arith.constant 4 : i32
        %add3A_899 = arith.addi %add3A_561, %add3A_898 : i32
        %get3A_900 = arith.index_cast %add3A_899 : i32 to index
        %get3A_901 = arith.constant 84 : index
        %get3A_902 = tpu.vector_load %arg7[%get3A_900, %get3A_901] {strides = array<i32>} : memref<128x100xi32, #tpu.memory_space<vmem>>, vector<16xi32>,
        %get3A_903 = arith.index_cast %add3A_899 : i32 to index
        %get3A_904 = arith.constant 0 : index
        %get3A_905 = tpu.vector_load %arg7[%get3A_903, %get3A_904] {strides = array<i32>} : memref<128x100xi32, #tpu.memory_space<vmem>>, vector<16xi32>,
        %add3A_906 = arith.constant 0 : i32
        %add3A_907 = vector.broadcast %add3A_906 : i32 to vector<16xi32>
        %add3A_908 = arith.addi %add3A_907, %mul3A_6 : vector<16xi32>
        %add3A_909 = arith.addi %get3A_905, %add3A_908 : vector<16xi32>
        %swap3A_910 = arith.index_cast %add3A_899 : i32 to index
        %swap3A_911 = arith.constant 0 : index
        %swap3A_912 = tpu.vector_load %arg7[%swap3A_910, %swap3A_911] {strides = array<i32>} : memref<128x100xi32, #tpu.memory_space<vmem>>, vector<16xi32>,
        tpu.vector_store %arg7[%swap3A_910, %swap3A_911], %add3A_909 {strides = array<i32>} : memref<128x100xi32, #tpu.memory_space<vmem>>, vector<16xi32>,
        %get3A_913 = arith.index_cast %add3A_899 : i32 to index
        %get3A_914 = arith.constant 16 : index
        %get3A_915 = tpu.vector_load %arg7[%get3A_913, %get3A_914] {strides = array<i32>} : memref<128x100xi32, #tpu.memory_space<vmem>>, vector<16xi32>,
        %add3A_916 = arith.constant 16000 : i32
        %add3A_917 = vector.broadcast %add3A_916 : i32 to vector<16xi32>
        %add3A_918 = arith.addi %add3A_917, %mul3A_6 : vector<16xi32>
        %add3A_919 = arith.addi %get3A_915, %add3A_918 : vector<16xi32>
        %swap3A_920 = arith.index_cast %add3A_899 : i32 to index
        %swap3A_921 = arith.constant 16 : index
        %swap3A_922 = tpu.vector_load %arg7[%swap3A_920, %swap3A_921] {strides = array<i32>} : memref<128x100xi32, #tpu.memory_space<vmem>>, vector<16xi32>,
        tpu.vector_store %arg7[%swap3A_920, %swap3A_921], %add3A_919 {strides = array<i32>} : memref<128x100xi32, #tpu.memory_space<vmem>>, vector<16xi32>,
        %get3A_923 = arith.index_cast %add3A_899 : i32 to index
        %get3A_924 = arith.constant 32 : index
        %get3A_925 = tpu.vector_load %arg7[%get3A_923, %get3A_924] {strides = array<i32>} : memref<128x100xi32, #tpu.memory_space<vmem>>, vector<16xi32>,
        %add3A_926 = arith.constant 32000 : i32
        %add3A_927 = vector.broadcast %add3A_926 : i32 to vector<16xi32>
        %add3A_928 = arith.addi %add3A_927, %mul3A_6 : vector<16xi32>
        %add3A_929 = arith.addi %get3A_925, %add3A_928 : vector<16xi32>
        %swap3A_930 = arith.index_cast %add3A_899 : i32 to index
        %swap3A_931 = arith.constant 32 : index
        %swap3A_932 = tpu.vector_load %arg7[%swap3A_930, %swap3A_931] {strides = array<i32>} : memref<128x100xi32, #tpu.memory_space<vmem>>, vector<16xi32>,
        tpu.vector_store %arg7[%swap3A_930, %swap3A_931], %add3A_929 {strides = array<i32>} : memref<128x100xi32, #tpu.memory_space<vmem>>, vector<16xi32>,
        %get3A_933 = arith.index_cast %add3A_899 : i32 to index
        %get3A_934 = arith.constant 48 : index
        %get3A_935 = tpu.vector_load %arg7[%get3A_933, %get3A_934] {strides = array<i32>} : memref<128x100xi32, #tpu.memory_space<vmem>>, vector<16xi32>,
        %add3A_936 = arith.constant 48000 : i32
        %add3A_937 = vector.broadcast %add3A_936 : i32 to vector<16xi32>
        %add3A_938 = arith.addi %add3A_937, %mul3A_6 : vector<16xi32>
        %add3A_939 = arith.addi %get3A_935, %add3A_938 : vector<16xi32>
        %swap3A_940 = arith.index_cast %add3A_899 : i32 to index
        %swap3A_941 = arith.constant 48 : index
        %swap3A_942 = tpu.vector_load %arg7[%swap3A_940, %swap3A_941] {strides = array<i32>} : memref<128x100xi32, #tpu.memory_space<vmem>>, vector<16xi32>,
        tpu.vector_store %arg7[%swap3A_940, %swap3A_941], %add3A_939 {strides = array<i32>} : memref<128x100xi32, #tpu.memory_space<vmem>>, vector<16xi32>,
        %get3A_943 = arith.index_cast %add3A_899 : i32 to index
        %get3A_944 = arith.constant 64 : index
        %get3A_945 = tpu.vector_load %arg7[%get3A_943, %get3A_944] {strides = array<i32>} : memref<128x100xi32, #tpu.memory_space<vmem>>, vector<16xi32>,
        %add3A_946 = arith.constant 64000 : i32
        %add3A_947 = vector.broadcast %add3A_946 : i32 to vector<16xi32>
        %add3A_948 = arith.addi %add3A_947, %mul3A_6 : vector<16xi32>
        %add3A_949 = arith.addi %get3A_945, %add3A_948 : vector<16xi32>
        %swap3A_950 = arith.index_cast %add3A_899 : i32 to index
        %swap3A_951 = arith.constant 64 : index
        %swap3A_952 = tpu.vector_load %arg7[%swap3A_950, %swap3A_951] {strides = array<i32>} : memref<128x100xi32, #tpu.memory_space<vmem>>, vector<16xi32>,
        tpu.vector_store %arg7[%swap3A_950, %swap3A_951], %add3A_949 {strides = array<i32>} : memref<128x100xi32, #tpu.memory_space<vmem>>, vector<16xi32>,
        %get3A_953 = arith.index_cast %add3A_899 : i32 to index
        %get3A_954 = arith.constant 80 : index
        %get3A_955 = tpu.vector_load %arg7[%get3A_953, %get3A_954] {strides = array<i32>} : memref<128x100xi32, #tpu.memory_space<vmem>>, vector<16xi32>,
        %add3A_956 = arith.constant 80000 : i32
        %add3A_957 = vector.broadcast %add3A_956 : i32 to vector<16xi32>
        %add3A_958 = arith.addi %add3A_957, %mul3A_6 : vector<16xi32>
        %add3A_959 = arith.addi %get3A_955, %add3A_958 : vector<16xi32>
        %swap3A_960 = arith.index_cast %add3A_899 : i32 to index
        %swap3A_961 = arith.constant 80 : index
        %swap3A_962 = tpu.vector_load %arg7[%swap3A_960, %swap3A_961] {strides = array<i32>} : memref<128x100xi32, #tpu.memory_space<vmem>>, vector<16xi32>,
        tpu.vector_store %arg7[%swap3A_960, %swap3A_961], %add3A_959 {strides = array<i32>} : memref<128x100xi32, #tpu.memory_space<vmem>>, vector<16xi32>,
        %add3A_963 = arith.constant 84000 : i32
        %add3A_964 = vector.broadcast %add3A_963 : i32 to vector<16xi32>
        %add3A_965 = arith.addi %add3A_964, %mul3A_6 : vector<16xi32>
        %add3A_966 = arith.addi %get3A_902, %add3A_965 : vector<16xi32>
        %swap3A_967 = arith.index_cast %add3A_899 : i32 to index
        %swap3A_968 = arith.constant 84 : index
        %swap3A_969 = tpu.vector_load %arg7[%swap3A_967, %swap3A_968] {strides = array<i32>} : memref<128x100xi32, #tpu.memory_space<vmem>>, vector<16xi32>,
        tpu.vector_store %arg7[%swap3A_967, %swap3A_968], %add3A_966 {strides = array<i32>} : memref<128x100xi32, #tpu.memory_space<vmem>>, vector<16xi32>,
        %dma_start3A_970 = arith.constant 0 : i32
        %dma_start3A_971 = tpu.memref_slice %arg7[%add3A_899, %dma_start3A_970] : memref<128x100xi32, #tpu.memory_space<vmem>> -> memref<1x100xi32, #tpu.memory_space<vmem>>
        %dma_start3A_972 = tpu.memref_squeeze %dma_start3A_971 : memref<1x100xi32, #tpu.memory_space<vmem>> -> memref<100xi32, #tpu.memory_space<vmem>>
        %dma_start3A_973 = arith.constant 0 : i32
        %dma_start3A_974 = arith.constant 0 : i32
        %dma_start3A_975 = tpu.memref_slice %arg5[%dma_start3A_973, %dma_start3A_974] : memref<100000x128xf32, #tpu.memory_space<hbm>> -> memref<100000x128xf32, #tpu.memory_space<hbm>>
        tpu.enqueue_indirect_dma source(%dma_start3A_975 : memref<100000x128xf32, #tpu.memory_space<hbm>>) target(%arg11 : memref<100x128xf32, #tpu.memory_space<vmem>>) offsets(%dma_start3A_972 : memref<100xi32, #tpu.memory_space<vmem>>) semaphore(%arg19 : memref<!tpu.dma_semaphore, #tpu.memory_space<semaphore_mem>>)
        %dma_start3A_976 = arith.constant 0 : i32
        %dma_start3A_977 = tpu.memref_slice %arg15[%dma_start3A_976] : memref<112xf32, #tpu.memory_space<vmem>> -> memref<100xf32, #tpu.memory_space<vmem>>
        %dma_start3A_978 = arith.constant 0 : i32
        %dma_start3A_979 = tpu.memref_slice %arg7[%add3A_899, %dma_start3A_978] : memref<128x100xi32, #tpu.memory_space<vmem>> -> memref<1x100xi32, #tpu.memory_space<vmem>>
        %dma_start3A_980 = tpu.memref_squeeze %dma_start3A_979 : memref<1x100xi32, #tpu.memory_space<vmem>> -> memref<100xi32, #tpu.memory_space<vmem>>
        %dma_start3A_981 = arith.constant 0 : i32
        %dma_start3A_982 = tpu.memref_slice %arg3[%dma_start3A_981] : memref<100000xf32, #tpu.memory_space<hbm>> -> memref<100000xf32, #tpu.memory_space<hbm>>
        tpu.enqueue_indirect_dma source(%dma_start3A_982 : memref<100000xf32, #tpu.memory_space<hbm>>) target(%dma_start3A_977 : memref<100xf32, #tpu.memory_space<vmem>>) offsets(%dma_start3A_980 : memref<100xi32, #tpu.memory_space<vmem>>) semaphore(%arg23 : memref<!tpu.dma_semaphore, #tpu.memory_space<semaphore_mem>>)
      } else {
      }
      %jit3A_645 = arith.constant 16 : i32
      %eq3A_646 = arith.constant 0 : i32
      %eq3A_647 = arith.cmpi eq, %jit3A_645, %eq3A_646 : i32
      %jit3A_648 = arith.constant 1 : i32
      %select_n3A_649 = arith.select %eq3A_647, %jit3A_648, %jit3A_645 : i32
      %rem3A_650 = arith.remsi %add3A_561, %select_n3A_649 : i32
      %ne3A_651 = arith.constant 0 : i32
      %ne3A_652 = arith.cmpi ne, %rem3A_650, %ne3A_651 : i32
      %lt3A_653 = arith.constant 0 : i32
      %lt3A_654 = arith.cmpi slt, %rem3A_650, %lt3A_653 : i32
      %lt3A_655 = arith.constant 0 : i32
      %lt3A_656 = arith.cmpi slt, %select_n3A_649, %lt3A_655 : i32
      %ne3A_657 = arith.xori %lt3A_654, %lt3A_656 : i1
      %and3A_658 = arith.andi %ne3A_657, %ne3A_652 : i1
      %add3A_659 = arith.addi %rem3A_650, %select_n3A_649 : i32
      %select_n3A_660 = arith.select %and3A_658, %add3A_659, %rem3A_650 : i32
      %eq3A_661 = vector.broadcast %select_n3A_660 : i32 to vector<16xi32>
      %eq3A_662 = arith.cmpi eq, %iota3A, %eq3A_661 : vector<16xi32>
      %broadcast_in_dim3A_663 = vector.broadcast %add3A_637 : f32 to vector<16xf32>
      %select_n3A_664 = arith.select %eq3A_662, %broadcast_in_dim3A_663, %select_n3A_559 : vector<16xi1>, vector<16xf32>
      %add3A_665 = arith.constant 2 : i32
      %add3A_666 = arith.addi %mul3A_466, %add3A_665 : i32
      %dma_wait3A_667 = arith.constant 0 : i32
      %dma_wait3A_668 = tpu.memref_slice %arg7[%add3A_666, %dma_wait3A_667] : memref<128x100xi32, #tpu.memory_space<vmem>> -> memref<1x100xi32, #tpu.memory_space<vmem>>
      %dma_wait3A_669 = tpu.memref_squeeze %dma_wait3A_668 : memref<1x100xi32, #tpu.memory_space<vmem>> -> memref<100xi32, #tpu.memory_space<vmem>>
      %dma_wait3A_670 = arith.constant 0 : i32
      %dma_wait3A_671 = arith.constant 0 : i32
      %dma_wait3A_672 = tpu.memref_slice %arg5[%dma_wait3A_670, %dma_wait3A_671] : memref<100000x128xf32, #tpu.memory_space<hbm>> -> memref<100000x128xf32, #tpu.memory_space<hbm>>
      tpu.wait_indirect_dma semaphore(%arg20 : memref<!tpu.dma_semaphore, #tpu.memory_space<semaphore_mem>>) src(%dma_wait3A_672 : memref<100000x128xf32, #tpu.memory_space<hbm>>) dst(%arg12 : memref<100x128xf32, #tpu.memory_space<vmem>>)
      %dma_wait3A_673 = arith.constant 0 : i32
      %dma_wait3A_674 = tpu.memref_slice %arg16[%dma_wait3A_673] : memref<112xf32, #tpu.memory_space<vmem>> -> memref<100xf32, #tpu.memory_space<vmem>>
      %dma_wait3A_675 = arith.constant 0 : i32
      %dma_wait3A_676 = tpu.memref_slice %arg7[%add3A_666, %dma_wait3A_675] : memref<128x100xi32, #tpu.memory_space<vmem>> -> memref<1x100xi32, #tpu.memory_space<vmem>>
      %dma_wait3A_677 = tpu.memref_squeeze %dma_wait3A_676 : memref<1x100xi32, #tpu.memory_space<vmem>> -> memref<100xi32, #tpu.memory_space<vmem>>
      %dma_wait3A_678 = arith.constant 0 : i32
      %dma_wait3A_679 = tpu.memref_slice %arg3[%dma_wait3A_678] : memref<100000xf32, #tpu.memory_space<hbm>> -> memref<100000xf32, #tpu.memory_space<hbm>>
      tpu.wait_indirect_dma semaphore(%arg24 : memref<!tpu.dma_semaphore, #tpu.memory_space<semaphore_mem>>) src(%dma_wait3A_679 : memref<100000xf32, #tpu.memory_space<hbm>>) dst(%dma_wait3A_674 : memref<100xf32, #tpu.memory_space<vmem>>)
      %scan3A_680 = arith.constant 0 : i32
      %scan3A_681 = arith.constant 100 : i32
      %scan3A_682 = arith.addi %scan3A_680, %scan3A_681 : i32
      %scan3A_683 = arith.constant 4 : i32
      %scan3A_684:16 = scf.for %scan3A_898 = %scan3A_680 to %scan3A_682 step %scan3A_683 iter_args(%scan3A_899 = %broadcast_in_dim3A_7, %scan3A_900 = %broadcast_in_dim3A_7, %scan3A_901 = %broadcast_in_dim3A_7, %scan3A_902 = %broadcast_in_dim3A_7, %scan3A_903 = %broadcast_in_dim3A_7, %scan3A_904 = %broadcast_in_dim3A_7, %scan3A_905 = %broadcast_in_dim3A_7, %scan3A_906 = %broadcast_in_dim3A_7, %scan3A_907 = %broadcast_in_dim3A_7, %scan3A_908 = %broadcast_in_dim3A_7, %scan3A_909 = %broadcast_in_dim3A_7, %scan3A_910 = %broadcast_in_dim3A_7, %scan3A_911 = %broadcast_in_dim3A_7, %scan3A_912 = %broadcast_in_dim3A_7, %scan3A_913 = %broadcast_in_dim3A_7, %scan3A_914 = %broadcast_in_dim3A_7) -> (vector<16xf32>, vector<16xf32>, vector<16xf32>, vector<16xf32>, vector<16xf32>, vector<16xf32>, vector<16xf32>, vector<16xf32>, vector<16xf32>, vector<16xf32>, vector<16xf32>, vector<16xf32>, vector<16xf32>, vector<16xf32>, vector<16xf32>, vector<16xf32>)  : i32 {
        %get3A_915 = arith.index_cast %scan3A_898 : i32 to index
        %get3A_916 = arith.constant 0 : index
        %get3A_917 = tpu.vector_load %arg12[%get3A_915, %get3A_916] {strides = array<i32>} : memref<100x128xf32, #tpu.memory_space<vmem>>, vector<16xf32>,
        %add3A_918 = arith.addf %scan3A_899, %get3A_917 : vector<16xf32>
        %mul3A_919 = arith.mulf %get3A_917, %get3A_917 : vector<16xf32>
        %add3A_920 = arith.addf %scan3A_907, %mul3A_919 : vector<16xf32>
        %get3A_921 = arith.index_cast %scan3A_898 : i32 to index
        %get3A_922 = arith.constant 16 : index
        %get3A_923 = tpu.vector_load %arg12[%get3A_921, %get3A_922] {strides = array<i32>} : memref<100x128xf32, #tpu.memory_space<vmem>>, vector<16xf32>,
        %add3A_924 = arith.addf %scan3A_900, %get3A_923 : vector<16xf32>
        %mul3A_925 = arith.mulf %get3A_923, %get3A_923 : vector<16xf32>
        %add3A_926 = arith.addf %scan3A_908, %mul3A_925 : vector<16xf32>
        %get3A_927 = arith.index_cast %scan3A_898 : i32 to index
        %get3A_928 = arith.constant 32 : index
        %get3A_929 = tpu.vector_load %arg12[%get3A_927, %get3A_928] {strides = array<i32>} : memref<100x128xf32, #tpu.memory_space<vmem>>, vector<16xf32>,
        %add3A_930 = arith.addf %scan3A_901, %get3A_929 : vector<16xf32>
        %mul3A_931 = arith.mulf %get3A_929, %get3A_929 : vector<16xf32>
        %add3A_932 = arith.addf %scan3A_909, %mul3A_931 : vector<16xf32>
        %get3A_933 = arith.index_cast %scan3A_898 : i32 to index
        %get3A_934 = arith.constant 48 : index
        %get3A_935 = tpu.vector_load %arg12[%get3A_933, %get3A_934] {strides = array<i32>} : memref<100x128xf32, #tpu.memory_space<vmem>>, vector<16xf32>,
        %add3A_936 = arith.addf %scan3A_902, %get3A_935 : vector<16xf32>
        %mul3A_937 = arith.mulf %get3A_935, %get3A_935 : vector<16xf32>
        %add3A_938 = arith.addf %scan3A_910, %mul3A_937 : vector<16xf32>
        %get3A_939 = arith.index_cast %scan3A_898 : i32 to index
        %get3A_940 = arith.constant 64 : index
        %get3A_941 = tpu.vector_load %arg12[%get3A_939, %get3A_940] {strides = array<i32>} : memref<100x128xf32, #tpu.memory_space<vmem>>, vector<16xf32>,
        %add3A_942 = arith.addf %scan3A_903, %get3A_941 : vector<16xf32>
        %mul3A_943 = arith.mulf %get3A_941, %get3A_941 : vector<16xf32>
        %add3A_944 = arith.addf %scan3A_911, %mul3A_943 : vector<16xf32>
        %get3A_945 = arith.index_cast %scan3A_898 : i32 to index
        %get3A_946 = arith.constant 80 : index
        %get3A_947 = tpu.vector_load %arg12[%get3A_945, %get3A_946] {strides = array<i32>} : memref<100x128xf32, #tpu.memory_space<vmem>>, vector<16xf32>,
        %add3A_948 = arith.addf %scan3A_904, %get3A_947 : vector<16xf32>
        %mul3A_949 = arith.mulf %get3A_947, %get3A_947 : vector<16xf32>
        %add3A_950 = arith.addf %scan3A_912, %mul3A_949 : vector<16xf32>
        %get3A_951 = arith.index_cast %scan3A_898 : i32 to index
        %get3A_952 = arith.constant 96 : index
        %get3A_953 = tpu.vector_load %arg12[%get3A_951, %get3A_952] {strides = array<i32>} : memref<100x128xf32, #tpu.memory_space<vmem>>, vector<16xf32>,
        %add3A_954 = arith.addf %scan3A_905, %get3A_953 : vector<16xf32>
        %mul3A_955 = arith.mulf %get3A_953, %get3A_953 : vector<16xf32>
        %add3A_956 = arith.addf %scan3A_913, %mul3A_955 : vector<16xf32>
        %get3A_957 = arith.index_cast %scan3A_898 : i32 to index
        %get3A_958 = arith.constant 112 : index
        %get3A_959 = tpu.vector_load %arg12[%get3A_957, %get3A_958] {strides = array<i32>} : memref<100x128xf32, #tpu.memory_space<vmem>>, vector<16xf32>,
        %add3A_960 = arith.addf %scan3A_906, %get3A_959 : vector<16xf32>
        %mul3A_961 = arith.mulf %get3A_959, %get3A_959 : vector<16xf32>
        %add3A_962 = arith.addf %scan3A_914, %mul3A_961 : vector<16xf32>
        %scan3A_963 = arith.constant 1 : i32
        %scan3A_964 = arith.addi %scan3A_898, %scan3A_963 : i32
        %get3A_965 = arith.index_cast %scan3A_964 : i32 to index
        %get3A_966 = arith.constant 0 : index
        %get3A_967 = tpu.vector_load %arg12[%get3A_965, %get3A_966] {strides = array<i32>} : memref<100x128xf32, #tpu.memory_space<vmem>>, vector<16xf32>,
        %add3A_968 = arith.addf %add3A_918, %get3A_967 : vector<16xf32>
        %mul3A_969 = arith.mulf %get3A_967, %get3A_967 : vector<16xf32>
        %add3A_970 = arith.addf %add3A_920, %mul3A_969 : vector<16xf32>
        %get3A_971 = arith.index_cast %scan3A_964 : i32 to index
        %get3A_972 = arith.constant 16 : index
        %get3A_973 = tpu.vector_load %arg12[%get3A_971, %get3A_972] {strides = array<i32>} : memref<100x128xf32, #tpu.memory_space<vmem>>, vector<16xf32>,
        %add3A_974 = arith.addf %add3A_924, %get3A_973 : vector<16xf32>
        %mul3A_975 = arith.mulf %get3A_973, %get3A_973 : vector<16xf32>
        %add3A_976 = arith.addf %add3A_926, %mul3A_975 : vector<16xf32>
        %get3A_977 = arith.index_cast %scan3A_964 : i32 to index
        %get3A_978 = arith.constant 32 : index
        %get3A_979 = tpu.vector_load %arg12[%get3A_977, %get3A_978] {strides = array<i32>} : memref<100x128xf32, #tpu.memory_space<vmem>>, vector<16xf32>,
        %add3A_980 = arith.addf %add3A_930, %get3A_979 : vector<16xf32>
        %mul3A_981 = arith.mulf %get3A_979, %get3A_979 : vector<16xf32>
        %add3A_982 = arith.addf %add3A_932, %mul3A_981 : vector<16xf32>
        %get3A_983 = arith.index_cast %scan3A_964 : i32 to index
        %get3A_984 = arith.constant 48 : index
        %get3A_985 = tpu.vector_load %arg12[%get3A_983, %get3A_984] {strides = array<i32>} : memref<100x128xf32, #tpu.memory_space<vmem>>, vector<16xf32>,
        %add3A_986 = arith.addf %add3A_936, %get3A_985 : vector<16xf32>
        %mul3A_987 = arith.mulf %get3A_985, %get3A_985 : vector<16xf32>
        %add3A_988 = arith.addf %add3A_938, %mul3A_987 : vector<16xf32>
        %get3A_989 = arith.index_cast %scan3A_964 : i32 to index
        %get3A_990 = arith.constant 64 : index
        %get3A_991 = tpu.vector_load %arg12[%get3A_989, %get3A_990] {strides = array<i32>} : memref<100x128xf32, #tpu.memory_space<vmem>>, vector<16xf32>,
        %add3A_992 = arith.addf %add3A_942, %get3A_991 : vector<16xf32>
        %mul3A_993 = arith.mulf %get3A_991, %get3A_991 : vector<16xf32>
        %add3A_994 = arith.addf %add3A_944, %mul3A_993 : vector<16xf32>
        %get3A_995 = arith.index_cast %scan3A_964 : i32 to index
        %get3A_996 = arith.constant 80 : index
        %get3A_997 = tpu.vector_load %arg12[%get3A_995, %get3A_996] {strides = array<i32>} : memref<100x128xf32, #tpu.memory_space<vmem>>, vector<16xf32>,
        %add3A_998 = arith.addf %add3A_948, %get3A_997 : vector<16xf32>
        %mul3A_999 = arith.mulf %get3A_997, %get3A_997 : vector<16xf32>
        %add3A_1000 = arith.addf %add3A_950, %mul3A_999 : vector<16xf32>
        %get3A_1001 = arith.index_cast %scan3A_964 : i32 to index
        %get3A_1002 = arith.constant 96 : index
        %get3A_1003 = tpu.vector_load %arg12[%get3A_1001, %get3A_1002] {strides = array<i32>} : memref<100x128xf32, #tpu.memory_space<vmem>>, vector<16xf32>,
        %add3A_1004 = arith.addf %add3A_954, %get3A_1003 : vector<16xf32>
        %mul3A_1005 = arith.mulf %get3A_1003, %get3A_1003 : vector<16xf32>
        %add3A_1006 = arith.addf %add3A_956, %mul3A_1005 : vector<16xf32>
        %get3A_1007 = arith.index_cast %scan3A_964 : i32 to index
        %get3A_1008 = arith.constant 112 : index
        %get3A_1009 = tpu.vector_load %arg12[%get3A_1007, %get3A_1008] {strides = array<i32>} : memref<100x128xf32, #tpu.memory_space<vmem>>, vector<16xf32>,
        %add3A_1010 = arith.addf %add3A_960, %get3A_1009 : vector<16xf32>
        %mul3A_1011 = arith.mulf %get3A_1009, %get3A_1009 : vector<16xf32>
        %add3A_1012 = arith.addf %add3A_962, %mul3A_1011 : vector<16xf32>
        %scan3A_1013 = arith.constant 2 : i32
        %scan3A_1014 = arith.addi %scan3A_898, %scan3A_1013 : i32
        %get3A_1015 = arith.index_cast %scan3A_1014 : i32 to index
        %get3A_1016 = arith.constant 0 : index
        %get3A_1017 = tpu.vector_load %arg12[%get3A_1015, %get3A_1016] {strides = array<i32>} : memref<100x128xf32, #tpu.memory_space<vmem>>, vector<16xf32>,
        %add3A_1018 = arith.addf %add3A_968, %get3A_1017 : vector<16xf32>
        %mul3A_1019 = arith.mulf %get3A_1017, %get3A_1017 : vector<16xf32>
        %add3A_1020 = arith.addf %add3A_970, %mul3A_1019 : vector<16xf32>
        %get3A_1021 = arith.index_cast %scan3A_1014 : i32 to index
        %get3A_1022 = arith.constant 16 : index
        %get3A_1023 = tpu.vector_load %arg12[%get3A_1021, %get3A_1022] {strides = array<i32>} : memref<100x128xf32, #tpu.memory_space<vmem>>, vector<16xf32>,
        %add3A_1024 = arith.addf %add3A_974, %get3A_1023 : vector<16xf32>
        %mul3A_1025 = arith.mulf %get3A_1023, %get3A_1023 : vector<16xf32>
        %add3A_1026 = arith.addf %add3A_976, %mul3A_1025 : vector<16xf32>
        %get3A_1027 = arith.index_cast %scan3A_1014 : i32 to index
        %get3A_1028 = arith.constant 32 : index
        %get3A_1029 = tpu.vector_load %arg12[%get3A_1027, %get3A_1028] {strides = array<i32>} : memref<100x128xf32, #tpu.memory_space<vmem>>, vector<16xf32>,
        %add3A_1030 = arith.addf %add3A_980, %get3A_1029 : vector<16xf32>
        %mul3A_1031 = arith.mulf %get3A_1029, %get3A_1029 : vector<16xf32>
        %add3A_1032 = arith.addf %add3A_982, %mul3A_1031 : vector<16xf32>
        %get3A_1033 = arith.index_cast %scan3A_1014 : i32 to index
        %get3A_1034 = arith.constant 48 : index
        %get3A_1035 = tpu.vector_load %arg12[%get3A_1033, %get3A_1034] {strides = array<i32>} : memref<100x128xf32, #tpu.memory_space<vmem>>, vector<16xf32>,
        %add3A_1036 = arith.addf %add3A_986, %get3A_1035 : vector<16xf32>
        %mul3A_1037 = arith.mulf %get3A_1035, %get3A_1035 : vector<16xf32>
        %add3A_1038 = arith.addf %add3A_988, %mul3A_1037 : vector<16xf32>
        %get3A_1039 = arith.index_cast %scan3A_1014 : i32 to index
        %get3A_1040 = arith.constant 64 : index
        %get3A_1041 = tpu.vector_load %arg12[%get3A_1039, %get3A_1040] {strides = array<i32>} : memref<100x128xf32, #tpu.memory_space<vmem>>, vector<16xf32>,
        %add3A_1042 = arith.addf %add3A_992, %get3A_1041 : vector<16xf32>
        %mul3A_1043 = arith.mulf %get3A_1041, %get3A_1041 : vector<16xf32>
        %add3A_1044 = arith.addf %add3A_994, %mul3A_1043 : vector<16xf32>
        %get3A_1045 = arith.index_cast %scan3A_1014 : i32 to index
        %get3A_1046 = arith.constant 80 : index
        %get3A_1047 = tpu.vector_load %arg12[%get3A_1045, %get3A_1046] {strides = array<i32>} : memref<100x128xf32, #tpu.memory_space<vmem>>, vector<16xf32>,
        %add3A_1048 = arith.addf %add3A_998, %get3A_1047 : vector<16xf32>
        %mul3A_1049 = arith.mulf %get3A_1047, %get3A_1047 : vector<16xf32>
        %add3A_1050 = arith.addf %add3A_1000, %mul3A_1049 : vector<16xf32>
        %get3A_1051 = arith.index_cast %scan3A_1014 : i32 to index
        %get3A_1052 = arith.constant 96 : index
        %get3A_1053 = tpu.vector_load %arg12[%get3A_1051, %get3A_1052] {strides = array<i32>} : memref<100x128xf32, #tpu.memory_space<vmem>>, vector<16xf32>,
        %add3A_1054 = arith.addf %add3A_1004, %get3A_1053 : vector<16xf32>
        %mul3A_1055 = arith.mulf %get3A_1053, %get3A_1053 : vector<16xf32>
        %add3A_1056 = arith.addf %add3A_1006, %mul3A_1055 : vector<16xf32>
        %get3A_1057 = arith.index_cast %scan3A_1014 : i32 to index
        %get3A_1058 = arith.constant 112 : index
        %get3A_1059 = tpu.vector_load %arg12[%get3A_1057, %get3A_1058] {strides = array<i32>} : memref<100x128xf32, #tpu.memory_space<vmem>>, vector<16xf32>,
        %add3A_1060 = arith.addf %add3A_1010, %get3A_1059 : vector<16xf32>
        %mul3A_1061 = arith.mulf %get3A_1059, %get3A_1059 : vector<16xf32>
        %add3A_1062 = arith.addf %add3A_1012, %mul3A_1061 : vector<16xf32>
        %scan3A_1063 = arith.constant 3 : i32
        %scan3A_1064 = arith.addi %scan3A_898, %scan3A_1063 : i32
        %get3A_1065 = arith.index_cast %scan3A_1064 : i32 to index
        %get3A_1066 = arith.constant 0 : index
        %get3A_1067 = tpu.vector_load %arg12[%get3A_1065, %get3A_1066] {strides = array<i32>} : memref<100x128xf32, #tpu.memory_space<vmem>>, vector<16xf32>,
        %add3A_1068 = arith.addf %add3A_1018, %get3A_1067 : vector<16xf32>
        %mul3A_1069 = arith.mulf %get3A_1067, %get3A_1067 : vector<16xf32>
        %add3A_1070 = arith.addf %add3A_1020, %mul3A_1069 : vector<16xf32>
        %get3A_1071 = arith.index_cast %scan3A_1064 : i32 to index
        %get3A_1072 = arith.constant 16 : index
        %get3A_1073 = tpu.vector_load %arg12[%get3A_1071, %get3A_1072] {strides = array<i32>} : memref<100x128xf32, #tpu.memory_space<vmem>>, vector<16xf32>,
        %add3A_1074 = arith.addf %add3A_1024, %get3A_1073 : vector<16xf32>
        %mul3A_1075 = arith.mulf %get3A_1073, %get3A_1073 : vector<16xf32>
        %add3A_1076 = arith.addf %add3A_1026, %mul3A_1075 : vector<16xf32>
        %get3A_1077 = arith.index_cast %scan3A_1064 : i32 to index
        %get3A_1078 = arith.constant 32 : index
        %get3A_1079 = tpu.vector_load %arg12[%get3A_1077, %get3A_1078] {strides = array<i32>} : memref<100x128xf32, #tpu.memory_space<vmem>>, vector<16xf32>,
        %add3A_1080 = arith.addf %add3A_1030, %get3A_1079 : vector<16xf32>
        %mul3A_1081 = arith.mulf %get3A_1079, %get3A_1079 : vector<16xf32>
        %add3A_1082 = arith.addf %add3A_1032, %mul3A_1081 : vector<16xf32>
        %get3A_1083 = arith.index_cast %scan3A_1064 : i32 to index
        %get3A_1084 = arith.constant 48 : index
        %get3A_1085 = tpu.vector_load %arg12[%get3A_1083, %get3A_1084] {strides = array<i32>} : memref<100x128xf32, #tpu.memory_space<vmem>>, vector<16xf32>,
        %add3A_1086 = arith.addf %add3A_1036, %get3A_1085 : vector<16xf32>
        %mul3A_1087 = arith.mulf %get3A_1085, %get3A_1085 : vector<16xf32>
        %add3A_1088 = arith.addf %add3A_1038, %mul3A_1087 : vector<16xf32>
        %get3A_1089 = arith.index_cast %scan3A_1064 : i32 to index
        %get3A_1090 = arith.constant 64 : index
        %get3A_1091 = tpu.vector_load %arg12[%get3A_1089, %get3A_1090] {strides = array<i32>} : memref<100x128xf32, #tpu.memory_space<vmem>>, vector<16xf32>,
        %add3A_1092 = arith.addf %add3A_1042, %get3A_1091 : vector<16xf32>
        %mul3A_1093 = arith.mulf %get3A_1091, %get3A_1091 : vector<16xf32>
        %add3A_1094 = arith.addf %add3A_1044, %mul3A_1093 : vector<16xf32>
        %get3A_1095 = arith.index_cast %scan3A_1064 : i32 to index
        %get3A_1096 = arith.constant 80 : index
        %get3A_1097 = tpu.vector_load %arg12[%get3A_1095, %get3A_1096] {strides = array<i32>} : memref<100x128xf32, #tpu.memory_space<vmem>>, vector<16xf32>,
        %add3A_1098 = arith.addf %add3A_1048, %get3A_1097 : vector<16xf32>
        %mul3A_1099 = arith.mulf %get3A_1097, %get3A_1097 : vector<16xf32>
        %add3A_1100 = arith.addf %add3A_1050, %mul3A_1099 : vector<16xf32>
        %get3A_1101 = arith.index_cast %scan3A_1064 : i32 to index
        %get3A_1102 = arith.constant 96 : index
        %get3A_1103 = tpu.vector_load %arg12[%get3A_1101, %get3A_1102] {strides = array<i32>} : memref<100x128xf32, #tpu.memory_space<vmem>>, vector<16xf32>,
        %add3A_1104 = arith.addf %add3A_1054, %get3A_1103 : vector<16xf32>
        %mul3A_1105 = arith.mulf %get3A_1103, %get3A_1103 : vector<16xf32>
        %add3A_1106 = arith.addf %add3A_1056, %mul3A_1105 : vector<16xf32>
        %get3A_1107 = arith.index_cast %scan3A_1064 : i32 to index
        %get3A_1108 = arith.constant 112 : index
        %get3A_1109 = tpu.vector_load %arg12[%get3A_1107, %get3A_1108] {strides = array<i32>} : memref<100x128xf32, #tpu.memory_space<vmem>>, vector<16xf32>,
        %add3A_1110 = arith.addf %add3A_1060, %get3A_1109 : vector<16xf32>
        %mul3A_1111 = arith.mulf %get3A_1109, %get3A_1109 : vector<16xf32>
        %add3A_1112 = arith.addf %add3A_1062, %mul3A_1111 : vector<16xf32>
        scf.yield %add3A_1068, %add3A_1074, %add3A_1080, %add3A_1086, %add3A_1092, %add3A_1098, %add3A_1104, %add3A_1110, %add3A_1070, %add3A_1076, %add3A_1082, %add3A_1088, %add3A_1094, %add3A_1100, %add3A_1106, %add3A_1112 : vector<16xf32>, vector<16xf32>, vector<16xf32>, vector<16xf32>, vector<16xf32>, vector<16xf32>, vector<16xf32>, vector<16xf32>, vector<16xf32>, vector<16xf32>, vector<16xf32>, vector<16xf32>, vector<16xf32>, vector<16xf32>, vector<16xf32>, vector<16xf32>
      }
      %scan3A_685 = arith.constant 100 : i32
      %mul3A_686 = arith.mulf %scan3A_684#0, %scan3A_684#0 : vector<16xf32>
      %sub3A_687 = arith.subf %mul3A_686, %scan3A_684#8 : vector<16xf32>
      %add3A_688 = arith.addf %broadcast_in_dim3A_7, %sub3A_687 : vector<16xf32>
      %mul3A_689 = arith.mulf %scan3A_684#1, %scan3A_684#1 : vector<16xf32>
      %sub3A_690 = arith.subf %mul3A_689, %scan3A_684#9 : vector<16xf32>
      %add3A_691 = arith.addf %add3A_688, %sub3A_690 : vector<16xf32>
      %mul3A_692 = arith.mulf %scan3A_684#2, %scan3A_684#2 : vector<16xf32>
      %sub3A_693 = arith.subf %mul3A_692, %scan3A_684#10 : vector<16xf32>
      %add3A_694 = arith.addf %add3A_691, %sub3A_693 : vector<16xf32>
      %mul3A_695 = arith.mulf %scan3A_684#3, %scan3A_684#3 : vector<16xf32>
      %sub3A_696 = arith.subf %mul3A_695, %scan3A_684#11 : vector<16xf32>
      %add3A_697 = arith.addf %add3A_694, %sub3A_696 : vector<16xf32>
      %mul3A_698 = arith.mulf %scan3A_684#4, %scan3A_684#4 : vector<16xf32>
      %sub3A_699 = arith.subf %mul3A_698, %scan3A_684#12 : vector<16xf32>
      %add3A_700 = arith.addf %add3A_697, %sub3A_699 : vector<16xf32>
      %mul3A_701 = arith.mulf %scan3A_684#5, %scan3A_684#5 : vector<16xf32>
      %sub3A_702 = arith.subf %mul3A_701, %scan3A_684#13 : vector<16xf32>
      %add3A_703 = arith.addf %add3A_700, %sub3A_702 : vector<16xf32>
      %mul3A_704 = arith.mulf %scan3A_684#6, %scan3A_684#6 : vector<16xf32>
      %sub3A_705 = arith.subf %mul3A_704, %scan3A_684#14 : vector<16xf32>
      %add3A_706 = arith.addf %add3A_703, %sub3A_705 : vector<16xf32>
      %mul3A_707 = arith.mulf %scan3A_684#7, %scan3A_684#7 : vector<16xf32>
      %sub3A_708 = arith.subf %mul3A_707, %scan3A_684#15 : vector<16xf32>
      %add3A_709 = arith.addf %add3A_706, %sub3A_708 : vector<16xf32>
      %reduce_sum3A_710 = arith.constant true
      %reduce_sum3A_711 = vector.broadcast %reduce_sum3A_710 : i1 to vector<16xi1>
      %reduce_sum3A_712 = tpu.scan <sum>, %add3A_709 masked %reduce_sum3A_711 : vector<16xf32>, vector<16xi1> -> vector<16xf32>
      %reduce_sum3A_713 = vector.extract %reduce_sum3A_712[15] : f32 from vector<16xf32>
      %get3A_714 = arith.constant 0 : index
      %get3A_715 = tpu.vector_load %arg16[%get3A_714] {strides = array<i32>} : memref<112xf32, #tpu.memory_space<vmem>>, vector<16xf32>,
      %add3A_716 = arith.addf %broadcast_in_dim3A_7, %get3A_715 : vector<16xf32>
      %get3A_717 = arith.constant 16 : index
      %get3A_718 = tpu.vector_load %arg16[%get3A_717] {strides = array<i32>} : memref<112xf32, #tpu.memory_space<vmem>>, vector<16xf32>,
      %add3A_719 = arith.addf %add3A_716, %get3A_718 : vector<16xf32>
      %get3A_720 = arith.constant 32 : index
      %get3A_721 = tpu.vector_load %arg16[%get3A_720] {strides = array<i32>} : memref<112xf32, #tpu.memory_space<vmem>>, vector<16xf32>,
      %add3A_722 = arith.addf %add3A_719, %get3A_721 : vector<16xf32>
      %get3A_723 = arith.constant 48 : index
      %get3A_724 = tpu.vector_load %arg16[%get3A_723] {strides = array<i32>} : memref<112xf32, #tpu.memory_space<vmem>>, vector<16xf32>,
      %add3A_725 = arith.addf %add3A_722, %get3A_724 : vector<16xf32>
      %get3A_726 = arith.constant 64 : index
      %get3A_727 = tpu.vector_load %arg16[%get3A_726] {strides = array<i32>} : memref<112xf32, #tpu.memory_space<vmem>>, vector<16xf32>,
      %add3A_728 = arith.addf %add3A_725, %get3A_727 : vector<16xf32>
      %get3A_729 = arith.constant 80 : index
      %get3A_730 = tpu.vector_load %arg16[%get3A_729] {strides = array<i32>} : memref<112xf32, #tpu.memory_space<vmem>>, vector<16xf32>,
      %add3A_731 = arith.addf %add3A_728, %get3A_730 : vector<16xf32>
      %get3A_732 = arith.constant 96 : index
      %get3A_733 = tpu.vector_load %arg16[%get3A_732] {strides = array<i32>} : memref<112xf32, #tpu.memory_space<vmem>>, vector<16xf32>,
      %add3A_734 = arith.addf %add3A_731, %get3A_733 : vector<16xf32>
      %reduce_sum3A_735 = arith.constant true
      %reduce_sum3A_736 = vector.broadcast %reduce_sum3A_735 : i1 to vector<16xi1>
      %reduce_sum3A_737 = tpu.scan <sum>, %add3A_734 masked %reduce_sum3A_736 : vector<16xf32>, vector<16xi1> -> vector<16xf32>
      %reduce_sum3A_738 = vector.extract %reduce_sum3A_737[15] : f32 from vector<16xf32>
      %add3A_739 = arith.addf %reduce_sum3A_738, %squeeze3A : f32
      %mul3A_740 = arith.constant 5.000000e-01 : f32
      %mul3A_741 = arith.mulf %mul3A_740, %reduce_sum3A_713 : f32
      %add3A_742 = arith.addf %add3A_739, %mul3A_741 : f32
      %add3A_743 = arith.constant 4 : i32
      %add3A_744 = arith.addi %add3A_666, %add3A_743 : i32
      %lt3A_745 = arith.constant 128 : i32
      %lt3A_746 = arith.cmpi slt, %add3A_744, %lt3A_745 : i32
      %convert_element_type3A_747 = arith.extui %lt3A_746 : i1 to i32
      %cond3A_748 = arith.constant 0 : i32
      %cond3A_749 = arith.cmpi ne, %convert_element_type3A_747, %cond3A_748 : i32
      scf.if %cond3A_749 {
        %add3A_898 = arith.constant 4 : i32
        %add3A_899 = arith.addi %add3A_666, %add3A_898 : i32
        %get3A_900 = arith.index_cast %add3A_899 : i32 to index
        %get3A_901 = arith.constant 84 : index
        %get3A_902 = tpu.vector_load %arg7[%get3A_900, %get3A_901] {strides = array<i32>} : memref<128x100xi32, #tpu.memory_space<vmem>>, vector<16xi32>,
        %get3A_903 = arith.index_cast %add3A_899 : i32 to index
        %get3A_904 = arith.constant 0 : index
        %get3A_905 = tpu.vector_load %arg7[%get3A_903, %get3A_904] {strides = array<i32>} : memref<128x100xi32, #tpu.memory_space<vmem>>, vector<16xi32>,
        %add3A_906 = arith.constant 0 : i32
        %add3A_907 = vector.broadcast %add3A_906 : i32 to vector<16xi32>
        %add3A_908 = arith.addi %add3A_907, %mul3A_6 : vector<16xi32>
        %add3A_909 = arith.addi %get3A_905, %add3A_908 : vector<16xi32>
        %swap3A_910 = arith.index_cast %add3A_899 : i32 to index
        %swap3A_911 = arith.constant 0 : index
        %swap3A_912 = tpu.vector_load %arg7[%swap3A_910, %swap3A_911] {strides = array<i32>} : memref<128x100xi32, #tpu.memory_space<vmem>>, vector<16xi32>,
        tpu.vector_store %arg7[%swap3A_910, %swap3A_911], %add3A_909 {strides = array<i32>} : memref<128x100xi32, #tpu.memory_space<vmem>>, vector<16xi32>,
        %get3A_913 = arith.index_cast %add3A_899 : i32 to index
        %get3A_914 = arith.constant 16 : index
        %get3A_915 = tpu.vector_load %arg7[%get3A_913, %get3A_914] {strides = array<i32>} : memref<128x100xi32, #tpu.memory_space<vmem>>, vector<16xi32>,
        %add3A_916 = arith.constant 16000 : i32
        %add3A_917 = vector.broadcast %add3A_916 : i32 to vector<16xi32>
        %add3A_918 = arith.addi %add3A_917, %mul3A_6 : vector<16xi32>
        %add3A_919 = arith.addi %get3A_915, %add3A_918 : vector<16xi32>
        %swap3A_920 = arith.index_cast %add3A_899 : i32 to index
        %swap3A_921 = arith.constant 16 : index
        %swap3A_922 = tpu.vector_load %arg7[%swap3A_920, %swap3A_921] {strides = array<i32>} : memref<128x100xi32, #tpu.memory_space<vmem>>, vector<16xi32>,
        tpu.vector_store %arg7[%swap3A_920, %swap3A_921], %add3A_919 {strides = array<i32>} : memref<128x100xi32, #tpu.memory_space<vmem>>, vector<16xi32>,
        %get3A_923 = arith.index_cast %add3A_899 : i32 to index
        %get3A_924 = arith.constant 32 : index
        %get3A_925 = tpu.vector_load %arg7[%get3A_923, %get3A_924] {strides = array<i32>} : memref<128x100xi32, #tpu.memory_space<vmem>>, vector<16xi32>,
        %add3A_926 = arith.constant 32000 : i32
        %add3A_927 = vector.broadcast %add3A_926 : i32 to vector<16xi32>
        %add3A_928 = arith.addi %add3A_927, %mul3A_6 : vector<16xi32>
        %add3A_929 = arith.addi %get3A_925, %add3A_928 : vector<16xi32>
        %swap3A_930 = arith.index_cast %add3A_899 : i32 to index
        %swap3A_931 = arith.constant 32 : index
        %swap3A_932 = tpu.vector_load %arg7[%swap3A_930, %swap3A_931] {strides = array<i32>} : memref<128x100xi32, #tpu.memory_space<vmem>>, vector<16xi32>,
        tpu.vector_store %arg7[%swap3A_930, %swap3A_931], %add3A_929 {strides = array<i32>} : memref<128x100xi32, #tpu.memory_space<vmem>>, vector<16xi32>,
        %get3A_933 = arith.index_cast %add3A_899 : i32 to index
        %get3A_934 = arith.constant 48 : index
        %get3A_935 = tpu.vector_load %arg7[%get3A_933, %get3A_934] {strides = array<i32>} : memref<128x100xi32, #tpu.memory_space<vmem>>, vector<16xi32>,
        %add3A_936 = arith.constant 48000 : i32
        %add3A_937 = vector.broadcast %add3A_936 : i32 to vector<16xi32>
        %add3A_938 = arith.addi %add3A_937, %mul3A_6 : vector<16xi32>
        %add3A_939 = arith.addi %get3A_935, %add3A_938 : vector<16xi32>
        %swap3A_940 = arith.index_cast %add3A_899 : i32 to index
        %swap3A_941 = arith.constant 48 : index
        %swap3A_942 = tpu.vector_load %arg7[%swap3A_940, %swap3A_941] {strides = array<i32>} : memref<128x100xi32, #tpu.memory_space<vmem>>, vector<16xi32>,
        tpu.vector_store %arg7[%swap3A_940, %swap3A_941], %add3A_939 {strides = array<i32>} : memref<128x100xi32, #tpu.memory_space<vmem>>, vector<16xi32>,
        %get3A_943 = arith.index_cast %add3A_899 : i32 to index
        %get3A_944 = arith.constant 64 : index
        %get3A_945 = tpu.vector_load %arg7[%get3A_943, %get3A_944] {strides = array<i32>} : memref<128x100xi32, #tpu.memory_space<vmem>>, vector<16xi32>,
        %add3A_946 = arith.constant 64000 : i32
        %add3A_947 = vector.broadcast %add3A_946 : i32 to vector<16xi32>
        %add3A_948 = arith.addi %add3A_947, %mul3A_6 : vector<16xi32>
        %add3A_949 = arith.addi %get3A_945, %add3A_948 : vector<16xi32>
        %swap3A_950 = arith.index_cast %add3A_899 : i32 to index
        %swap3A_951 = arith.constant 64 : index
        %swap3A_952 = tpu.vector_load %arg7[%swap3A_950, %swap3A_951] {strides = array<i32>} : memref<128x100xi32, #tpu.memory_space<vmem>>, vector<16xi32>,
        tpu.vector_store %arg7[%swap3A_950, %swap3A_951], %add3A_949 {strides = array<i32>} : memref<128x100xi32, #tpu.memory_space<vmem>>, vector<16xi32>,
        %get3A_953 = arith.index_cast %add3A_899 : i32 to index
        %get3A_954 = arith.constant 80 : index
        %get3A_955 = tpu.vector_load %arg7[%get3A_953, %get3A_954] {strides = array<i32>} : memref<128x100xi32, #tpu.memory_space<vmem>>, vector<16xi32>,
        %add3A_956 = arith.constant 80000 : i32
        %add3A_957 = vector.broadcast %add3A_956 : i32 to vector<16xi32>
        %add3A_958 = arith.addi %add3A_957, %mul3A_6 : vector<16xi32>
        %add3A_959 = arith.addi %get3A_955, %add3A_958 : vector<16xi32>
        %swap3A_960 = arith.index_cast %add3A_899 : i32 to index
        %swap3A_961 = arith.constant 80 : index
        %swap3A_962 = tpu.vector_load %arg7[%swap3A_960, %swap3A_961] {strides = array<i32>} : memref<128x100xi32, #tpu.memory_space<vmem>>, vector<16xi32>,
        tpu.vector_store %arg7[%swap3A_960, %swap3A_961], %add3A_959 {strides = array<i32>} : memref<128x100xi32, #tpu.memory_space<vmem>>, vector<16xi32>,
        %add3A_963 = arith.constant 84000 : i32
        %add3A_964 = vector.broadcast %add3A_963 : i32 to vector<16xi32>
        %add3A_965 = arith.addi %add3A_964, %mul3A_6 : vector<16xi32>
        %add3A_966 = arith.addi %get3A_902, %add3A_965 : vector<16xi32>
        %swap3A_967 = arith.index_cast %add3A_899 : i32 to index
        %swap3A_968 = arith.constant 84 : index
        %swap3A_969 = tpu.vector_load %arg7[%swap3A_967, %swap3A_968] {strides = array<i32>} : memref<128x100xi32, #tpu.memory_space<vmem>>, vector<16xi32>,
        tpu.vector_store %arg7[%swap3A_967, %swap3A_968], %add3A_966 {strides = array<i32>} : memref<128x100xi32, #tpu.memory_space<vmem>>, vector<16xi32>,
        %dma_start3A_970 = arith.constant 0 : i32
        %dma_start3A_971 = tpu.memref_slice %arg7[%add3A_899, %dma_start3A_970] : memref<128x100xi32, #tpu.memory_space<vmem>> -> memref<1x100xi32, #tpu.memory_space<vmem>>
        %dma_start3A_972 = tpu.memref_squeeze %dma_start3A_971 : memref<1x100xi32, #tpu.memory_space<vmem>> -> memref<100xi32, #tpu.memory_space<vmem>>
        %dma_start3A_973 = arith.constant 0 : i32
        %dma_start3A_974 = arith.constant 0 : i32
        %dma_start3A_975 = tpu.memref_slice %arg5[%dma_start3A_973, %dma_start3A_974] : memref<100000x128xf32, #tpu.memory_space<hbm>> -> memref<100000x128xf32, #tpu.memory_space<hbm>>
        tpu.enqueue_indirect_dma source(%dma_start3A_975 : memref<100000x128xf32, #tpu.memory_space<hbm>>) target(%arg12 : memref<100x128xf32, #tpu.memory_space<vmem>>) offsets(%dma_start3A_972 : memref<100xi32, #tpu.memory_space<vmem>>) semaphore(%arg20 : memref<!tpu.dma_semaphore, #tpu.memory_space<semaphore_mem>>)
        %dma_start3A_976 = arith.constant 0 : i32
        %dma_start3A_977 = tpu.memref_slice %arg16[%dma_start3A_976] : memref<112xf32, #tpu.memory_space<vmem>> -> memref<100xf32, #tpu.memory_space<vmem>>
        %dma_start3A_978 = arith.constant 0 : i32
        %dma_start3A_979 = tpu.memref_slice %arg7[%add3A_899, %dma_start3A_978] : memref<128x100xi32, #tpu.memory_space<vmem>> -> memref<1x100xi32, #tpu.memory_space<vmem>>
        %dma_start3A_980 = tpu.memref_squeeze %dma_start3A_979 : memref<1x100xi32, #tpu.memory_space<vmem>> -> memref<100xi32, #tpu.memory_space<vmem>>
        %dma_start3A_981 = arith.constant 0 : i32
        %dma_start3A_982 = tpu.memref_slice %arg3[%dma_start3A_981] : memref<100000xf32, #tpu.memory_space<hbm>> -> memref<100000xf32, #tpu.memory_space<hbm>>
        tpu.enqueue_indirect_dma source(%dma_start3A_982 : memref<100000xf32, #tpu.memory_space<hbm>>) target(%dma_start3A_977 : memref<100xf32, #tpu.memory_space<vmem>>) offsets(%dma_start3A_980 : memref<100xi32, #tpu.memory_space<vmem>>) semaphore(%arg24 : memref<!tpu.dma_semaphore, #tpu.memory_space<semaphore_mem>>)
      } else {
      }
      %jit3A_750 = arith.constant 16 : i32
      %eq3A_751 = arith.constant 0 : i32
      %eq3A_752 = arith.cmpi eq, %jit3A_750, %eq3A_751 : i32
      %jit3A_753 = arith.constant 1 : i32
      %select_n3A_754 = arith.select %eq3A_752, %jit3A_753, %jit3A_750 : i32
      %rem3A_755 = arith.remsi %add3A_666, %select_n3A_754 : i32
      %ne3A_756 = arith.constant 0 : i32
      %ne3A_757 = arith.cmpi ne, %rem3A_755, %ne3A_756 : i32
      %lt3A_758 = arith.constant 0 : i32
      %lt3A_759 = arith.cmpi slt, %rem3A_755, %lt3A_758 : i32
      %lt3A_760 = arith.constant 0 : i32
      %lt3A_761 = arith.cmpi slt, %select_n3A_754, %lt3A_760 : i32
      %ne3A_762 = arith.xori %lt3A_759, %lt3A_761 : i1
      %and3A_763 = arith.andi %ne3A_762, %ne3A_757 : i1
      %add3A_764 = arith.addi %rem3A_755, %select_n3A_754 : i32
      %select_n3A_765 = arith.select %and3A_763, %add3A_764, %rem3A_755 : i32
      %eq3A_766 = vector.broadcast %select_n3A_765 : i32 to vector<16xi32>
      %eq3A_767 = arith.cmpi eq, %iota3A, %eq3A_766 : vector<16xi32>
      %broadcast_in_dim3A_768 = vector.broadcast %add3A_742 : f32 to vector<16xf32>
      %select_n3A_769 = arith.select %eq3A_767, %broadcast_in_dim3A_768, %select_n3A_664 : vector<16xi1>, vector<16xf32>
      %add3A_770 = arith.constant 3 : i32
      %add3A_771 = arith.addi %mul3A_466, %add3A_770 : i32
      %dma_wait3A_772 = arith.constant 0 : i32
      %dma_wait3A_773 = tpu.memref_slice %arg7[%add3A_771, %dma_wait3A_772] : memref<128x100xi32, #tpu.memory_space<vmem>> -> memref<1x100xi32, #tpu.memory_space<vmem>>
      %dma_wait3A_774 = tpu.memref_squeeze %dma_wait3A_773 : memref<1x100xi32, #tpu.memory_space<vmem>> -> memref<100xi32, #tpu.memory_space<vmem>>
      %dma_wait3A_775 = arith.constant 0 : i32
      %dma_wait3A_776 = arith.constant 0 : i32
      %dma_wait3A_777 = tpu.memref_slice %arg5[%dma_wait3A_775, %dma_wait3A_776] : memref<100000x128xf32, #tpu.memory_space<hbm>> -> memref<100000x128xf32, #tpu.memory_space<hbm>>
      tpu.wait_indirect_dma semaphore(%arg21 : memref<!tpu.dma_semaphore, #tpu.memory_space<semaphore_mem>>) src(%dma_wait3A_777 : memref<100000x128xf32, #tpu.memory_space<hbm>>) dst(%arg13 : memref<100x128xf32, #tpu.memory_space<vmem>>)
      %dma_wait3A_778 = arith.constant 0 : i32
      %dma_wait3A_779 = tpu.memref_slice %arg17[%dma_wait3A_778] : memref<112xf32, #tpu.memory_space<vmem>> -> memref<100xf32, #tpu.memory_space<vmem>>
      %dma_wait3A_780 = arith.constant 0 : i32
      %dma_wait3A_781 = tpu.memref_slice %arg7[%add3A_771, %dma_wait3A_780] : memref<128x100xi32, #tpu.memory_space<vmem>> -> memref<1x100xi32, #tpu.memory_space<vmem>>
      %dma_wait3A_782 = tpu.memref_squeeze %dma_wait3A_781 : memref<1x100xi32, #tpu.memory_space<vmem>> -> memref<100xi32, #tpu.memory_space<vmem>>
      %dma_wait3A_783 = arith.constant 0 : i32
      %dma_wait3A_784 = tpu.memref_slice %arg3[%dma_wait3A_783] : memref<100000xf32, #tpu.memory_space<hbm>> -> memref<100000xf32, #tpu.memory_space<hbm>>
      tpu.wait_indirect_dma semaphore(%arg25 : memref<!tpu.dma_semaphore, #tpu.memory_space<semaphore_mem>>) src(%dma_wait3A_784 : memref<100000xf32, #tpu.memory_space<hbm>>) dst(%dma_wait3A_779 : memref<100xf32, #tpu.memory_space<vmem>>)
      %scan3A_785 = arith.constant 0 : i32
      %scan3A_786 = arith.constant 100 : i32
      %scan3A_787 = arith.addi %scan3A_785, %scan3A_786 : i32
      %scan3A_788 = arith.constant 4 : i32
      %scan3A_789:16 = scf.for %scan3A_898 = %scan3A_785 to %scan3A_787 step %scan3A_788 iter_args(%scan3A_899 = %broadcast_in_dim3A_7, %scan3A_900 = %broadcast_in_dim3A_7, %scan3A_901 = %broadcast_in_dim3A_7, %scan3A_902 = %broadcast_in_dim3A_7, %scan3A_903 = %broadcast_in_dim3A_7, %scan3A_904 = %broadcast_in_dim3A_7, %scan3A_905 = %broadcast_in_dim3A_7, %scan3A_906 = %broadcast_in_dim3A_7, %scan3A_907 = %broadcast_in_dim3A_7, %scan3A_908 = %broadcast_in_dim3A_7, %scan3A_909 = %broadcast_in_dim3A_7, %scan3A_910 = %broadcast_in_dim3A_7, %scan3A_911 = %broadcast_in_dim3A_7, %scan3A_912 = %broadcast_in_dim3A_7, %scan3A_913 = %broadcast_in_dim3A_7, %scan3A_914 = %broadcast_in_dim3A_7) -> (vector<16xf32>, vector<16xf32>, vector<16xf32>, vector<16xf32>, vector<16xf32>, vector<16xf32>, vector<16xf32>, vector<16xf32>, vector<16xf32>, vector<16xf32>, vector<16xf32>, vector<16xf32>, vector<16xf32>, vector<16xf32>, vector<16xf32>, vector<16xf32>)  : i32 {
        %get3A_915 = arith.index_cast %scan3A_898 : i32 to index
        %get3A_916 = arith.constant 0 : index
        %get3A_917 = tpu.vector_load %arg13[%get3A_915, %get3A_916] {strides = array<i32>} : memref<100x128xf32, #tpu.memory_space<vmem>>, vector<16xf32>,
        %add3A_918 = arith.addf %scan3A_899, %get3A_917 : vector<16xf32>
        %mul3A_919 = arith.mulf %get3A_917, %get3A_917 : vector<16xf32>
        %add3A_920 = arith.addf %scan3A_907, %mul3A_919 : vector<16xf32>
        %get3A_921 = arith.index_cast %scan3A_898 : i32 to index
        %get3A_922 = arith.constant 16 : index
        %get3A_923 = tpu.vector_load %arg13[%get3A_921, %get3A_922] {strides = array<i32>} : memref<100x128xf32, #tpu.memory_space<vmem>>, vector<16xf32>,
        %add3A_924 = arith.addf %scan3A_900, %get3A_923 : vector<16xf32>
        %mul3A_925 = arith.mulf %get3A_923, %get3A_923 : vector<16xf32>
        %add3A_926 = arith.addf %scan3A_908, %mul3A_925 : vector<16xf32>
        %get3A_927 = arith.index_cast %scan3A_898 : i32 to index
        %get3A_928 = arith.constant 32 : index
        %get3A_929 = tpu.vector_load %arg13[%get3A_927, %get3A_928] {strides = array<i32>} : memref<100x128xf32, #tpu.memory_space<vmem>>, vector<16xf32>,
        %add3A_930 = arith.addf %scan3A_901, %get3A_929 : vector<16xf32>
        %mul3A_931 = arith.mulf %get3A_929, %get3A_929 : vector<16xf32>
        %add3A_932 = arith.addf %scan3A_909, %mul3A_931 : vector<16xf32>
        %get3A_933 = arith.index_cast %scan3A_898 : i32 to index
        %get3A_934 = arith.constant 48 : index
        %get3A_935 = tpu.vector_load %arg13[%get3A_933, %get3A_934] {strides = array<i32>} : memref<100x128xf32, #tpu.memory_space<vmem>>, vector<16xf32>,
        %add3A_936 = arith.addf %scan3A_902, %get3A_935 : vector<16xf32>
        %mul3A_937 = arith.mulf %get3A_935, %get3A_935 : vector<16xf32>
        %add3A_938 = arith.addf %scan3A_910, %mul3A_937 : vector<16xf32>
        %get3A_939 = arith.index_cast %scan3A_898 : i32 to index
        %get3A_940 = arith.constant 64 : index
        %get3A_941 = tpu.vector_load %arg13[%get3A_939, %get3A_940] {strides = array<i32>} : memref<100x128xf32, #tpu.memory_space<vmem>>, vector<16xf32>,
        %add3A_942 = arith.addf %scan3A_903, %get3A_941 : vector<16xf32>
        %mul3A_943 = arith.mulf %get3A_941, %get3A_941 : vector<16xf32>
        %add3A_944 = arith.addf %scan3A_911, %mul3A_943 : vector<16xf32>
        %get3A_945 = arith.index_cast %scan3A_898 : i32 to index
        %get3A_946 = arith.constant 80 : index
        %get3A_947 = tpu.vector_load %arg13[%get3A_945, %get3A_946] {strides = array<i32>} : memref<100x128xf32, #tpu.memory_space<vmem>>, vector<16xf32>,
        %add3A_948 = arith.addf %scan3A_904, %get3A_947 : vector<16xf32>
        %mul3A_949 = arith.mulf %get3A_947, %get3A_947 : vector<16xf32>
        %add3A_950 = arith.addf %scan3A_912, %mul3A_949 : vector<16xf32>
        %get3A_951 = arith.index_cast %scan3A_898 : i32 to index
        %get3A_952 = arith.constant 96 : index
        %get3A_953 = tpu.vector_load %arg13[%get3A_951, %get3A_952] {strides = array<i32>} : memref<100x128xf32, #tpu.memory_space<vmem>>, vector<16xf32>,
        %add3A_954 = arith.addf %scan3A_905, %get3A_953 : vector<16xf32>
        %mul3A_955 = arith.mulf %get3A_953, %get3A_953 : vector<16xf32>
        %add3A_956 = arith.addf %scan3A_913, %mul3A_955 : vector<16xf32>
        %get3A_957 = arith.index_cast %scan3A_898 : i32 to index
        %get3A_958 = arith.constant 112 : index
        %get3A_959 = tpu.vector_load %arg13[%get3A_957, %get3A_958] {strides = array<i32>} : memref<100x128xf32, #tpu.memory_space<vmem>>, vector<16xf32>,
        %add3A_960 = arith.addf %scan3A_906, %get3A_959 : vector<16xf32>
        %mul3A_961 = arith.mulf %get3A_959, %get3A_959 : vector<16xf32>
        %add3A_962 = arith.addf %scan3A_914, %mul3A_961 : vector<16xf32>
        %scan3A_963 = arith.constant 1 : i32
        %scan3A_964 = arith.addi %scan3A_898, %scan3A_963 : i32
        %get3A_965 = arith.index_cast %scan3A_964 : i32 to index
        %get3A_966 = arith.constant 0 : index
        %get3A_967 = tpu.vector_load %arg13[%get3A_965, %get3A_966] {strides = array<i32>} : memref<100x128xf32, #tpu.memory_space<vmem>>, vector<16xf32>,
        %add3A_968 = arith.addf %add3A_918, %get3A_967 : vector<16xf32>
        %mul3A_969 = arith.mulf %get3A_967, %get3A_967 : vector<16xf32>
        %add3A_970 = arith.addf %add3A_920, %mul3A_969 : vector<16xf32>
        %get3A_971 = arith.index_cast %scan3A_964 : i32 to index
        %get3A_972 = arith.constant 16 : index
        %get3A_973 = tpu.vector_load %arg13[%get3A_971, %get3A_972] {strides = array<i32>} : memref<100x128xf32, #tpu.memory_space<vmem>>, vector<16xf32>,
        %add3A_974 = arith.addf %add3A_924, %get3A_973 : vector<16xf32>
        %mul3A_975 = arith.mulf %get3A_973, %get3A_973 : vector<16xf32>
        %add3A_976 = arith.addf %add3A_926, %mul3A_975 : vector<16xf32>
        %get3A_977 = arith.index_cast %scan3A_964 : i32 to index
        %get3A_978 = arith.constant 32 : index
        %get3A_979 = tpu.vector_load %arg13[%get3A_977, %get3A_978] {strides = array<i32>} : memref<100x128xf32, #tpu.memory_space<vmem>>, vector<16xf32>,
        %add3A_980 = arith.addf %add3A_930, %get3A_979 : vector<16xf32>
        %mul3A_981 = arith.mulf %get3A_979, %get3A_979 : vector<16xf32>
        %add3A_982 = arith.addf %add3A_932, %mul3A_981 : vector<16xf32>
        %get3A_983 = arith.index_cast %scan3A_964 : i32 to index
        %get3A_984 = arith.constant 48 : index
        %get3A_985 = tpu.vector_load %arg13[%get3A_983, %get3A_984] {strides = array<i32>} : memref<100x128xf32, #tpu.memory_space<vmem>>, vector<16xf32>,
        %add3A_986 = arith.addf %add3A_936, %get3A_985 : vector<16xf32>
        %mul3A_987 = arith.mulf %get3A_985, %get3A_985 : vector<16xf32>
        %add3A_988 = arith.addf %add3A_938, %mul3A_987 : vector<16xf32>
        %get3A_989 = arith.index_cast %scan3A_964 : i32 to index
        %get3A_990 = arith.constant 64 : index
        %get3A_991 = tpu.vector_load %arg13[%get3A_989, %get3A_990] {strides = array<i32>} : memref<100x128xf32, #tpu.memory_space<vmem>>, vector<16xf32>,
        %add3A_992 = arith.addf %add3A_942, %get3A_991 : vector<16xf32>
        %mul3A_993 = arith.mulf %get3A_991, %get3A_991 : vector<16xf32>
        %add3A_994 = arith.addf %add3A_944, %mul3A_993 : vector<16xf32>
        %get3A_995 = arith.index_cast %scan3A_964 : i32 to index
        %get3A_996 = arith.constant 80 : index
        %get3A_997 = tpu.vector_load %arg13[%get3A_995, %get3A_996] {strides = array<i32>} : memref<100x128xf32, #tpu.memory_space<vmem>>, vector<16xf32>,
        %add3A_998 = arith.addf %add3A_948, %get3A_997 : vector<16xf32>
        %mul3A_999 = arith.mulf %get3A_997, %get3A_997 : vector<16xf32>
        %add3A_1000 = arith.addf %add3A_950, %mul3A_999 : vector<16xf32>
        %get3A_1001 = arith.index_cast %scan3A_964 : i32 to index
        %get3A_1002 = arith.constant 96 : index
        %get3A_1003 = tpu.vector_load %arg13[%get3A_1001, %get3A_1002] {strides = array<i32>} : memref<100x128xf32, #tpu.memory_space<vmem>>, vector<16xf32>,
        %add3A_1004 = arith.addf %add3A_954, %get3A_1003 : vector<16xf32>
        %mul3A_1005 = arith.mulf %get3A_1003, %get3A_1003 : vector<16xf32>
        %add3A_1006 = arith.addf %add3A_956, %mul3A_1005 : vector<16xf32>
        %get3A_1007 = arith.index_cast %scan3A_964 : i32 to index
        %get3A_1008 = arith.constant 112 : index
        %get3A_1009 = tpu.vector_load %arg13[%get3A_1007, %get3A_1008] {strides = array<i32>} : memref<100x128xf32, #tpu.memory_space<vmem>>, vector<16xf32>,
        %add3A_1010 = arith.addf %add3A_960, %get3A_1009 : vector<16xf32>
        %mul3A_1011 = arith.mulf %get3A_1009, %get3A_1009 : vector<16xf32>
        %add3A_1012 = arith.addf %add3A_962, %mul3A_1011 : vector<16xf32>
        %scan3A_1013 = arith.constant 2 : i32
        %scan3A_1014 = arith.addi %scan3A_898, %scan3A_1013 : i32
        %get3A_1015 = arith.index_cast %scan3A_1014 : i32 to index
        %get3A_1016 = arith.constant 0 : index
        %get3A_1017 = tpu.vector_load %arg13[%get3A_1015, %get3A_1016] {strides = array<i32>} : memref<100x128xf32, #tpu.memory_space<vmem>>, vector<16xf32>,
        %add3A_1018 = arith.addf %add3A_968, %get3A_1017 : vector<16xf32>
        %mul3A_1019 = arith.mulf %get3A_1017, %get3A_1017 : vector<16xf32>
        %add3A_1020 = arith.addf %add3A_970, %mul3A_1019 : vector<16xf32>
        %get3A_1021 = arith.index_cast %scan3A_1014 : i32 to index
        %get3A_1022 = arith.constant 16 : index
        %get3A_1023 = tpu.vector_load %arg13[%get3A_1021, %get3A_1022] {strides = array<i32>} : memref<100x128xf32, #tpu.memory_space<vmem>>, vector<16xf32>,
        %add3A_1024 = arith.addf %add3A_974, %get3A_1023 : vector<16xf32>
        %mul3A_1025 = arith.mulf %get3A_1023, %get3A_1023 : vector<16xf32>
        %add3A_1026 = arith.addf %add3A_976, %mul3A_1025 : vector<16xf32>
        %get3A_1027 = arith.index_cast %scan3A_1014 : i32 to index
        %get3A_1028 = arith.constant 32 : index
        %get3A_1029 = tpu.vector_load %arg13[%get3A_1027, %get3A_1028] {strides = array<i32>} : memref<100x128xf32, #tpu.memory_space<vmem>>, vector<16xf32>,
        %add3A_1030 = arith.addf %add3A_980, %get3A_1029 : vector<16xf32>
        %mul3A_1031 = arith.mulf %get3A_1029, %get3A_1029 : vector<16xf32>
        %add3A_1032 = arith.addf %add3A_982, %mul3A_1031 : vector<16xf32>
        %get3A_1033 = arith.index_cast %scan3A_1014 : i32 to index
        %get3A_1034 = arith.constant 48 : index
        %get3A_1035 = tpu.vector_load %arg13[%get3A_1033, %get3A_1034] {strides = array<i32>} : memref<100x128xf32, #tpu.memory_space<vmem>>, vector<16xf32>,
        %add3A_1036 = arith.addf %add3A_986, %get3A_1035 : vector<16xf32>
        %mul3A_1037 = arith.mulf %get3A_1035, %get3A_1035 : vector<16xf32>
        %add3A_1038 = arith.addf %add3A_988, %mul3A_1037 : vector<16xf32>
        %get3A_1039 = arith.index_cast %scan3A_1014 : i32 to index
        %get3A_1040 = arith.constant 64 : index
        %get3A_1041 = tpu.vector_load %arg13[%get3A_1039, %get3A_1040] {strides = array<i32>} : memref<100x128xf32, #tpu.memory_space<vmem>>, vector<16xf32>,
        %add3A_1042 = arith.addf %add3A_992, %get3A_1041 : vector<16xf32>
        %mul3A_1043 = arith.mulf %get3A_1041, %get3A_1041 : vector<16xf32>
        %add3A_1044 = arith.addf %add3A_994, %mul3A_1043 : vector<16xf32>
        %get3A_1045 = arith.index_cast %scan3A_1014 : i32 to index
        %get3A_1046 = arith.constant 80 : index
        %get3A_1047 = tpu.vector_load %arg13[%get3A_1045, %get3A_1046] {strides = array<i32>} : memref<100x128xf32, #tpu.memory_space<vmem>>, vector<16xf32>,
        %add3A_1048 = arith.addf %add3A_998, %get3A_1047 : vector<16xf32>
        %mul3A_1049 = arith.mulf %get3A_1047, %get3A_1047 : vector<16xf32>
        %add3A_1050 = arith.addf %add3A_1000, %mul3A_1049 : vector<16xf32>
        %get3A_1051 = arith.index_cast %scan3A_1014 : i32 to index
        %get3A_1052 = arith.constant 96 : index
        %get3A_1053 = tpu.vector_load %arg13[%get3A_1051, %get3A_1052] {strides = array<i32>} : memref<100x128xf32, #tpu.memory_space<vmem>>, vector<16xf32>,
        %add3A_1054 = arith.addf %add3A_1004, %get3A_1053 : vector<16xf32>
        %mul3A_1055 = arith.mulf %get3A_1053, %get3A_1053 : vector<16xf32>
        %add3A_1056 = arith.addf %add3A_1006, %mul3A_1055 : vector<16xf32>
        %get3A_1057 = arith.index_cast %scan3A_1014 : i32 to index
        %get3A_1058 = arith.constant 112 : index
        %get3A_1059 = tpu.vector_load %arg13[%get3A_1057, %get3A_1058] {strides = array<i32>} : memref<100x128xf32, #tpu.memory_space<vmem>>, vector<16xf32>,
        %add3A_1060 = arith.addf %add3A_1010, %get3A_1059 : vector<16xf32>
        %mul3A_1061 = arith.mulf %get3A_1059, %get3A_1059 : vector<16xf32>
        %add3A_1062 = arith.addf %add3A_1012, %mul3A_1061 : vector<16xf32>
        %scan3A_1063 = arith.constant 3 : i32
        %scan3A_1064 = arith.addi %scan3A_898, %scan3A_1063 : i32
        %get3A_1065 = arith.index_cast %scan3A_1064 : i32 to index
        %get3A_1066 = arith.constant 0 : index
        %get3A_1067 = tpu.vector_load %arg13[%get3A_1065, %get3A_1066] {strides = array<i32>} : memref<100x128xf32, #tpu.memory_space<vmem>>, vector<16xf32>,
        %add3A_1068 = arith.addf %add3A_1018, %get3A_1067 : vector<16xf32>
        %mul3A_1069 = arith.mulf %get3A_1067, %get3A_1067 : vector<16xf32>
        %add3A_1070 = arith.addf %add3A_1020, %mul3A_1069 : vector<16xf32>
        %get3A_1071 = arith.index_cast %scan3A_1064 : i32 to index
        %get3A_1072 = arith.constant 16 : index
        %get3A_1073 = tpu.vector_load %arg13[%get3A_1071, %get3A_1072] {strides = array<i32>} : memref<100x128xf32, #tpu.memory_space<vmem>>, vector<16xf32>,
        %add3A_1074 = arith.addf %add3A_1024, %get3A_1073 : vector<16xf32>
        %mul3A_1075 = arith.mulf %get3A_1073, %get3A_1073 : vector<16xf32>
        %add3A_1076 = arith.addf %add3A_1026, %mul3A_1075 : vector<16xf32>
        %get3A_1077 = arith.index_cast %scan3A_1064 : i32 to index
        %get3A_1078 = arith.constant 32 : index
        %get3A_1079 = tpu.vector_load %arg13[%get3A_1077, %get3A_1078] {strides = array<i32>} : memref<100x128xf32, #tpu.memory_space<vmem>>, vector<16xf32>,
        %add3A_1080 = arith.addf %add3A_1030, %get3A_1079 : vector<16xf32>
        %mul3A_1081 = arith.mulf %get3A_1079, %get3A_1079 : vector<16xf32>
        %add3A_1082 = arith.addf %add3A_1032, %mul3A_1081 : vector<16xf32>
        %get3A_1083 = arith.index_cast %scan3A_1064 : i32 to index
        %get3A_1084 = arith.constant 48 : index
        %get3A_1085 = tpu.vector_load %arg13[%get3A_1083, %get3A_1084] {strides = array<i32>} : memref<100x128xf32, #tpu.memory_space<vmem>>, vector<16xf32>,
        %add3A_1086 = arith.addf %add3A_1036, %get3A_1085 : vector<16xf32>
        %mul3A_1087 = arith.mulf %get3A_1085, %get3A_1085 : vector<16xf32>
        %add3A_1088 = arith.addf %add3A_1038, %mul3A_1087 : vector<16xf32>
        %get3A_1089 = arith.index_cast %scan3A_1064 : i32 to index
        %get3A_1090 = arith.constant 64 : index
        %get3A_1091 = tpu.vector_load %arg13[%get3A_1089, %get3A_1090] {strides = array<i32>} : memref<100x128xf32, #tpu.memory_space<vmem>>, vector<16xf32>,
        %add3A_1092 = arith.addf %add3A_1042, %get3A_1091 : vector<16xf32>
        %mul3A_1093 = arith.mulf %get3A_1091, %get3A_1091 : vector<16xf32>
        %add3A_1094 = arith.addf %add3A_1044, %mul3A_1093 : vector<16xf32>
        %get3A_1095 = arith.index_cast %scan3A_1064 : i32 to index
        %get3A_1096 = arith.constant 80 : index
        %get3A_1097 = tpu.vector_load %arg13[%get3A_1095, %get3A_1096] {strides = array<i32>} : memref<100x128xf32, #tpu.memory_space<vmem>>, vector<16xf32>,
        %add3A_1098 = arith.addf %add3A_1048, %get3A_1097 : vector<16xf32>
        %mul3A_1099 = arith.mulf %get3A_1097, %get3A_1097 : vector<16xf32>
        %add3A_1100 = arith.addf %add3A_1050, %mul3A_1099 : vector<16xf32>
        %get3A_1101 = arith.index_cast %scan3A_1064 : i32 to index
        %get3A_1102 = arith.constant 96 : index
        %get3A_1103 = tpu.vector_load %arg13[%get3A_1101, %get3A_1102] {strides = array<i32>} : memref<100x128xf32, #tpu.memory_space<vmem>>, vector<16xf32>,
        %add3A_1104 = arith.addf %add3A_1054, %get3A_1103 : vector<16xf32>
        %mul3A_1105 = arith.mulf %get3A_1103, %get3A_1103 : vector<16xf32>
        %add3A_1106 = arith.addf %add3A_1056, %mul3A_1105 : vector<16xf32>
        %get3A_1107 = arith.index_cast %scan3A_1064 : i32 to index
        %get3A_1108 = arith.constant 112 : index
        %get3A_1109 = tpu.vector_load %arg13[%get3A_1107, %get3A_1108] {strides = array<i32>} : memref<100x128xf32, #tpu.memory_space<vmem>>, vector<16xf32>,
        %add3A_1110 = arith.addf %add3A_1060, %get3A_1109 : vector<16xf32>
        %mul3A_1111 = arith.mulf %get3A_1109, %get3A_1109 : vector<16xf32>
        %add3A_1112 = arith.addf %add3A_1062, %mul3A_1111 : vector<16xf32>
        scf.yield %add3A_1068, %add3A_1074, %add3A_1080, %add3A_1086, %add3A_1092, %add3A_1098, %add3A_1104, %add3A_1110, %add3A_1070, %add3A_1076, %add3A_1082, %add3A_1088, %add3A_1094, %add3A_1100, %add3A_1106, %add3A_1112 : vector<16xf32>, vector<16xf32>, vector<16xf32>, vector<16xf32>, vector<16xf32>, vector<16xf32>, vector<16xf32>, vector<16xf32>, vector<16xf32>, vector<16xf32>, vector<16xf32>, vector<16xf32>, vector<16xf32>, vector<16xf32>, vector<16xf32>, vector<16xf32>
      }
      %scan3A_790 = arith.constant 100 : i32
      %mul3A_791 = arith.mulf %scan3A_789#0, %scan3A_789#0 : vector<16xf32>
      %sub3A_792 = arith.subf %mul3A_791, %scan3A_789#8 : vector<16xf32>
      %add3A_793 = arith.addf %broadcast_in_dim3A_7, %sub3A_792 : vector<16xf32>
      %mul3A_794 = arith.mulf %scan3A_789#1, %scan3A_789#1 : vector<16xf32>
      %sub3A_795 = arith.subf %mul3A_794, %scan3A_789#9 : vector<16xf32>
      %add3A_796 = arith.addf %add3A_793, %sub3A_795 : vector<16xf32>
      %mul3A_797 = arith.mulf %scan3A_789#2, %scan3A_789#2 : vector<16xf32>
      %sub3A_798 = arith.subf %mul3A_797, %scan3A_789#10 : vector<16xf32>
      %add3A_799 = arith.addf %add3A_796, %sub3A_798 : vector<16xf32>
      %mul3A_800 = arith.mulf %scan3A_789#3, %scan3A_789#3 : vector<16xf32>
      %sub3A_801 = arith.subf %mul3A_800, %scan3A_789#11 : vector<16xf32>
      %add3A_802 = arith.addf %add3A_799, %sub3A_801 : vector<16xf32>
      %mul3A_803 = arith.mulf %scan3A_789#4, %scan3A_789#4 : vector<16xf32>
      %sub3A_804 = arith.subf %mul3A_803, %scan3A_789#12 : vector<16xf32>
      %add3A_805 = arith.addf %add3A_802, %sub3A_804 : vector<16xf32>
      %mul3A_806 = arith.mulf %scan3A_789#5, %scan3A_789#5 : vector<16xf32>
      %sub3A_807 = arith.subf %mul3A_806, %scan3A_789#13 : vector<16xf32>
      %add3A_808 = arith.addf %add3A_805, %sub3A_807 : vector<16xf32>
      %mul3A_809 = arith.mulf %scan3A_789#6, %scan3A_789#6 : vector<16xf32>
      %sub3A_810 = arith.subf %mul3A_809, %scan3A_789#14 : vector<16xf32>
      %add3A_811 = arith.addf %add3A_808, %sub3A_810 : vector<16xf32>
      %mul3A_812 = arith.mulf %scan3A_789#7, %scan3A_789#7 : vector<16xf32>
      %sub3A_813 = arith.subf %mul3A_812, %scan3A_789#15 : vector<16xf32>
      %add3A_814 = arith.addf %add3A_811, %sub3A_813 : vector<16xf32>
      %reduce_sum3A_815 = arith.constant true
      %reduce_sum3A_816 = vector.broadcast %reduce_sum3A_815 : i1 to vector<16xi1>
      %reduce_sum3A_817 = tpu.scan <sum>, %add3A_814 masked %reduce_sum3A_816 : vector<16xf32>, vector<16xi1> -> vector<16xf32>
      %reduce_sum3A_818 = vector.extract %reduce_sum3A_817[15] : f32 from vector<16xf32>
      %get3A_819 = arith.constant 0 : index
      %get3A_820 = tpu.vector_load %arg17[%get3A_819] {strides = array<i32>} : memref<112xf32, #tpu.memory_space<vmem>>, vector<16xf32>,
      %add3A_821 = arith.addf %broadcast_in_dim3A_7, %get3A_820 : vector<16xf32>
      %get3A_822 = arith.constant 16 : index
      %get3A_823 = tpu.vector_load %arg17[%get3A_822] {strides = array<i32>} : memref<112xf32, #tpu.memory_space<vmem>>, vector<16xf32>,
      %add3A_824 = arith.addf %add3A_821, %get3A_823 : vector<16xf32>
      %get3A_825 = arith.constant 32 : index
      %get3A_826 = tpu.vector_load %arg17[%get3A_825] {strides = array<i32>} : memref<112xf32, #tpu.memory_space<vmem>>, vector<16xf32>,
      %add3A_827 = arith.addf %add3A_824, %get3A_826 : vector<16xf32>
      %get3A_828 = arith.constant 48 : index
      %get3A_829 = tpu.vector_load %arg17[%get3A_828] {strides = array<i32>} : memref<112xf32, #tpu.memory_space<vmem>>, vector<16xf32>,
      %add3A_830 = arith.addf %add3A_827, %get3A_829 : vector<16xf32>
      %get3A_831 = arith.constant 64 : index
      %get3A_832 = tpu.vector_load %arg17[%get3A_831] {strides = array<i32>} : memref<112xf32, #tpu.memory_space<vmem>>, vector<16xf32>,
      %add3A_833 = arith.addf %add3A_830, %get3A_832 : vector<16xf32>
      %get3A_834 = arith.constant 80 : index
      %get3A_835 = tpu.vector_load %arg17[%get3A_834] {strides = array<i32>} : memref<112xf32, #tpu.memory_space<vmem>>, vector<16xf32>,
      %add3A_836 = arith.addf %add3A_833, %get3A_835 : vector<16xf32>
      %get3A_837 = arith.constant 96 : index
      %get3A_838 = tpu.vector_load %arg17[%get3A_837] {strides = array<i32>} : memref<112xf32, #tpu.memory_space<vmem>>, vector<16xf32>,
      %add3A_839 = arith.addf %add3A_836, %get3A_838 : vector<16xf32>
      %reduce_sum3A_840 = arith.constant true
      %reduce_sum3A_841 = vector.broadcast %reduce_sum3A_840 : i1 to vector<16xi1>
      %reduce_sum3A_842 = tpu.scan <sum>, %add3A_839 masked %reduce_sum3A_841 : vector<16xf32>, vector<16xi1> -> vector<16xf32>
      %reduce_sum3A_843 = vector.extract %reduce_sum3A_842[15] : f32 from vector<16xf32>
      %add3A_844 = arith.addf %reduce_sum3A_843, %squeeze3A : f32
      %mul3A_845 = arith.constant 5.000000e-01 : f32
      %mul3A_846 = arith.mulf %mul3A_845, %reduce_sum3A_818 : f32
      %add3A_847 = arith.addf %add3A_844, %mul3A_846 : f32
      %add3A_848 = arith.constant 4 : i32
      %add3A_849 = arith.addi %add3A_771, %add3A_848 : i32
      %lt3A_850 = arith.constant 128 : i32
      %lt3A_851 = arith.cmpi slt, %add3A_849, %lt3A_850 : i32
      %convert_element_type3A_852 = arith.extui %lt3A_851 : i1 to i32
      %cond3A_853 = arith.constant 0 : i32
      %cond3A_854 = arith.cmpi ne, %convert_element_type3A_852, %cond3A_853 : i32
      scf.if %cond3A_854 {
        %add3A_898 = arith.constant 4 : i32
        %add3A_899 = arith.addi %add3A_771, %add3A_898 : i32
        %get3A_900 = arith.index_cast %add3A_899 : i32 to index
        %get3A_901 = arith.constant 84 : index
        %get3A_902 = tpu.vector_load %arg7[%get3A_900, %get3A_901] {strides = array<i32>} : memref<128x100xi32, #tpu.memory_space<vmem>>, vector<16xi32>,
        %get3A_903 = arith.index_cast %add3A_899 : i32 to index
        %get3A_904 = arith.constant 0 : index
        %get3A_905 = tpu.vector_load %arg7[%get3A_903, %get3A_904] {strides = array<i32>} : memref<128x100xi32, #tpu.memory_space<vmem>>, vector<16xi32>,
        %add3A_906 = arith.constant 0 : i32
        %add3A_907 = vector.broadcast %add3A_906 : i32 to vector<16xi32>
        %add3A_908 = arith.addi %add3A_907, %mul3A_6 : vector<16xi32>
        %add3A_909 = arith.addi %get3A_905, %add3A_908 : vector<16xi32>
        %swap3A_910 = arith.index_cast %add3A_899 : i32 to index
        %swap3A_911 = arith.constant 0 : index
        %swap3A_912 = tpu.vector_load %arg7[%swap3A_910, %swap3A_911] {strides = array<i32>} : memref<128x100xi32, #tpu.memory_space<vmem>>, vector<16xi32>,
        tpu.vector_store %arg7[%swap3A_910, %swap3A_911], %add3A_909 {strides = array<i32>} : memref<128x100xi32, #tpu.memory_space<vmem>>, vector<16xi32>,
        %get3A_913 = arith.index_cast %add3A_899 : i32 to index
        %get3A_914 = arith.constant 16 : index
        %get3A_915 = tpu.vector_load %arg7[%get3A_913, %get3A_914] {strides = array<i32>} : memref<128x100xi32, #tpu.memory_space<vmem>>, vector<16xi32>,
        %add3A_916 = arith.constant 16000 : i32
        %add3A_917 = vector.broadcast %add3A_916 : i32 to vector<16xi32>
        %add3A_918 = arith.addi %add3A_917, %mul3A_6 : vector<16xi32>
        %add3A_919 = arith.addi %get3A_915, %add3A_918 : vector<16xi32>
        %swap3A_920 = arith.index_cast %add3A_899 : i32 to index
        %swap3A_921 = arith.constant 16 : index
        %swap3A_922 = tpu.vector_load %arg7[%swap3A_920, %swap3A_921] {strides = array<i32>} : memref<128x100xi32, #tpu.memory_space<vmem>>, vector<16xi32>,
        tpu.vector_store %arg7[%swap3A_920, %swap3A_921], %add3A_919 {strides = array<i32>} : memref<128x100xi32, #tpu.memory_space<vmem>>, vector<16xi32>,
        %get3A_923 = arith.index_cast %add3A_899 : i32 to index
        %get3A_924 = arith.constant 32 : index
        %get3A_925 = tpu.vector_load %arg7[%get3A_923, %get3A_924] {strides = array<i32>} : memref<128x100xi32, #tpu.memory_space<vmem>>, vector<16xi32>,
        %add3A_926 = arith.constant 32000 : i32
        %add3A_927 = vector.broadcast %add3A_926 : i32 to vector<16xi32>
        %add3A_928 = arith.addi %add3A_927, %mul3A_6 : vector<16xi32>
        %add3A_929 = arith.addi %get3A_925, %add3A_928 : vector<16xi32>
        %swap3A_930 = arith.index_cast %add3A_899 : i32 to index
        %swap3A_931 = arith.constant 32 : index
        %swap3A_932 = tpu.vector_load %arg7[%swap3A_930, %swap3A_931] {strides = array<i32>} : memref<128x100xi32, #tpu.memory_space<vmem>>, vector<16xi32>,
        tpu.vector_store %arg7[%swap3A_930, %swap3A_931], %add3A_929 {strides = array<i32>} : memref<128x100xi32, #tpu.memory_space<vmem>>, vector<16xi32>,
        %get3A_933 = arith.index_cast %add3A_899 : i32 to index
        %get3A_934 = arith.constant 48 : index
        %get3A_935 = tpu.vector_load %arg7[%get3A_933, %get3A_934] {strides = array<i32>} : memref<128x100xi32, #tpu.memory_space<vmem>>, vector<16xi32>,
        %add3A_936 = arith.constant 48000 : i32
        %add3A_937 = vector.broadcast %add3A_936 : i32 to vector<16xi32>
        %add3A_938 = arith.addi %add3A_937, %mul3A_6 : vector<16xi32>
        %add3A_939 = arith.addi %get3A_935, %add3A_938 : vector<16xi32>
        %swap3A_940 = arith.index_cast %add3A_899 : i32 to index
        %swap3A_941 = arith.constant 48 : index
        %swap3A_942 = tpu.vector_load %arg7[%swap3A_940, %swap3A_941] {strides = array<i32>} : memref<128x100xi32, #tpu.memory_space<vmem>>, vector<16xi32>,
        tpu.vector_store %arg7[%swap3A_940, %swap3A_941], %add3A_939 {strides = array<i32>} : memref<128x100xi32, #tpu.memory_space<vmem>>, vector<16xi32>,
        %get3A_943 = arith.index_cast %add3A_899 : i32 to index
        %get3A_944 = arith.constant 64 : index
        %get3A_945 = tpu.vector_load %arg7[%get3A_943, %get3A_944] {strides = array<i32>} : memref<128x100xi32, #tpu.memory_space<vmem>>, vector<16xi32>,
        %add3A_946 = arith.constant 64000 : i32
        %add3A_947 = vector.broadcast %add3A_946 : i32 to vector<16xi32>
        %add3A_948 = arith.addi %add3A_947, %mul3A_6 : vector<16xi32>
        %add3A_949 = arith.addi %get3A_945, %add3A_948 : vector<16xi32>
        %swap3A_950 = arith.index_cast %add3A_899 : i32 to index
        %swap3A_951 = arith.constant 64 : index
        %swap3A_952 = tpu.vector_load %arg7[%swap3A_950, %swap3A_951] {strides = array<i32>} : memref<128x100xi32, #tpu.memory_space<vmem>>, vector<16xi32>,
        tpu.vector_store %arg7[%swap3A_950, %swap3A_951], %add3A_949 {strides = array<i32>} : memref<128x100xi32, #tpu.memory_space<vmem>>, vector<16xi32>,
        %get3A_953 = arith.index_cast %add3A_899 : i32 to index
        %get3A_954 = arith.constant 80 : index
        %get3A_955 = tpu.vector_load %arg7[%get3A_953, %get3A_954] {strides = array<i32>} : memref<128x100xi32, #tpu.memory_space<vmem>>, vector<16xi32>,
        %add3A_956 = arith.constant 80000 : i32
        %add3A_957 = vector.broadcast %add3A_956 : i32 to vector<16xi32>
        %add3A_958 = arith.addi %add3A_957, %mul3A_6 : vector<16xi32>
        %add3A_959 = arith.addi %get3A_955, %add3A_958 : vector<16xi32>
        %swap3A_960 = arith.index_cast %add3A_899 : i32 to index
        %swap3A_961 = arith.constant 80 : index
        %swap3A_962 = tpu.vector_load %arg7[%swap3A_960, %swap3A_961] {strides = array<i32>} : memref<128x100xi32, #tpu.memory_space<vmem>>, vector<16xi32>,
        tpu.vector_store %arg7[%swap3A_960, %swap3A_961], %add3A_959 {strides = array<i32>} : memref<128x100xi32, #tpu.memory_space<vmem>>, vector<16xi32>,
        %add3A_963 = arith.constant 84000 : i32
        %add3A_964 = vector.broadcast %add3A_963 : i32 to vector<16xi32>
        %add3A_965 = arith.addi %add3A_964, %mul3A_6 : vector<16xi32>
        %add3A_966 = arith.addi %get3A_902, %add3A_965 : vector<16xi32>
        %swap3A_967 = arith.index_cast %add3A_899 : i32 to index
        %swap3A_968 = arith.constant 84 : index
        %swap3A_969 = tpu.vector_load %arg7[%swap3A_967, %swap3A_968] {strides = array<i32>} : memref<128x100xi32, #tpu.memory_space<vmem>>, vector<16xi32>,
        tpu.vector_store %arg7[%swap3A_967, %swap3A_968], %add3A_966 {strides = array<i32>} : memref<128x100xi32, #tpu.memory_space<vmem>>, vector<16xi32>,
        %dma_start3A_970 = arith.constant 0 : i32
        %dma_start3A_971 = tpu.memref_slice %arg7[%add3A_899, %dma_start3A_970] : memref<128x100xi32, #tpu.memory_space<vmem>> -> memref<1x100xi32, #tpu.memory_space<vmem>>
        %dma_start3A_972 = tpu.memref_squeeze %dma_start3A_971 : memref<1x100xi32, #tpu.memory_space<vmem>> -> memref<100xi32, #tpu.memory_space<vmem>>
        %dma_start3A_973 = arith.constant 0 : i32
        %dma_start3A_974 = arith.constant 0 : i32
        %dma_start3A_975 = tpu.memref_slice %arg5[%dma_start3A_973, %dma_start3A_974] : memref<100000x128xf32, #tpu.memory_space<hbm>> -> memref<100000x128xf32, #tpu.memory_space<hbm>>
        tpu.enqueue_indirect_dma source(%dma_start3A_975 : memref<100000x128xf32, #tpu.memory_space<hbm>>) target(%arg13 : memref<100x128xf32, #tpu.memory_space<vmem>>) offsets(%dma_start3A_972 : memref<100xi32, #tpu.memory_space<vmem>>) semaphore(%arg21 : memref<!tpu.dma_semaphore, #tpu.memory_space<semaphore_mem>>)
        %dma_start3A_976 = arith.constant 0 : i32
        %dma_start3A_977 = tpu.memref_slice %arg17[%dma_start3A_976] : memref<112xf32, #tpu.memory_space<vmem>> -> memref<100xf32, #tpu.memory_space<vmem>>
        %dma_start3A_978 = arith.constant 0 : i32
        %dma_start3A_979 = tpu.memref_slice %arg7[%add3A_899, %dma_start3A_978] : memref<128x100xi32, #tpu.memory_space<vmem>> -> memref<1x100xi32, #tpu.memory_space<vmem>>
        %dma_start3A_980 = tpu.memref_squeeze %dma_start3A_979 : memref<1x100xi32, #tpu.memory_space<vmem>> -> memref<100xi32, #tpu.memory_space<vmem>>
        %dma_start3A_981 = arith.constant 0 : i32
        %dma_start3A_982 = tpu.memref_slice %arg3[%dma_start3A_981] : memref<100000xf32, #tpu.memory_space<hbm>> -> memref<100000xf32, #tpu.memory_space<hbm>>
        tpu.enqueue_indirect_dma source(%dma_start3A_982 : memref<100000xf32, #tpu.memory_space<hbm>>) target(%dma_start3A_977 : memref<100xf32, #tpu.memory_space<vmem>>) offsets(%dma_start3A_980 : memref<100xi32, #tpu.memory_space<vmem>>) semaphore(%arg25 : memref<!tpu.dma_semaphore, #tpu.memory_space<semaphore_mem>>)
      } else {
      }
      %jit3A_855 = arith.constant 16 : i32
      %eq3A_856 = arith.constant 0 : i32
      %eq3A_857 = arith.cmpi eq, %jit3A_855, %eq3A_856 : i32
      %jit3A_858 = arith.constant 1 : i32
      %select_n3A_859 = arith.select %eq3A_857, %jit3A_858, %jit3A_855 : i32
      %rem3A_860 = arith.remsi %add3A_771, %select_n3A_859 : i32
      %ne3A_861 = arith.constant 0 : i32
      %ne3A_862 = arith.cmpi ne, %rem3A_860, %ne3A_861 : i32
      %lt3A_863 = arith.constant 0 : i32
      %lt3A_864 = arith.cmpi slt, %rem3A_860, %lt3A_863 : i32
      %lt3A_865 = arith.constant 0 : i32
      %lt3A_866 = arith.cmpi slt, %select_n3A_859, %lt3A_865 : i32
      %ne3A_867 = arith.xori %lt3A_864, %lt3A_866 : i1
      %and3A_868 = arith.andi %ne3A_867, %ne3A_862 : i1
      %add3A_869 = arith.addi %rem3A_860, %select_n3A_859 : i32
      %select_n3A_870 = arith.select %and3A_868, %add3A_869, %rem3A_860 : i32
      %eq3A_871 = vector.broadcast %select_n3A_870 : i32 to vector<16xi32>
      %eq3A_872 = arith.cmpi eq, %iota3A, %eq3A_871 : vector<16xi32>
      %broadcast_in_dim3A_873 = vector.broadcast %add3A_847 : f32 to vector<16xf32>
      %select_n3A_874 = arith.select %eq3A_872, %broadcast_in_dim3A_873, %select_n3A_769 : vector<16xi1>, vector<16xf32>
      %add3A_875 = arith.constant 4 : i32
      %add3A_876 = arith.addi %mul3A_466, %add3A_875 : i32
      %jit3A_877 = arith.constant 16 : i32
      %eq3A_878 = arith.constant 0 : i32
      %eq3A_879 = arith.cmpi eq, %jit3A_877, %eq3A_878 : i32
      %jit3A_880 = arith.constant 1 : i32
      %select_n3A_881 = arith.select %eq3A_879, %jit3A_880, %jit3A_877 : i32
      %rem3A_882 = arith.remsi %add3A_876, %select_n3A_881 : i32
      %ne3A_883 = arith.constant 0 : i32
      %ne3A_884 = arith.cmpi ne, %rem3A_882, %ne3A_883 : i32
      %lt3A_885 = arith.constant 0 : i32
      %lt3A_886 = arith.cmpi slt, %rem3A_882, %lt3A_885 : i32
      %lt3A_887 = arith.constant 0 : i32
      %lt3A_888 = arith.cmpi slt, %select_n3A_881, %lt3A_887 : i32
      %ne3A_889 = arith.xori %lt3A_886, %lt3A_888 : i1
      %and3A_890 = arith.andi %ne3A_889, %ne3A_884 : i1
      %add3A_891 = arith.addi %rem3A_882, %select_n3A_881 : i32
      %select_n3A_892 = arith.select %and3A_890, %add3A_891, %rem3A_882 : i32
      %eq3A_893 = arith.constant 0 : i32
      %eq3A_894 = arith.cmpi eq, %select_n3A_892, %eq3A_893 : i32
      %convert_element_type3A_895 = arith.extui %eq3A_894 : i1 to i32
      %cond3A_896 = arith.constant 0 : i32
      %cond3A_897 = arith.cmpi ne, %convert_element_type3A_895, %cond3A_896 : i32
      scf.if %cond3A_897 {
        %jit3A_898 = arith.constant 16 : i32
        %div3A = arith.divsi %mul3A_466, %jit3A_898 : i32
        %sign3A = arith.constant 0 : i32
        %sign3A_899 = arith.cmpi sgt, %mul3A_466, %sign3A : i32
        %sign3A_900 = arith.extui %sign3A_899 : i1 to i32
        %sign3A_901 = arith.constant 0 : i32
        %sign3A_902 = arith.cmpi slt, %mul3A_466, %sign3A_901 : i32
        %sign3A_903 = arith.extui %sign3A_902 : i1 to i32
        %sign3A_904 = arith.subi %sign3A_900, %sign3A_903 : i32
        %sign3A_905 = arith.constant 0 : i32
        %sign3A_906 = arith.cmpi sgt, %jit3A_898, %sign3A_905 : i32
        %sign3A_907 = arith.extui %sign3A_906 : i1 to i32
        %sign3A_908 = arith.constant 0 : i32
        %sign3A_909 = arith.cmpi slt, %jit3A_898, %sign3A_908 : i32
        %sign3A_910 = arith.extui %sign3A_909 : i1 to i32
        %sign3A_911 = arith.subi %sign3A_907, %sign3A_910 : i32
        %ne3A_912 = arith.cmpi ne, %sign3A_904, %sign3A_911 : i32
        %rem3A_913 = arith.remsi %mul3A_466, %jit3A_898 : i32
        %ne3A_914 = arith.constant 0 : i32
        %ne3A_915 = arith.cmpi ne, %rem3A_913, %ne3A_914 : i32
        %and3A_916 = arith.andi %ne3A_912, %ne3A_915 : i1
        %sub3A_917 = arith.constant 1 : i32
        %sub3A_918 = arith.subi %div3A, %sub3A_917 : i32
        %select_n3A_919 = arith.select %and3A_916, %sub3A_918, %div3A : i32
        %mul3A_920 = arith.constant 16 : i32
        %mul3A_921 = arith.muli %select_n3A_919, %mul3A_920 : i32
        %swap3A_922 = arith.index_cast %mul3A_921 : i32 to index
        %swap3A_923 = tpu.vector_load %arg8[%swap3A_922] {strides = array<i32>} : memref<128xf32, #tpu.memory_space<vmem>>, vector<16xf32>,
        tpu.vector_store %arg8[%swap3A_922], %select_n3A_874 {strides = array<i32>} : memref<128xf32, #tpu.memory_space<vmem>>, vector<16xf32>,
      } else {
      }
      scf.yield %select_n3A_874 : vector<16xf32>
    }
    %scan3A_462 = arith.constant 32 : i32
    "tpu.region"() ({
      %run_scoped3A = tpu.sem_alloc : memref<!tpu.dma_semaphore, #tpu.memory_space<semaphore_mem>>
      %dma_start3A_463 = tpu.memref_slice %arg6[%mul3A_2] : memref<4096xf32, #tpu.memory_space<hbm>> -> memref<128xf32, #tpu.memory_space<hbm>>
      %dma_start3A_464 = tpu.memref_slice %arg6[%mul3A_2] : memref<4096xf32, #tpu.memory_space<hbm>> -> memref<128xf32, #tpu.memory_space<hbm>>
      tpu.enqueue_dma source(%arg8 : memref<128xf32, #tpu.memory_space<vmem>>) target(%dma_start3A_464 : memref<128xf32, #tpu.memory_space<hbm>>) target_semaphore(%run_scoped3A : memref<!tpu.dma_semaphore, #tpu.memory_space<semaphore_mem>>)
      %dma_wait3A = tpu.memref_slice %arg6[%mul3A_2] : memref<4096xf32, #tpu.memory_space<hbm>> -> memref<128xf32, #tpu.memory_space<hbm>>
      %dma_wait3A_465 = tpu.memref_slice %arg6[%mul3A_2] : memref<4096xf32, #tpu.memory_space<hbm>> -> memref<128xf32, #tpu.memory_space<hbm>>
      tpu.wait_dma2 semaphore(%run_scoped3A : memref<!tpu.dma_semaphore, #tpu.memory_space<semaphore_mem>>) src(%arg8 : memref<128xf32, #tpu.memory_space<vmem>>) dst(%dma_wait3A_465 : memref<128xf32, #tpu.memory_space<hbm>>)
      tpu.yield
    }) : () -> ()
    return
  }
}

</mosaic_0001>

<sc_bundles>
// kernel: kernel.3.cloned.1.call-start
scs
__scs_entry_jumppad:
0x0: {  	(pc) =	sbr.rel $0x88, $3  }
0x1: {  	(tag) =	ssettag $0x0;
	lr =	simm.s32 $0x1  }
0x2: {  	[smem:$0x3F9D] =	sst lr;
	_ =	strace $0xD0000000  }
0x3: {  	_ = 	snop  }
0x4: {  	_ = 	snop  }
0x5: {  	_ = 	snop  }
0x6: {  	_ = 	snop  }
0x7: {  	_ = 	snop  }
__scs_overlays_trampoline_lowered:
0x8: {  	[smem:$0x3FAC] =	sst s0  }
0x9: {  	[smem:$0x3FAD] =	sst s1  }
0xa: {  	[smem:$0x3FAE] =	sst s2  }
0xb: {  	[smem:$0x3FAF] =	sst s3  }
0xc: {  	[smem:$0x3FB0] =	sst s4  }
0xd: {  	[smem:$0x3FB1] =	sst s5  }
0xe: {  	[smem:$0x3FB2] =	sst s6  }
0xf: {  	[smem:$0x3FB3] =	sst s7  }
0x10: {  	[smem:$0x3FB4] =	sst s8  }
0x11: {  	[smem:$0x3FB5] =	sst s9;
	s0 =	simm.s32 @!p0 $0x0  }
0x12: {  	s1 =	sld [smem:$0x3F9B];
	s0 =	simm.s32 @p0 $0x1  }
0x13: {  	[smem:$0x3FB6] =	sst s0;
	s0 =	simm.s32 @!p1 $0x0  }
0x14: {  	s2 =	sld [smem:$0x3F9A];
	s0 =	simm.s32 @p1 $0x1  }
0x15: {  	[smem:$0x3FB7] =	sst s0;
	s0 =	simm.s32 @!p2 $0x0  }
0x16: {  	s3 =	sld [smem:$0x3FDB];
	s0 =	simm.s32 @p2 $0x1  }
0x17: {  	s4 =	simm.s32 $0x1BF5;
	[smem:$0x3FB9] =	sst s0  }
0x18: {  	s0 =	sld [smem:$0x3F9C];
	_ =	swait.ge [sflag:s4], $0x0  }
0x19: {  	s7 =	sld [smem:$0x3F9D]  }
0x1a: {  	s8 =	sadd.s32 $0xFFFFE003, lr  }
0x1b: {  	s9 =	sadd.s32 $0xFFFFFEF7, lr;
	s5 =	simm.s32 $0xFFFFFFFF;
	p2 =	slt.u32 s8, $0xFFFFF086  }
0x1c: {  	p1 =	slt.u32 s9, $0xF7A;
	s5 =	simm.s32 @!p2 $0x0  }
0x1d: {  	s5 =	simm.s32 @p1 $0x1;
	p0 =	seq.s32 s7, s2  }
0x1e: {  	s7 =	smul.u32 @!p0 $0xF7A, s2;
	p2 =	seq.s32 @!p0 s5, $0x0  }
0x1f: {  	s9 =	smul.u32 $0xF7A, s1;
	s8 =	simm.s32 @!p0 $0x1BF5;
	p2 =	por !p2, p0  }
0x20: {  	[sflag:s8] =	ssyncset.s32 @!p0 $0xFFFFF086;
	s6 =	sadd.s32 @!p0 s3, s7;
	s7 =	simm.s32 @!p0 $0x108  }
0x21: {  	s3 =	sadd.s32 s3, s9;
	s6 =	sadd.s32 @!p0 $0x88, s6;
	s7 =	simm.s32 @p2 $0x1082  }
0x22: {  	[simem:s7], [sflag:s8] =	dma.local @!p0 [hbm:s6], $0xF7A  }
0x23: {  	s9 =	sor.u32 $0xD0000000, s2;
	s6 =	simm.s32 $0x108;
	_ =	swait.ge @!p0 [sflag:s8], $0x0  }
0x24: {  	s3 =	sadd.s32 $0x88, s3;
	s6 =	simm.s32 @!p1 $0x1082;
	[sflag:s4] =	ssyncset.s32 $0xFFFFF086  }
0x25: {  	[simem:s6], [sflag:s4] =	dma.local [hbm:s3], $0xF7A  }
0x26: {  	[smem:$0x3F9D] =	sst s1;
	(tag) =	ssettag s2;
	_ =	strace s9  }
0x27: {  	s1 =	sld [smem:$0x3FAD]  }
0x28: {  	s2 =	sld [smem:$0x3FAE]  }
0x29: {  	s4 =	sld [smem:$0x3FB0]  }
0x2a: {  	p0 =	seq.s32 s5, $0x0;
	s5 =	sld [smem:$0x3FB1]  }
0x2b: {  	s6 =	sld [smem:$0x3FB2]  }
0x2c: {  	s7 =	sld [smem:$0x3FB3]  }
0x2d: {  	s3 =	simm.s32 $0x108;
	s8 =	sld [smem:$0x3FB4]  }
0x2e: {  	s3 =	simm.s32 @!p0 $0x1082;
	s9 =	sld [smem:$0x3FB5]  }
0x2f: {  	lr =	sadd.s32 s0, s3;
	s0 =	sld [smem:$0x3FAC]  }
0x30: {  	s3 =	sld [smem:$0x3FAF]  }
0x31: {  	[smem:$0x3FB8] =	sst s10  }
0x32: {  	s10 =	sld [smem:$0x3FB6];
	_ =	sdelay $0x3  }
0x33: {  	p0 =	seq.s32 s10, $0x1;
	s10 =	sld [smem:$0x3FB8];
	_ =	sdelay $0x3  }
0x34: {  	[smem:$0x3FB8] =	sst s10  }
0x35: {  	s10 =	sld [smem:$0x3FB7];
	_ =	sdelay $0x3  }
0x36: {  	p1 =	seq.s32 s10, $0x1;
	s10 =	sld [smem:$0x3FB8];
	_ =	sdelay $0x3  }
0x37: {  	[smem:$0x3FB8] =	sst s10  }
0x38: {  	s10 =	sld [smem:$0x3FB9]  }
0x39: {  	_ = 	snop;
	(pc) =	sbr.ind lr, $3  }
0x3a: {  	_ = 	snop  }
0x3b: {  	_ = 	snop  }
0x3c: {  	p2 =	seq.s32 s10, $0x1;
	s10 =	sld [smem:$0x3FB8]  }
0x3d: {  	_ =	shalt  }
0x3e: {  	_ =	shalt  }
0x3f: {  	_ =	shalt  }
0x40: {  	_ =	shalt  }
0x41: {  	_ =	shalt  }
0x42: {  	_ =	shalt  }
0x43: {  	_ =	shalt  }
0x44: {  	_ =	shalt  }
0x45: {  	_ =	shalt  }
0x46: {  	_ =	shalt  }
0x47: {  	_ =	shalt  }
0x48: {  	_ =	shalt  }
0x49: {  	_ =	shalt  }
0x4a: {  	_ =	shalt  }
0x4b: {  	_ =	shalt  }
0x4c: {  	_ =	shalt  }
0x4d: {  	_ =	shalt  }
0x4e: {  	_ =	shalt  }
0x4f: {  	_ =	shalt  }
0x50: {  	_ =	shalt  }
0x51: {  	_ =	shalt  }
0x52: {  	_ =	shalt  }
0x53: {  	_ =	shalt  }
0x54: {  	_ =	shalt  }
0x55: {  	_ =	shalt  }
0x56: {  	_ =	shalt  }
0x57: {  	_ =	shalt  }
0x58: {  	_ =	shalt  }
0x59: {  	_ =	shalt  }
0x5a: {  	_ =	shalt  }
0x5b: {  	_ =	shalt  }
0x5c: {  	_ =	shalt  }
0x5d: {  	_ =	shalt  }
0x5e: {  	_ =	shalt  }
0x5f: {  	_ =	shalt  }
0x60: {  	_ =	shalt  }
0x61: {  	_ =	shalt  }
0x62: {  	_ =	shalt  }
0x63: {  	_ =	shalt  }
0x64: {  	_ =	shalt  }
0x65: {  	_ =	shalt  }
0x66: {  	_ =	shalt  }
0x67: {  	_ =	shalt  }
0x68: {  	_ =	shalt  }
0x69: {  	_ =	shalt  }
0x6a: {  	_ =	shalt  }
0x6b: {  	_ =	shalt  }
0x6c: {  	_ =	shalt  }
0x6d: {  	_ =	shalt  }
0x6e: {  	_ =	shalt  }
0x6f: {  	_ =	shalt  }
0x70: {  	_ =	shalt  }
0x71: {  	_ =	shalt  }
0x72: {  	_ =	shalt  }
0x73: {  	_ =	shalt  }
0x74: {  	_ =	shalt  }
0x75: {  	_ =	shalt  }
0x76: {  	_ =	shalt  }
0x77: {  	_ =	shalt  }
0x78: {  	_ =	shalt  }
0x79: {  	_ =	shalt  }
0x7a: {  	_ =	shalt  }
0x7b: {  	_ =	shalt  }
0x7c: {  	_ =	shalt  }
0x7d: {  	_ =	shalt  }
0x7e: {  	_ =	shalt  }
0x7f: {  	_ =	shalt  }
0x80: {  	_ =	shalt  }
0x81: {  	_ =	shalt  }
0x82: {  	_ =	shalt  }
0x83: {  	_ =	shalt  }
0x84: {  	_ =	shalt  }
0x85: {  	_ =	shalt  }
0x86: {  	_ =	shalt  }
0x87: {  	_ =	shalt  }
.Lfunc_end0:
.L_simem_size_0:
called_computation_lowered:
.L_overlay_start_0:
0x88: {  	s2 =	sld [smem:$0x3FD9]  }
0x89: {  	s3 =	sld [smem:$0x3FFE];
	_ =	sdelay $0x1  }
0x8a: {  	s1 =	srdreg.scid  }
0x8b: {  	s0 =	sand.u32 $0x1, s1  }
0x8c: {  	s17 =	sshll.u32 s0, $0xA;
	s2 =	sadd.s32 s3, s2  }
0x8d: {  	s2 =	sadd.s32 s2, s17  }
0x8e: {  	[smem:$0x3FC4] =	sst s2  }
0x8f: {  	_ = 	snop  }
0x90: {  	s2 =	sld [smem:$0x3FC7]  }
0x91: {  	s18 =	sld [smem:$0x3FC6]  }
0x92: {  	s4 =	sld [smem:$0x3FD0];
	(tm) =	ssettm $0x1  }
0x93: {  	s5 =	sld [smem:$0x3FFB];
	_ =	sdelay $0x3  }
0x94: {  	_ =	strace s5  }
0x95: {  	s5 =	sld [smem:$0x3FFC];
	_ =	sdelay $0x3  }
0x96: {  	_ =	strace s5  }
0x97: {  	s5 =	sld [smem:$0x3FFD];
	_ =	sdelay $0x3  }
0x98: {  	_ =	strace s5  }
0x99: {  	_ =	strace $0x8FFFFFFF  }
0x9a: {  	s19 =	sld [smem:$0x3FDB];
	_ =	sdelay $0x1  }
0x9b: {  	s6 =	simm.s32 $_scs_section_size  }
0x9c: {  	s7 =	simm.s32 $_size__tile_overlayer_lowered;
	s8 =	simm.s32 $_tile_overlayer_lowered  }
0x9d: {  	s22 =	simm.s32 $0x1BFF;
	s21 =	sshll.u32 s8, $0x1;
	s5 =	sadd.s32 s6, s19  }
0x9e: {  	s9 =	simm.s32 $0x0;
	s20 =	sshll.u32 s7, $0x1;
	s7 =	sadd.s32 s21, s5  }
0x9f: {  	[timem:s9], [sflag:s22] =	dma.local [hbm:s7], s20  }
0xa0: {  	_ =	swait.ge [sflag:s22], s20  }
0xa1: {  	s6 =	ssub.s32 $0x0, s20;
	[sflag:s22] =	ssyncset.done $0x0  }
0xa2: {  	[sflag:s22] =	ssyncadd.s32 s6;
	_ =	sdelay $0x1  }
0xa3: {  	s23 =	simm.s32 $0x1B8B  }
0xa4: {  	_ =	swait.ge [sflag:s23], $0x1  }
0xa5: {  	[sflag:s23] =	ssyncset.done $0x0  }
0xa6: {  	s25 =	simm.s32 $0x1B8E;
	s24 =	sld [smem:$0x3FFE];
	[sflag:s23] =	ssyncadd.s32 $0xFFFFFFFF  }
0xa7: {  	s26 =	simm.s32 $execute0_lowered;
	[smem:$0x3FD2] =	sst s25  }
0xa8: {  	s7 =	sshll.u32 s26, $0x1;
	_ =	strace $0x80000046;
	[dreg:$0x1] =	wrdreg $0xFFFFFFFF  }
0xa9: {  	s28 =	simm.s32 $_size_execute0_lowered;
	s5 =	sadd.s32 s5, s7;
	[dreg:$0x0] =	wrdreg $0x0  }
0xaa: {  	s7 =	sshll.u32 s28, $0x1;
	[dreg:$0x2] =	wrdreg s5  }
0xab: {  	[dreg:$0x3] =	wrdreg s7  }
0xac: {  	[dreg:$0x4] =	wrdreg $0xC0  }
0xad: {  	_ =	task [dreg:s9], $0x5FFFF  }
0xae: {  	[dreg:$0x1] =	wrdreg $0xFFFFFFFF  }
0xaf: {  	[dreg:$0x0] =	wrdreg $0x60  }
0xb0: {  	[dreg:$0x2] =	wrdreg s24  }
0xb1: {  	[dreg:$0x3] =	wrdreg s2  }
0xb2: {  	[dreg:$0x4] =	wrdreg s18  }
0xb3: {  	[dreg:$0x5] =	wrdreg s4  }
0xb4: {  	[dreg:$0x6] =	wrdreg $0x9  }
0xb5: {  	_ =	task.clear_ibuf [dreg:s9], $0x7FFFF;
	_ =	strace $0x90000046  }
0xb6: {  	s29 =	simm.s32 $0x9;
	_ =	strace $0x80000048  }
0xb7: {  	_ =	swait.ge [sflag:s29], $0x1  }
0xb8: {  	[sflag:s29] =	ssyncadd.s32 $0xFFFFFFFF  }
0xb9: {  	_ =	strace $0x90000048  }
0xba: {  	_ =	sfence  }
0xbb: {  	s30 =	sld [smem:$0x0];
	_ =	sdelay $0x2  }
0xbc: {  	s31 =	sshll.u32 s1, $0xD;
	s1 =	sshrl.u32 s1, $0x2  }
0xbd: {  	s3 =	sand.u32 $0x4000, s31;
	s1 =	sadd.s32 s1, s30  }
0xbe: {  	s0 =	sor.u32 s3, s0;
	s1 =	sshll.u32 s1, $0x11  }
0xbf: {  	s0 =	sor.u32 s1, s0  }
0xc0: {  	s0 =	sadd.s32 $0x8F2B, s0  }
0xc1: {  	[sflag:s0] =	ssyncadd.remote.s32 $0x1  }
0xc2: {  	_ =	sfence.sel $0xFFFF  }
0xc3: {  	[dreg:$0x0] =	wrdreg $0xFFFFFFFF;
	(pc) =	sbr.abs _section_cstart, $3  }
0xc4: {  	[dreg:$0x1] =	wrdreg $0xFFFFFFFF  }
0xc5: {  	_ =	task.clear_ibuf [dreg:s9], $0x2FFFF;
	_ =	strace $0x9FFFFFFF  }
0xc6: {  	(tm) =	ssettm $0x7FFFFFFF  }
0xc7: {  	_ =	shalt  }
tec
execute0_lowered:
.L_overlay_start_1:
0x0: {  	(tag) =	ssettag $0x1  }
0x1: {  	s0 =	rddreg [dreg:$0x0];
	s1 =	srdreg.scid  }
0x2: {  	s3 =	rddreg [dreg:$0x2];
	s4 =	stileid.u32  }
0x3: {  	s2 =	rddreg [dreg:$0x3];
	s9 =	simm.s32 $0x9;
	s11 =	simm.s32 $0x64  }
0x4: {  	s14 =	simm.s32 $0x80;
	s17 =	simm.s32 $0x100;
	s20 =	simm.s32 $0x180  }
0x5: {  	s23 =	simm.s32 $0x1;
	s24 =	simm.s32 $0x5;
	s28 =	simm.s32 $0x3  }
0x6: {  	s29 =	simm.s32 $0x7;
	s30 =	simm.s32 $0x4;
	s31 =	simm.s32 $0x8  }
0x7: {  	s1 =	sand.u32 $0x1, s1;
	s5 =	sshll.u32 s4, $0x8;
	s4 =	simm.s32 $0x0  }
0x8: {  	s6 =	sshll.u32 s1, $0x7;
	[smem:$0x7FF] =	sst s4;
	s1 =	ssub.s32 $0x2, s1  }
0x9: {  	v0 =	vlaneseq.u32;
	s6 =	sor.u32 s6, s5;
	_ =	strace $0x80000047;
	s8 =	sshrl.u32 s1, $0x1  }
0xa: {  	v1 =	vmul.u32 $0x3E8, v0;
	s5 =	sshll.u32 s6, $0x4;
	s25 =	ssub.s32 s1, s8;
	s26 =	sshrl.u32 s6, $0x3  }
0xb: {  	v8 =	vimm.f32 $0.0e+00;
	s7 =	sadd.s32 s5, s0;
	s5 =	sadd.s32 $0x10200, s0;
	s8 =	smax.u32 s25, $0x1  }
0xc: {  	v2 =	vadd.s32 $0x3E80, v1;
	v3 =	vadd.s32 $0x7D00, v1;
	v4 =	vadd.s32 $0xBB80, v1;
	s25 =	simm.s32 $0x2;
	s0 =	simm.s32 $0x0;
	s6 =	sadd.s32 $0x200, s7  }
0xd: {  	v5 =	vadd.s32 $0xFA00, v1;
	v6 =	vadd.s32 $0x13880, v1;
	v7 =	vadd.s32 $0x14820, v1;
	s7 =	sadd.s32 s2, s26;
	s26 =	simm.s32 $0x6;
	s2 =	simm.s32 $0x4000  }
.LBB2_1:
0xe: {  	[tilespmem:s4], [sflag:$0x9] =	stream.linear.gather [hbm4b:s6+s4], $0x4000, $0x38;
	[tilespmem:$0x11300] =	vst v63  }
0xf: {  	_ =	swait.ge [sflag:s9], $0x4000  }
0x10: {  	[sflag:s9] =	ssyncset.done $0x0  }
0x11: {  	[sflag:s9] =	ssyncadd.s32 $0xFFFFC000  }
0x12: {  	s10 =	simm.s32 $0x4080;
	s1 =	rddreg [dreg:$0x1]  }
0x13: {  	[tilespmem:s10], [sflag:$0x9] =	stream.linear.gather [hbm4b:s1+s4], $0x80, $0x38;
	[tilespmem:$0x11300] =	vst v63  }
0x14: {  	_ =	swait.ge [sflag:s9], $0x80  }
0x15: {  	[sflag:s9] =	ssyncset.done $0x0  }
0x16: {  	[sflag:s9] =	ssyncadd.s32 $0xFFFFFF80  }
0x17: {  	[tilespmem:$0x11100] =	vst v8  }
0x18: {  	[tilespmem:$0x11110] =	vst v8  }
0x19: {  	[tilespmem:$0x11120] =	vst v8  }
0x1a: {  	[tilespmem:$0x11130] =	vst v8  }
0x1b: {  	[tilespmem:$0x11140] =	vst v8  }
0x1c: {  	[tilespmem:$0x11150] =	vst v8  }
0x1d: {  	[tilespmem:$0x11160] =	vst v8  }
0x1e: {  	[tilespmem:$0x11180] =	vst v8  }
0x1f: {  	[tilespmem:$0x11190] =	vst v8  }
0x20: {  	[tilespmem:$0x111A0] =	vst v8  }
0x21: {  	[tilespmem:$0x111B0] =	vst v8  }
0x22: {  	[tilespmem:$0x111C0] =	vst v8  }
0x23: {  	[tilespmem:$0x111D0] =	vst v8  }
0x24: {  	[tilespmem:$0x111E0] =	vst v8  }
0x25: {  	[tilespmem:$0x11200] =	vst v8  }
0x26: {  	[tilespmem:$0x11210] =	vst v8  }
0x27: {  	[tilespmem:$0x11220] =	vst v8  }
0x28: {  	[tilespmem:$0x11230] =	vst v8  }
0x29: {  	[tilespmem:$0x11240] =	vst v8  }
0x2a: {  	[tilespmem:$0x11250] =	vst v8  }
0x2b: {  	[tilespmem:$0x11260] =	vst v8  }
0x2c: {  	[tilespmem:$0x11280] =	vst v8  }
0x2d: {  	[tilespmem:$0x11290] =	vst v8;
	v9 =	vld [tilespmem:$0x0]  }
0x2e: {  	[tilespmem:$0x112A0] =	vst v8;
	v10 =	vld [tilespmem:$0x10]  }
0x2f: {  	[tilespmem:$0x112B0] =	vst v8;
	v11 =	vld [tilespmem:$0x20]  }
0x30: {  	[tilespmem:$0x112C0] =	vst v8;
	v12 =	vld [tilespmem:$0x30]  }
0x31: {  	[tilespmem:$0x112D0] =	vst v8;
	v13 =	vld [tilespmem:$0x40]  }
0x32: {  	[tilespmem:$0x112E0] =	vst v8;
	v14 =	vld [tilespmem:$0x50];
	v9 =	vadd.s32 v1, v9  }
0x33: {  	v15 =	vld [tilespmem:$0x54];
	[tilespmem:$0x0] =	vst v9;
	v9 =	vadd.s32 v2, v10  }
0x34: {  	[tilespmem:$0x10] =	vst v9;
	v9 =	vadd.s32 v3, v11  }
0x35: {  	[tilespmem:$0x20] =	vst v9;
	v9 =	vadd.s32 v4, v12  }
0x36: {  	[tilespmem:$0x30] =	vst v9;
	v9 =	vadd.s32 v5, v13  }
0x37: {  	[tilespmem:$0x40] =	vst v9;
	v9 =	vadd.s32 v6, v14  }
0x38: {  	[tilespmem:$0x50] =	vst v9;
	v9 =	vadd.s32 v7, v15  }
0x39: {  	s12 =	simm.s32 $0x4100;
	[tilespmem:$0x54] =	vst v9  }
0x3a: {  	v10 =	vld [tilespmem:$0x4080];
	[tilespmem:s12], [sflag:$0x1] =	stream.indirect.gather [hbm4b:s3+s11], $0x80, s4, s11, $0xb8  }
0x3b: {  	s13 =	simm.s32 $0x11100  }
0x3c: {  	[tilespmem:s13], [sflag:$0x5] =	stream.indirect.gather [hbm4b:s5+s11], $0x1, s4, s11, $0xb8;
	[tilespmem:$0x11300] =	vst v63  }
0x3d: {  	v9 =	vld [tilespmem:$0x80]  }
0x3e: {  	v11 =	vld [tilespmem:$0x90]  }
0x3f: {  	v53 =	vld [tilespmem:$0xA0]  }
0x40: {  	v54 =	vld [tilespmem:$0xB0]  }
0x41: {  	v55 =	vld [tilespmem:$0xC0]  }
0x42: {  	v56 =	vld [tilespmem:$0xD0];
	v9 =	vadd.s32 v1, v9  }
0x43: {  	v11 =	vadd.s32 v2, v11;
	[tilespmem:$0x80] =	vst v9;
	v9 =	vld [tilespmem:$0xD4]  }
0x44: {  	[tilespmem:$0x90] =	vst v11;
	v11 =	vadd.s32 v3, v53  }
0x45: {  	[tilespmem:$0xA0] =	vst v11;
	v11 =	vadd.s32 v4, v54  }
0x46: {  	[tilespmem:$0xB0] =	vst v11;
	v11 =	vadd.s32 v5, v55  }
0x47: {  	[tilespmem:$0xC0] =	vst v11;
	v11 =	vadd.s32 v6, v56  }
0x48: {  	[tilespmem:$0xD0] =	vst v11;
	v9 =	vadd.s32 v7, v9  }
0x49: {  	s15 =	simm.s32 $0x7500;
	[tilespmem:$0xD4] =	vst v9  }
0x4a: {  	[tilespmem:s15], [sflag:$0x2] =	stream.indirect.gather [hbm4b:s3+s11], $0x80, s14, s11, $0xb8;
	[tilespmem:$0x11300] =	vst v63  }
0x4b: {  	s16 =	simm.s32 $0x11180  }
0x4c: {  	[tilespmem:s16], [sflag:$0x6] =	stream.indirect.gather [hbm4b:s5+s11], $0x1, s14, s11, $0xb8;
	[tilespmem:$0x11300] =	vst v63  }
0x4d: {  	v9 =	vld [tilespmem:$0x100]  }
0x4e: {  	v11 =	vld [tilespmem:$0x110]  }
0x4f: {  	v57 =	vld [tilespmem:$0x120]  }
0x50: {  	v58 =	vld [tilespmem:$0x130]  }
0x51: {  	v59 =	vld [tilespmem:$0x140]  }
0x52: {  	v60 =	vld [tilespmem:$0x150];
	v9 =	vadd.s32 v1, v9  }
0x53: {  	v11 =	vadd.s32 v2, v11;
	[tilespmem:$0x100] =	vst v9;
	v9 =	vld [tilespmem:$0x154]  }
0x54: {  	[tilespmem:$0x110] =	vst v11;
	v11 =	vadd.s32 v3, v57  }
0x55: {  	[tilespmem:$0x120] =	vst v11;
	v11 =	vadd.s32 v4, v58  }
0x56: {  	[tilespmem:$0x130] =	vst v11;
	v11 =	vadd.s32 v5, v59  }
0x57: {  	[tilespmem:$0x140] =	vst v11;
	v11 =	vadd.s32 v6, v60  }
0x58: {  	[tilespmem:$0x150] =	vst v11;
	v9 =	vadd.s32 v7, v9  }
0x59: {  	s18 =	simm.s32 $0xA900;
	[tilespmem:$0x154] =	vst v9  }
0x5a: {  	[tilespmem:s18], [sflag:$0x3] =	stream.indirect.gather [hbm4b:s3+s11], $0x80, s17, s11, $0xb8;
	[tilespmem:$0x11300] =	vst v63  }
0x5b: {  	s19 =	simm.s32 $0x11200  }
0x5c: {  	(v2sf) =	vpush v10, $0x0;
	[tilespmem:s19], [sflag:$0x7] =	stream.indirect.gather [hbm4b:s5+s11], $0x1, s17, s11, $0xb8;
	[tilespmem:$0x11300] =	vst v63  }
0x5d: {  	v9 =	vld [tilespmem:$0x180]  }
0x5e: {  	v11 =	vld [tilespmem:$0x190]  }
0x5f: {  	v10 =	vld [tilespmem:$0x1A0]  }
0x60: {  	v61 =	vld [tilespmem:$0x1B0]  }
0x61: {  	v62 =	vld [tilespmem:$0x1C0]  }
0x62: {  	v63 =	vld [tilespmem:$0x1D0];
	v9 =	vadd.s32 v1, v9  }
0x63: {  	v11 =	vadd.s32 v2, v11;
	[tilespmem:$0x180] =	vst v9;
	v9 =	vld [tilespmem:$0x1D4]  }
0x64: {  	v10 =	vadd.s32 v3, v10;
	[tilespmem:$0x190] =	vst v11  }
0x65: {  	[tilespmem:$0x1A0] =	vst v10;
	v10 =	vadd.s32 v4, v61  }
0x66: {  	[tilespmem:$0x1B0] =	vst v10;
	v10 =	vadd.s32 v5, v62  }
0x67: {  	[tilespmem:$0x1C0] =	vst v10;
	v10 =	vadd.s32 v6, v63  }
0x68: {  	[tilespmem:$0x1D0] =	vst v10;
	v9 =	vadd.s32 v7, v9  }
0x69: {  	s21 =	simm.s32 $0xDD00;
	[tilespmem:$0x1D4] =	vst v9  }
0x6a: {  	[tilespmem:s21], [sflag:$0x4] =	stream.indirect.gather [hbm4b:s3+s11], $0x80, s20, s11, $0xb8;
	[tilespmem:$0x11300] =	vst v63  }
0x6b: {  	s22 =	simm.s32 $0x11280;
	s10 =	simm.s32 $0x0;
	s1 =	spop (v2sf)  }
0x6c: {  	v9 =	vimm.f32 $0.0e+00;
	[tilespmem:s22], [sflag:$0x8] =	stream.indirect.gather [hbm4b:s5+s11], $0x1, s20, s11, $0xb8;
	[tilespmem:$0x11300] =	vst v63  }
.LBB2_2:
0x6d: {  	_ =	swait.ge [sflag:s23], $0x3200  }
0x6e: {  	[sflag:s23] =	ssyncset.done $0x0  }
0x6f: {  	[sflag:s23] =	ssyncadd.s32 $0xFFFFCE00  }
0x70: {  	_ =	swait.ge [sflag:s24], $0x64  }
0x71: {  	[sflag:s24] =	ssyncset.done $0x0  }
0x72: {  	s13 =	simm.s32 $0x4200;
	[sflag:s24] =	ssyncadd.s32 $0xFFFFFF9C  }
0x73: {  	v10 =	vld [tilespmem:s13+$0xFFFFFF00]  }
0x74: {  	v11 =	vld [tilespmem:s13+$0xFFFFFF10]  }
0x75: {  	v12 =	vld [tilespmem:s13+$0xFFFFFF80]  }
0x76: {  	v13 =	vld [tilespmem:s13+$0xFFFFFF90]  }
0x77: {  	v20 =	vld [tilespmem:s13+$0x90]  }
0x78: {  	v14 =	vld [tilespmem:s13+$0x0]  }
0x79: {  	v16 =	vld [tilespmem:s13+$0x10];
	v15 =	vmul.f32 v10, v10  }
0x7a: {  	v18 =	vld [tilespmem:s13+$0x80];
	v17 =	vmul.f32 v11, v11;
	v10 =	vadd.f32 v10, v8;
	v19 =	vmul.f32 v12, v12  }
0x7b: {  	v21 =	vld [tilespmem:s13+$0xFFFFFF20];
	v11 =	vadd.f32 v11, v8;
	v22 =	vmul.f32 v13, v13;
	v15 =	vadd.f32 v15, v8  }
0x7c: {  	v34 =	vld [tilespmem:s13+$0xFFFFFF60];
	v24 =	vmul.f32 v20, v20;
	v17 =	vadd.f32 v17, v8;
	v10 =	vadd.f32 v12, v10  }
0x7d: {  	v23 =	vld [tilespmem:s13+$0xFFFFFF30];
	v11 =	vadd.f32 v13, v11;
	v12 =	vadd.f32 v19, v15;
	v15 =	vmul.f32 v14, v14  }
0x7e: {  	v13 =	vadd.f32 v22, v17;
	v17 =	vld [tilespmem:s13+$0xFFFFFFA0];
	v19 =	vmul.f32 v16, v16;
	v10 =	vadd.f32 v14, v10  }
0x7f: {  	v22 =	vld [tilespmem:s13+$0xFFFFFFB0];
	v11 =	vadd.f32 v16, v11;
	v14 =	vadd.f32 v15, v12;
	v15 =	vmul.f32 v18, v18  }
0x80: {  	v25 =	vmul.f32 v21, v21;
	v16 =	vadd.f32 v19, v13;
	v19 =	vld [tilespmem:s13+$0x20];
	v12 =	vadd.f32 v18, v10  }
0x81: {  	v26 =	vld [tilespmem:s13+$0x30];
	v35 =	vmul.f32 v34, v34;
	v13 =	vadd.f32 v20, v11;
	v10 =	vadd.f32 v15, v14  }
0x82: {  	v14 =	vmul.f32 v23, v23;
	v11 =	vadd.f32 v24, v16;
	v15 =	vld [tilespmem:s13+$0xA0];
	v16 =	vadd.f32 v21, v8  }
0x83: {  	v18 =	vadd.f32 v25, v8;
	v23 =	vadd.f32 v23, v8;
	v24 =	vld [tilespmem:s13+$0xFFFFFF40];
	v20 =	vmul.f32 v17, v17  }
0x84: {  	v21 =	vld [tilespmem:s13+$0xB0];
	v25 =	vmul.f32 v22, v22;
	v14 =	vadd.f32 v14, v8;
	v16 =	vadd.f32 v17, v16  }
0x85: {  	v27 =	vld [tilespmem:s13+$0xFFFFFF50];
	v17 =	vadd.f32 v20, v18;
	v18 =	vmul.f32 v19, v19;
	v20 =	vadd.f32 v22, v23  }
0x86: {  	v22 =	vld [tilespmem:s13+$0xFFFFFFC0];
	v23 =	vmul.f32 v26, v26;
	v14 =	vadd.f32 v25, v14;
	v16 =	vadd.f32 v19, v16  }
0x87: {  	v25 =	vld [tilespmem:s13+$0xFFFFFFD0];
	v18 =	vadd.f32 v18, v17;
	v19 =	vmul.f32 v15, v15;
	v20 =	vadd.f32 v26, v20  }
0x88: {  	v28 =	vmul.f32 v24, v24;
	v14 =	vadd.f32 v23, v14;
	v23 =	vld [tilespmem:s13+$0x40];
	v17 =	vadd.f32 v15, v16  }
0x89: {  	v30 =	vld [tilespmem:s13+$0x50];
	v26 =	vmul.f32 v21, v21;
	v15 =	vadd.f32 v19, v18;
	v16 =	vadd.f32 v21, v20  }
0x8a: {  	v18 =	vmul.f32 v27, v27;
	v19 =	vld [tilespmem:s13+$0xC0];
	v20 =	vadd.f32 v24, v8;
	v21 =	vadd.f32 v28, v8  }
0x8b: {  	v27 =	vadd.f32 v27, v8;
	v14 =	vadd.f32 v26, v14;
	v24 =	vmul.f32 v22, v22;
	v26 =	vld [tilespmem:s13+$0xD0]  }
0x8c: {  	v29 =	vld [tilespmem:s13+$0xFFFFFF70];
	v18 =	vadd.f32 v18, v8;
	v28 =	vmul.f32 v25, v25;
	v20 =	vadd.f32 v22, v20  }
0x8d: {  	v32 =	vld [tilespmem:s13+$0xFFFFFFE0];
	v21 =	vadd.f32 v24, v21;
	v24 =	vadd.f32 v25, v27;
	v22 =	vmul.f32 v23, v23  }
0x8e: {  	v25 =	vmul.f32 v30, v30;
	v18 =	vadd.f32 v28, v18;
	v20 =	vadd.f32 v23, v20  }
0x8f: {  	v31 =	vld [tilespmem:s13+$0xFFFFFFF0];
	v23 =	vmul.f32 v19, v19;
	v24 =	vadd.f32 v30, v24;
	v22 =	vadd.f32 v22, v21  }
0x90: {  	v30 =	vld [tilespmem:s13+$0x60];
	v18 =	vadd.f32 v25, v18;
	v25 =	vmul.f32 v26, v26;
	v21 =	vadd.f32 v19, v20  }
0x91: {  	v33 =	vmul.f32 v29, v29;
	v28 =	vld [tilespmem:s13+$0x70];
	v20 =	vadd.f32 v26, v24;
	v24 =	vadd.f32 v34, v8  }
0x92: {  	v27 =	vld [tilespmem:s13+$0xE0];
	v34 =	vmul.f32 v32, v32;
	v19 =	vadd.f32 v23, v22;
	v18 =	vadd.f32 v25, v18  }
0x93: {  	s12 =	simm.s32 $0x0;
	v26 =	vld [tilespmem:s13+$0xF0];
	s13 =	simm.s32 $0x4400;
	v25 =	vadd.f32 v35, v8;
	v22 =	vimm.f32 $0.0e+00;
	v23 =	vimm.f32 $0.0e+00  }
.LBB2_3:
0x94: {  	v35 =	vld [tilespmem:s13+$0xFFFFFF00];
	v22 =	vadd.f32 v29, v22;
	v23 =	vadd.f32 v33, v23;
	v29 =	vmul.f32 v31, v31  }
0x95: {  	v33 =	vld [tilespmem:s13+$0xFFFFFF10];
	v24 =	vadd.f32 v32, v24;
	v25 =	vadd.f32 v34, v25;
	v32 =	vmul.f32 v30, v30  }
0x96: {  	v34 =	vld [tilespmem:s13+$0xFFFFFF80];
	v22 =	vadd.f32 v31, v22;
	v23 =	vadd.f32 v29, v23;
	v29 =	vmul.f32 v28, v28  }
0x97: {  	v31 =	vld [tilespmem:s13+$0xFFFFFF90];
	v24 =	vadd.f32 v30, v24;
	v25 =	vadd.f32 v32, v25;
	v30 =	vmul.f32 v27, v27  }
0x98: {  	v32 =	vld [tilespmem:s13+$0x0];
	v22 =	vadd.f32 v28, v22;
	v23 =	vadd.f32 v29, v23;
	v28 =	vmul.f32 v26, v26  }
0x99: {  	v29 =	vmul.f32 v35, v35;
	v36 =	vld [tilespmem:s13+$0x10];
	v24 =	vadd.f32 v27, v24;
	v25 =	vadd.f32 v30, v25  }
0x9a: {  	v27 =	vmul.f32 v33, v33;
	v30 =	vld [tilespmem:s13+$0x80];
	v22 =	vadd.f32 v26, v22;
	v23 =	vadd.f32 v28, v23  }
0x9b: {  	v12 =	vadd.f32 v35, v12;
	v10 =	vadd.f32 v29, v10;
	v26 =	vmul.f32 v34, v34;
	v28 =	vld [tilespmem:s13+$0x90]  }
0x9c: {  	v13 =	vadd.f32 v33, v13;
	v11 =	vadd.f32 v27, v11;
	v27 =	vld [tilespmem:s13+$0xFFFFFF20];
	v29 =	vmul.f32 v31, v31  }
0x9d: {  	v12 =	vadd.f32 v34, v12;
	v33 =	vld [tilespmem:s13+$0xFFFFFF30];
	v10 =	vadd.f32 v26, v10;
	v26 =	vmul.f32 v32, v32  }
0x9e: {  	v13 =	vadd.f32 v31, v13;
	v11 =	vadd.f32 v29, v11;
	v29 =	vld [tilespmem:s13+$0xFFFFFFA0];
	v31 =	vmul.f32 v36, v36  }
0x9f: {  	v12 =	vadd.f32 v32, v12;
	v34 =	vld [tilespmem:s13+$0xFFFFFFB0];
	v10 =	vadd.f32 v26, v10;
	v26 =	vmul.f32 v30, v30  }
0xa0: {  	v13 =	vadd.f32 v36, v13;
	v11 =	vadd.f32 v31, v11;
	v31 =	vld [tilespmem:s13+$0x20];
	v32 =	vmul.f32 v28, v28  }
0xa1: {  	v12 =	vadd.f32 v30, v12;
	v35 =	vmul.f32 v27, v27;
	v36 =	vld [tilespmem:s13+$0x30];
	v10 =	vadd.f32 v26, v10  }
0xa2: {  	v13 =	vadd.f32 v28, v13;
	v26 =	vmul.f32 v33, v33;
	v11 =	vadd.f32 v32, v11;
	v28 =	vld [tilespmem:s13+$0xA0]  }
0xa3: {  	v17 =	vadd.f32 v27, v17;
	v15 =	vadd.f32 v35, v15;
	v27 =	vmul.f32 v29, v29;
	v30 =	vld [tilespmem:s13+$0xB0]  }
0xa4: {  	v16 =	vadd.f32 v33, v16;
	v14 =	vadd.f32 v26, v14;
	v26 =	vld [tilespmem:s13+$0xFFFFFF40];
	v32 =	vmul.f32 v34, v34  }
0xa5: {  	v17 =	vadd.f32 v29, v17;
	v33 =	vld [tilespmem:s13+$0xFFFFFF50];
	v15 =	vadd.f32 v27, v15;
	v27 =	vmul.f32 v31, v31  }
0xa6: {  	v16 =	vadd.f32 v34, v16;
	v14 =	vadd.f32 v32, v14;
	v32 =	vld [tilespmem:s13+$0xFFFFFFC0];
	v29 =	vmul.f32 v36, v36  }
0xa7: {  	v17 =	vadd.f32 v31, v17;
	v34 =	vld [tilespmem:s13+$0xFFFFFFD0];
	v15 =	vadd.f32 v27, v15;
	v27 =	vmul.f32 v28, v28  }
0xa8: {  	v16 =	vadd.f32 v36, v16;
	v14 =	vadd.f32 v29, v14;
	v35 =	vld [tilespmem:s13+$0x40];
	v29 =	vmul.f32 v30, v30  }
0xa9: {  	v17 =	vadd.f32 v28, v17;
	v31 =	vmul.f32 v26, v26;
	v36 =	vld [tilespmem:s13+$0x50];
	v15 =	vadd.f32 v27, v15  }
0xaa: {  	v16 =	vadd.f32 v30, v16;
	v27 =	vmul.f32 v33, v33;
	v14 =	vadd.f32 v29, v14;
	v37 =	vld [tilespmem:s13+$0xC0]  }
0xab: {  	v21 =	vadd.f32 v26, v21;
	v19 =	vadd.f32 v31, v19;
	v26 =	vmul.f32 v32, v32;
	v38 =	vld [tilespmem:s13+$0xD0]  }
0xac: {  	v20 =	vadd.f32 v33, v20;
	v18 =	vadd.f32 v27, v18;
	v39 =	vld [tilespmem:s13+$0xFFFFFF60];
	v27 =	vmul.f32 v34, v34  }
0xad: {  	s12 =	sadd.s32 $0x4, s12;
	v21 =	vadd.f32 v32, v21;
	v29 =	vld [tilespmem:s13+$0xFFFFFF70];
	v19 =	vadd.f32 v26, v19;
	v26 =	vmul.f32 v35, v35  }
0xae: {  	p0 =	slt.u32 s12, $0x60;
	v20 =	vadd.f32 v34, v20;
	v18 =	vadd.f32 v27, v18;
	v32 =	vld [tilespmem:s13+$0xFFFFFFE0];
	v27 =	vmul.f32 v36, v36  }
.Ltmp0:
0xaf: {  	v21 =	vadd.f32 v35, v21;
	v31 =	vld [tilespmem:s13+$0xFFFFFFF0];
	v19 =	vadd.f32 v26, v19;
	v26 =	vmul.f32 v37, v37;
	(pc) =	sbr.rel @p0 .LBB2_3-.Ltmp0, $4  }
0xb0: {  	v20 =	vadd.f32 v36, v20;
	v18 =	vadd.f32 v27, v18;
	v30 =	vld [tilespmem:s13+$0x60];
	v27 =	vmul.f32 v38, v38  }
0xb1: {  	v21 =	vadd.f32 v37, v21;
	v34 =	vmul.f32 v39, v39;
	v28 =	vld [tilespmem:s13+$0x70];
	v19 =	vadd.f32 v26, v19  }
0xb2: {  	v20 =	vadd.f32 v38, v20;
	v33 =	vmul.f32 v29, v29;
	v18 =	vadd.f32 v27, v18;
	v27 =	vld [tilespmem:s13+$0xE0]  }
0xb3: {  	v24 =	vadd.f32 v39, v24;
	v25 =	vadd.f32 v34, v25;
	v34 =	vmul.f32 v32, v32;
	v26 =	vld [tilespmem:s13+$0xF0];
	s13 =	sadd.s32 $0x200, s13  }
0xb4: {  	v22 =	vadd.f32 v29, v22  }
0xb5: {  	v23 =	vadd.f32 v33, v23;
	v29 =	vmul.f32 v31, v31;
	v12 =	vmul.f32 v12, v12  }
0xb6: {  	v13 =	vmul.f32 v13, v13;
	v24 =	vadd.f32 v32, v24;
	v25 =	vadd.f32 v34, v25  }
0xb7: {  	v61 =	vmul.f32 v30, v30;
	v22 =	vadd.f32 v31, v22;
	v23 =	vadd.f32 v29, v23  }
0xb8: {  	v10 =	vsub.f32 v12, v10;
	v11 =	vsub.f32 v13, v11;
	v12 =	vmul.f32 v17, v17;
	v13 =	vld [tilespmem:$0x11100]  }
0xb9: {  	v17 =	vmul.f32 v28, v28;
	v24 =	vadd.f32 v30, v24;
	v25 =	vadd.f32 v61, v25  }
0xba: {  	v10 =	vadd.f32 v11, v10;
	v11 =	vsub.f32 v12, v15;
	v12 =	vmul.f32 v16, v16;
	v15 =	vld [tilespmem:$0x11110]  }
0xbb: {  	v16 =	vadd.f32 v28, v22;
	v17 =	vadd.f32 v17, v23  }
0xbc: {  	v10 =	vadd.f32 v11, v10;
	v11 =	vsub.f32 v12, v14;
	v12 =	vmul.f32 v21, v21;
	v14 =	vld [tilespmem:$0x11120]  }
0xbd: {  	v22 =	vadd.f32 v27, v24;
	v21 =	vmul.f32 v27, v27;
	v13 =	vadd.f32 $0.0e+00, v13  }
0xbe: {  	v10 =	vadd.f32 v11, v10;
	v11 =	vsub.f32 v12, v19;
	v12 =	vmul.f32 v20, v20;
	v19 =	vld [tilespmem:$0x11130]  }
0xbf: {  	v20 =	vadd.f32 v21, v25;
	v13 =	vadd.f32 v15, v13  }
0xc0: {  	v15 =	vld [tilespmem:$0x11140];
	v10 =	vadd.f32 v11, v10;
	v11 =	vsub.f32 v12, v18;
	v12 =	vmul.f32 v22, v22  }
0xc1: {  	v16 =	vadd.f32 v26, v16;
	v18 =	vmul.f32 v26, v26;
	v13 =	vadd.f32 v14, v13  }
0xc2: {  	v10 =	vadd.f32 v11, v10;
	v11 =	vsub.f32 v12, v20;
	v12 =	vld [tilespmem:$0x11150]  }
0xc3: {  	v16 =	vmul.f32 v16, v16;
	v14 =	vadd.f32 v18, v17;
	v13 =	vadd.f32 v19, v13  }
0xc4: {  	v10 =	vadd.f32 v11, v10;
	v11 =	vld [tilespmem:$0x11160]  }
0xc5: {  	v14 =	vsub.f32 v16, v14;
	v13 =	vadd.f32 v15, v13;
	_ =	sdelay $0x1  }
0xc6: {  	v10 =	vadd.f32 v14, v10;
	v12 =	vadd.f32 v12, v13;
	_ =	sdelay $0x1  }
0xc7: {  	(xrf2) =	vadd.scan.msk.f32 $0xffff, v10;
	v10 =	vadd.f32 v11, v12;
	_ =	sdelay $0x1  }
0xc8: {  	(xrf2) =	vadd.scan.msk.f32 $0xffff, v10;
	_ =	sdelay $0x5  }
0xc9: {  	s15 =	sshll.u32 s10, $0x2  }
0xca: {  	p0 =	seq.s32 s10, $0x1F;
	s12 =	sadd.s32 $0x4, s15  }
0xcb: {  	s13 =	sshll.u32 @!p0 s12, $0x7;
	v10, _, _ =	vpop (xrf2)  }
0xcc: {  	s16 =	sand.u32 @!p0 $0x3FFFFF80, s13;
	(v2sf) =	vpush v10, $0xF  }
0xcd: {  	v11 =	vld @!p0 [tilespmem:s16+$0x0];
	v10, _, _ =	vpop (xrf2)  }
0xce: {  	(v2sf) =	vpush v10, $0xF;
	v10 =	vld @!p0 [tilespmem:s16+$0x10]  }
0xcf: {  	v13 =	vld @!p0 [tilespmem:s16+$0x20];
	v12 =	vlaneseq.u32 @!p0  }
0xd0: {  	v14 =	vld @!p0 [tilespmem:s16+$0x30];
	v12 =	vmul.u32 @!p0 $0x3E8, v12  }
0xd1: {  	v15 =	vld @!p0 [tilespmem:s16+$0x40]  }
0xd2: {  	v17 =	vld @!p0 [tilespmem:s16+$0x50];
	v16 =	vadd.s32 @!p0 $0x3E80, v12;
	v11 =	vadd.s32 @!p0 v12, v11  }
0xd3: {  	v18 =	vld @!p0 [tilespmem:s16+$0x54];
	[tilespmem:s16+$0x0] =	vst @!p0 v11;
	v11 =	vadd.s32 @!p0 $0x7D00, v12;
	v10 =	vadd.s32 @!p0 v16, v10  }
0xd4: {  	[tilespmem:s16+$0x10] =	vst @!p0 v10;
	v10 =	vadd.s32 @!p0 v11, v13;
	v11 =	vadd.s32 @!p0 $0xBB80, v12  }
0xd5: {  	[tilespmem:s16+$0x20] =	vst @!p0 v10;
	v10 =	vadd.s32 @!p0 v11, v14;
	v11 =	vadd.s32 @!p0 $0xFA00, v12  }
0xd6: {  	[tilespmem:s16+$0x30] =	vst @!p0 v10;
	v10 =	vadd.s32 @!p0 v11, v15;
	v11 =	vadd.s32 @!p0 $0x13880, v12  }
0xd7: {  	[tilespmem:s16+$0x40] =	vst @!p0 v10;
	v10 =	vadd.s32 @!p0 v11, v17;
	v11 =	vadd.s32 @!p0 $0x14820, v12  }
0xd8: {  	[tilespmem:s16+$0x50] =	vst @!p0 v10;
	v10 =	vadd.s32 @!p0 v11, v18  }
0xd9: {  	s18 =	simm.s32 @!p0 $0x64;
	s13 =	simm.s32 @!p0 $0x4100;
	[tilespmem:s16+$0x54] =	vst @!p0 v10  }
0xda: {  	[tilespmem:s13], [sflag:$0x1] =	stream.indirect.gather @!p0 [hbm4b:s3+s18], $0x80, s16, s18, $0xb8;
	[tilespmem:$0x11300] =	vst v63  }
0xdb: {  	s19 =	simm.s32 @!p0 $0x11100;
	s13 =	spop (v2sf)  }
0xdc: {  	[tilespmem:s19], [sflag:$0x5] =	stream.indirect.gather @!p0 [hbm4b:s5+s18], $0x1, s16, s18, $0xb8;
	[tilespmem:$0x11300] =	vst v63  }
0xdd: {  	s21 =	spop (v2sf)  }
0xde: {  	_ =	swait.ge [sflag:s25], $0x3200  }
0xdf: {  	[sflag:s25] =	ssyncset.done $0x0  }
0xe0: {  	[sflag:s25] =	ssyncadd.s32 $0xFFFFCE00  }
0xe1: {  	_ =	swait.ge [sflag:s26], $0x64  }
0xe2: {  	[sflag:s26] =	ssyncset.done $0x0  }
0xe3: {  	s22 =	simm.s32 $0x7600;
	[sflag:s26] =	ssyncadd.s32 $0xFFFFFF9C  }
0xe4: {  	v11 =	vld [tilespmem:s22+$0xFFFFFF00]  }
0xe5: {  	v12 =	vld [tilespmem:s22+$0xFFFFFF10]  }
0xe6: {  	v13 =	vld [tilespmem:s22+$0xFFFFFF80]  }
0xe7: {  	v14 =	vld [tilespmem:s22+$0xFFFFFF90]  }
0xe8: {  	v15 =	vld [tilespmem:s22+$0x0]  }
0xe9: {  	v17 =	vld [tilespmem:s22+$0x10]  }
0xea: {  	v10 =	vimm.f32 $0.0e+00;
	v19 =	vld [tilespmem:s22+$0x80];
	v16 =	vmul.f32 v11, v11  }
0xeb: {  	v21 =	vld [tilespmem:s22+$0x90];
	v18 =	vmul.f32 v12, v12;
	v11 =	vadd.f32 v11, v10  }
0xec: {  	v22 =	vld [tilespmem:s22+$0xFFFFFF20];
	v20 =	vmul.f32 v13, v13;
	v12 =	vadd.f32 v12, v10;
	v16 =	vadd.f32 v16, v10  }
0xed: {  	v24 =	vld [tilespmem:s22+$0xFFFFFF30];
	v23 =	vmul.f32 v14, v14;
	v18 =	vadd.f32 v18, v10;
	v11 =	vadd.f32 v13, v11  }
0xee: {  	v26 =	vld [tilespmem:s22+$0x30];
	v12 =	vadd.f32 v14, v12;
	v13 =	vadd.f32 v20, v16;
	v16 =	vmul.f32 v15, v15  }
0xef: {  	v14 =	vadd.f32 v23, v18;
	v18 =	vld [tilespmem:s22+$0xFFFFFFA0];
	v20 =	vmul.f32 v17, v17;
	v11 =	vadd.f32 v15, v11  }
0xf0: {  	v25 =	vmul.f32 v21, v21;
	v15 =	vld [tilespmem:s22+$0xFFFFFFB0];
	v12 =	vadd.f32 v17, v12;
	v16 =	vadd.f32 v16, v13  }
0xf1: {  	v23 =	vmul.f32 v19, v19;
	v17 =	vadd.f32 v20, v14;
	v20 =	vld [tilespmem:s22+$0x20];
	v13 =	vadd.f32 v19, v11  }
0xf2: {  	v31 =	vld [tilespmem:s22+$0xFFFFFFE0];
	v19 =	vmul.f32 v22, v22;
	v14 =	vadd.f32 v21, v12;
	v21 =	vadd.f32 v22, v10  }
0xf3: {  	v11 =	vadd.f32 v23, v16;
	v16 =	vmul.f32 v24, v24;
	v12 =	vadd.f32 v25, v17;
	v17 =	vld [tilespmem:s22+$0xA0]  }
0xf4: {  	v19 =	vadd.f32 v19, v10;
	v24 =	vadd.f32 v24, v10;
	v25 =	vld [tilespmem:s22+$0xFFFFFF40];
	v22 =	vmul.f32 v18, v18  }
0xf5: {  	v23 =	vld [tilespmem:s22+$0xB0];
	v27 =	vmul.f32 v15, v15;
	v18 =	vadd.f32 v18, v21;
	v16 =	vadd.f32 v16, v10  }
0xf6: {  	v21 =	vld [tilespmem:s22+$0xFFFFFF50];
	v15 =	vadd.f32 v15, v24;
	v19 =	vadd.f32 v22, v19;
	v22 =	vmul.f32 v20, v20  }
0xf7: {  	v24 =	vld [tilespmem:s22+$0xFFFFFFC0];
	v18 =	vadd.f32 v20, v18;
	v16 =	vadd.f32 v27, v16;
	v27 =	vmul.f32 v26, v26  }
0xf8: {  	v20 =	vld [tilespmem:s22+$0xFFFFFFD0];
	v15 =	vadd.f32 v26, v15;
	v19 =	vadd.f32 v22, v19;
	v22 =	vmul.f32 v17, v17  }
0xf9: {  	v30 =	vld [tilespmem:s22+$0x50];
	v18 =	vadd.f32 v17, v18;
	v29 =	vmul.f32 v25, v25;
	v26 =	vadd.f32 v27, v16  }
0xfa: {  	v28 =	vld [tilespmem:s22+$0x40];
	v27 =	vmul.f32 v23, v23;
	v16 =	vadd.f32 v23, v15;
	v23 =	vadd.f32 v25, v10  }
0xfb: {  	v62 =	vld [tilespmem:s22+$0xD0];
	v17 =	vadd.f32 v22, v19;
	v19 =	vmul.f32 v21, v21;
	v25 =	vadd.f32 v29, v10  }
0xfc: {  	v34 =	vmul.f32 v31, v31;
	v22 =	vld [tilespmem:s22+$0xC0];
	v21 =	vadd.f32 v21, v10;
	v15 =	vadd.f32 v27, v26  }
0xfd: {  	v63 =	vld [tilespmem:s22+$0xFFFFFF60];
	v26 =	vmul.f32 v24, v24;
	v29 =	vmul.f32 v20, v20;
	v19 =	vadd.f32 v19, v10  }
0xfe: {  	v23 =	vadd.f32 v24, v23;
	v27 =	vld [tilespmem:s22+$0xFFFFFF70];
	v20 =	vadd.f32 v20, v21;
	v21 =	vmul.f32 v30, v30  }
0xff: {  	v24 =	vadd.f32 v26, v25;
	v25 =	vmul.f32 v28, v28;
	v19 =	vadd.f32 v29, v19  }
0x100: {  	v23 =	vadd.f32 v28, v23;
	v26 =	vmul.f32 v62, v62;
	v29 =	vld [tilespmem:s22+$0xFFFFFFF0];
	v20 =	vadd.f32 v30, v20  }
0x101: {  	v32 =	vld [tilespmem:s22+$0x60];
	v24 =	vadd.f32 v25, v24;
	v25 =	vmul.f32 v22, v22;
	v19 =	vadd.f32 v21, v19  }
0x102: {  	s13 =	smul.f32 $5.000000000e-01, s13;
	s16 =	sadd.f32 s21, s1;
	v30 =	vld [tilespmem:s22+$0x70];
	v21 =	vadd.f32 v22, v23;
	v23 =	vmul.f32 v63, v63;
	v20 =	vadd.f32 v62, v20  }
0x103: {  	v28 =	vld [tilespmem:s22+$0xE0];
	v33 =	vmul.f32 v27, v27;
	v22 =	vadd.f32 v25, v24;
	v24 =	vadd.f32 v63, v10  }
0x104: {  	s18 =	simm.s32 $0x7800;
	s16 =	sadd.f32 s16, s13;
	s13 =	simm.s32 $0x0;
	v19 =	vadd.f32 v26, v19;
	v25 =	vadd.f32 v23, v10;
	v26 =	vld [tilespmem:s22+$0xF0];
	v23 =	vimm.f32 $0.0e+00  }
.LBB2_5:
0x105: {  	v35 =	vld [tilespmem:s18+$0xFFFFFF00];
	v10 =	vadd.f32 v27, v10;
	v23 =	vadd.f32 v33, v23;
	v27 =	vmul.f32 v29, v29  }
0x106: {  	v33 =	vld [tilespmem:s18+$0xFFFFFF10];
	v24 =	vadd.f32 v31, v24;
	v25 =	vadd.f32 v34, v25;
	v31 =	vmul.f32 v32, v32  }
0x107: {  	v34 =	vld [tilespmem:s18+$0xFFFFFF80];
	v10 =	vadd.f32 v29, v10;
	v23 =	vadd.f32 v27, v23;
	v27 =	vmul.f32 v30, v30  }
0x108: {  	v29 =	vld [tilespmem:s18+$0xFFFFFF90];
	v24 =	vadd.f32 v32, v24;
	v25 =	vadd.f32 v31, v25;
	v31 =	vmul.f32 v28, v28  }
0x109: {  	v32 =	vld [tilespmem:s18+$0x0];
	v10 =	vadd.f32 v30, v10;
	v23 =	vadd.f32 v27, v23;
	v27 =	vmul.f32 v26, v26  }
0x10a: {  	v30 =	vmul.f32 v35, v35;
	v36 =	vld [tilespmem:s18+$0x10];
	v24 =	vadd.f32 v28, v24;
	v25 =	vadd.f32 v31, v25  }
0x10b: {  	v28 =	vmul.f32 v33, v33;
	v31 =	vld [tilespmem:s18+$0x80];
	v10 =	vadd.f32 v26, v10;
	v23 =	vadd.f32 v27, v23  }
0x10c: {  	v13 =	vadd.f32 v35, v13;
	v11 =	vadd.f32 v30, v11;
	v26 =	vmul.f32 v34, v34;
	v27 =	vld [tilespmem:s18+$0x90]  }
0x10d: {  	v14 =	vadd.f32 v33, v14;
	v12 =	vadd.f32 v28, v12;
	v28 =	vld [tilespmem:s18+$0xFFFFFF20];
	v30 =	vmul.f32 v29, v29  }
0x10e: {  	v13 =	vadd.f32 v34, v13;
	v33 =	vld [tilespmem:s18+$0xFFFFFF30];
	v11 =	vadd.f32 v26, v11;
	v26 =	vmul.f32 v32, v32  }
0x10f: {  	v14 =	vadd.f32 v29, v14;
	v12 =	vadd.f32 v30, v12;
	v29 =	vld [tilespmem:s18+$0xFFFFFFA0];
	v30 =	vmul.f32 v36, v36  }
0x110: {  	v13 =	vadd.f32 v32, v13;
	v34 =	vld [tilespmem:s18+$0xFFFFFFB0];
	v11 =	vadd.f32 v26, v11;
	v26 =	vmul.f32 v31, v31  }
0x111: {  	v14 =	vadd.f32 v36, v14;
	v12 =	vadd.f32 v30, v12;
	v30 =	vld [tilespmem:s18+$0x20];
	v32 =	vmul.f32 v27, v27  }
0x112: {  	v13 =	vadd.f32 v31, v13;
	v35 =	vmul.f32 v28, v28;
	v36 =	vld [tilespmem:s18+$0x30];
	v11 =	vadd.f32 v26, v11  }
0x113: {  	v14 =	vadd.f32 v27, v14;
	v26 =	vmul.f32 v33, v33;
	v12 =	vadd.f32 v32, v12;
	v27 =	vld [tilespmem:s18+$0xA0]  }
0x114: {  	v18 =	vadd.f32 v28, v18;
	v17 =	vadd.f32 v35, v17;
	v28 =	vmul.f32 v29, v29;
	v31 =	vld [tilespmem:s18+$0xB0]  }
0x115: {  	v16 =	vadd.f32 v33, v16;
	v15 =	vadd.f32 v26, v15;
	v26 =	vld [tilespmem:s18+$0xFFFFFF40];
	v32 =	vmul.f32 v34, v34  }
0x116: {  	v18 =	vadd.f32 v29, v18;
	v33 =	vld [tilespmem:s18+$0xFFFFFF50];
	v17 =	vadd.f32 v28, v17;
	v28 =	vmul.f32 v30, v30  }
0x117: {  	v16 =	vadd.f32 v34, v16;
	v15 =	vadd.f32 v32, v15;
	v29 =	vld [tilespmem:s18+$0xFFFFFFC0];
	v32 =	vmul.f32 v36, v36  }
0x118: {  	v18 =	vadd.f32 v30, v18;
	v34 =	vld [tilespmem:s18+$0xFFFFFFD0];
	v17 =	vadd.f32 v28, v17;
	v28 =	vmul.f32 v27, v27  }
0x119: {  	v16 =	vadd.f32 v36, v16;
	v15 =	vadd.f32 v32, v15;
	v30 =	vld [tilespmem:s18+$0x40];
	v32 =	vmul.f32 v31, v31  }
0x11a: {  	v18 =	vadd.f32 v27, v18;
	v35 =	vmul.f32 v26, v26;
	v36 =	vld [tilespmem:s18+$0x50];
	v17 =	vadd.f32 v28, v17  }
0x11b: {  	v16 =	vadd.f32 v31, v16;
	v27 =	vmul.f32 v33, v33;
	v15 =	vadd.f32 v32, v15;
	v28 =	vld [tilespmem:s18+$0xC0]  }
0x11c: {  	v21 =	vadd.f32 v26, v21;
	v22 =	vadd.f32 v35, v22;
	v26 =	vmul.f32 v29, v29;
	v35 =	vld [tilespmem:s18+$0xD0]  }
0x11d: {  	v20 =	vadd.f32 v33, v20;
	v19 =	vadd.f32 v27, v19;
	v37 =	vld [tilespmem:s18+$0xFFFFFF60];
	v31 =	vmul.f32 v34, v34  }
0x11e: {  	s13 =	sadd.s32 $0x4, s13;
	v21 =	vadd.f32 v29, v21;
	v27 =	vld [tilespmem:s18+$0xFFFFFF70];
	v22 =	vadd.f32 v26, v22;
	v26 =	vmul.f32 v30, v30  }
0x11f: {  	p1 =	slt.u32 s13, $0x60;
	v20 =	vadd.f32 v34, v20;
	v19 =	vadd.f32 v31, v19;
	v31 =	vld [tilespmem:s18+$0xFFFFFFE0];
	v32 =	vmul.f32 v36, v36  }
.Ltmp1:
0x120: {  	v21 =	vadd.f32 v30, v21;
	v29 =	vld [tilespmem:s18+$0xFFFFFFF0];
	v22 =	vadd.f32 v26, v22;
	v26 =	vmul.f32 v28, v28;
	(pc) =	sbr.rel @p1 .LBB2_5-.Ltmp1, $4  }
0x121: {  	v20 =	vadd.f32 v36, v20;
	v19 =	vadd.f32 v32, v19;
	v32 =	vld [tilespmem:s18+$0x60];
	v34 =	vmul.f32 v35, v35  }
0x122: {  	v21 =	vadd.f32 v28, v21;
	v36 =	vmul.f32 v37, v37;
	v30 =	vld [tilespmem:s18+$0x70];
	v22 =	vadd.f32 v26, v22  }
0x123: {  	v20 =	vadd.f32 v35, v20;
	v33 =	vmul.f32 v27, v27;
	v19 =	vadd.f32 v34, v19;
	v28 =	vld [tilespmem:s18+$0xE0]  }
0x124: {  	v24 =	vadd.f32 v37, v24;
	v25 =	vadd.f32 v36, v25;
	v34 =	vmul.f32 v31, v31;
	v26 =	vld [tilespmem:s18+$0xF0];
	s18 =	sadd.s32 $0x200, s18  }
0x125: {  	v10 =	vadd.f32 v27, v10  }
0x126: {  	v23 =	vadd.f32 v33, v23;
	v27 =	vmul.f32 v29, v29;
	v13 =	vmul.f32 v13, v13  }
0x127: {  	v14 =	vmul.f32 v14, v14;
	v24 =	vadd.f32 v31, v24;
	v25 =	vadd.f32 v34, v25  }
0x128: {  	v31 =	vmul.f32 v32, v32;
	v10 =	vadd.f32 v29, v10;
	v23 =	vadd.f32 v27, v23;
	v27 =	vld [tilespmem:$0x11180]  }
0x129: {  	v29 =	vmul.f32 v30, v30;
	v11 =	vsub.f32 v13, v11;
	v12 =	vsub.f32 v14, v12  }
0x12a: {  	v13 =	vmul.f32 v18, v18;
	v14 =	vld [tilespmem:$0x11190];
	v24 =	vadd.f32 v32, v24;
	v25 =	vadd.f32 v31, v25  }
0x12b: {  	v10 =	vadd.f32 v30, v10;
	v18 =	vadd.f32 v29, v23  }
0x12c: {  	v11 =	vadd.f32 v12, v11;
	v12 =	vsub.f32 v13, v17;
	v13 =	vmul.f32 v16, v16;
	v16 =	vld [tilespmem:$0x111A0]  }
0x12d: {  	v17 =	vmul.f32 v28, v28;
	v23 =	vadd.f32 v28, v24;
	v24 =	vadd.f32 $0.0e+00, v27  }
0x12e: {  	v11 =	vadd.f32 v12, v11;
	v12 =	vsub.f32 v13, v15;
	v13 =	vmul.f32 v21, v21;
	v15 =	vld [tilespmem:$0x111B0]  }
0x12f: {  	v17 =	vadd.f32 v17, v25;
	v14 =	vadd.f32 v14, v24  }
0x130: {  	v11 =	vadd.f32 v12, v11;
	v12 =	vsub.f32 v13, v22;
	v13 =	vmul.f32 v20, v20;
	v20 =	vld [tilespmem:$0x111C0]  }
0x131: {  	v21 =	vmul.f32 v26, v26;
	v10 =	vadd.f32 v26, v10;
	v14 =	vadd.f32 v16, v14  }
0x132: {  	v11 =	vadd.f32 v12, v11;
	v12 =	vsub.f32 v13, v19;
	v13 =	vmul.f32 v23, v23;
	v16 =	vld [tilespmem:$0x111D0]  }
0x133: {  	v18 =	vadd.f32 v21, v18;
	v14 =	vadd.f32 v15, v14  }
0x134: {  	v10 =	vmul.f32 v10, v10;
	v11 =	vadd.f32 v12, v11;
	v12 =	vsub.f32 v13, v17;
	v13 =	vld [tilespmem:$0x111E0]  }
0x135: {  	v14 =	vadd.f32 v20, v14  }
0x136: {  	v10 =	vsub.f32 v10, v18;
	v11 =	vadd.f32 v12, v11  }
0x137: {  	v12 =	vadd.f32 v16, v14  }
0x138: {  	v10 =	vadd.f32 v10, v11  }
0x139: {  	v11 =	vadd.f32 v13, v12  }
0x13a: {  	(xrf2) =	vadd.scan.msk.f32 $0xffff, v10  }
0x13b: {  	(xrf2) =	vadd.scan.msk.f32 $0xffff, v11;
	_ =	sdelay $0x6  }
0x13c: {  	s13 =	sshll.u32 @!p0 s10, $0x9  }
0x13d: {  	s13 =	sand.u32 @!p0 $0x3FFFFE00, s13  }
0x13e: {  	v11 =	vld @!p0 [tilespmem:s13+$0x280];
	v10, _, _ =	vpop (xrf2)  }
0x13f: {  	v12 =	vld @!p0 [tilespmem:s13+$0x290];
	(v2sf) =	vpush v10, $0xF;
	v10, _, _ =	vpop (xrf2)  }
0x140: {  	v13 =	vld @!p0 [tilespmem:s13+$0x2A0];
	(v2sf) =	vpush v10, $0xF;
	v10 =	vlaneseq.u32 @!p0  }
0x141: {  	v14 =	vld @!p0 [tilespmem:s13+$0x2B0];
	v10 =	vmul.u32 @!p0 $0x3E8, v10  }
0x142: {  	v15 =	vld @!p0 [tilespmem:s13+$0x2C0]  }
0x143: {  	v17 =	vld @!p0 [tilespmem:s13+$0x2D0];
	v11 =	vadd.s32 @!p0 v10, v11;
	v16 =	vadd.s32 @!p0 $0x3E80, v10  }
0x144: {  	v18 =	vld @!p0 [tilespmem:s13+$0x2D4];
	[tilespmem:s13+$0x280] =	vst @!p0 v11;
	v11 =	vadd.s32 @!p0 v16, v12;
	v12 =	vadd.s32 @!p0 $0x7D00, v10  }
0x145: {  	[tilespmem:s13+$0x290] =	vst @!p0 v11;
	v11 =	vadd.s32 @!p0 v12, v13;
	v12 =	vadd.s32 @!p0 $0xBB80, v10  }
0x146: {  	[tilespmem:s13+$0x2A0] =	vst @!p0 v11;
	v11 =	vadd.s32 @!p0 v12, v14;
	v12 =	vadd.s32 @!p0 $0xFA00, v10  }
0x147: {  	[tilespmem:s13+$0x2B0] =	vst @!p0 v11;
	v11 =	vadd.s32 @!p0 v12, v15;
	v12 =	vadd.s32 @!p0 $0x13880, v10  }
0x148: {  	v10 =	vadd.s32 @!p0 $0x14820, v10;
	[tilespmem:s13+$0x2C0] =	vst @!p0 v11;
	v11 =	vadd.s32 @!p0 v12, v17  }
0x149: {  	v10 =	vadd.s32 @!p0 v10, v18;
	[tilespmem:s13+$0x2D0] =	vst @!p0 v11  }
0x14a: {  	s19 =	simm.s32 @!p0 $0x64;
	s21 =	simm.s32 @!p0 $0x7500;
	s18 =	sadd.s32 @!p0 $0x280, s13;
	[tilespmem:s13+$0x2D4] =	vst @!p0 v10  }
0x14b: {  	[tilespmem:s21], [sflag:$0x2] =	stream.indirect.gather @!p0 [hbm4b:s3+s19], $0x80, s18, s19, $0xb8;
	[tilespmem:$0x11300] =	vst v63  }
0x14c: {  	s21 =	simm.s32 @!p0 $0x11180  }
0x14d: {  	[tilespmem:s21], [sflag:$0x6] =	stream.indirect.gather @!p0 [hbm4b:s5+s19], $0x1, s18, s19, $0xb8;
	[tilespmem:$0x11300] =	vst v63  }
0x14e: {  	s18 =	spop (v2sf)  }
0x14f: {  	s22 =	spop (v2sf)  }
0x150: {  	_ =	swait.ge [sflag:s28], $0x3200  }
0x151: {  	[sflag:s28] =	ssyncset.done $0x0  }
0x152: {  	[sflag:s28] =	ssyncadd.s32 $0xFFFFCE00  }
0x153: {  	_ =	swait.ge [sflag:s29], $0x64  }
0x154: {  	[sflag:s29] =	ssyncset.done $0x0  }
0x155: {  	s19 =	simm.s32 $0xAA00;
	[sflag:s29] =	ssyncadd.s32 $0xFFFFFF9C  }
0x156: {  	v11 =	vld [tilespmem:s19+$0xFFFFFF00]  }
0x157: {  	v12 =	vld [tilespmem:s19+$0xFFFFFF10]  }
0x158: {  	v13 =	vld [tilespmem:s19+$0xFFFFFF80]  }
0x159: {  	v14 =	vld [tilespmem:s19+$0xFFFFFF90]  }
0x15a: {  	s15 =	sand.u32 $0xC, s15;
	v15 =	vld [tilespmem:s19+$0x0]  }
0x15b: {  	v10 =	vmov s15;
	v17 =	vld [tilespmem:s19+$0x10]  }
0x15c: {  	vm0 =	veq.s32 v10, v0;
	v10 =	vimm.f32 $0.0e+00;
	v19 =	vld [tilespmem:s19+$0x80];
	v16 =	vmul.f32 v11, v11  }
0x15d: {  	v9 =	vsel vm0, s16, v9;
	v21 =	vld [tilespmem:s19+$0x90];
	v18 =	vmul.f32 v12, v12;
	v11 =	vadd.f32 v11, v10  }
0x15e: {  	v22 =	vld [tilespmem:s19+$0xFFFFFF20];
	v20 =	vmul.f32 v13, v13;
	v12 =	vadd.f32 v12, v10;
	v16 =	vadd.f32 v16, v10  }
0x15f: {  	v24 =	vld [tilespmem:s19+$0xFFFFFF30];
	v23 =	vmul.f32 v14, v14;
	v18 =	vadd.f32 v18, v10;
	v11 =	vadd.f32 v13, v11  }
0x160: {  	v26 =	vld [tilespmem:s19+$0x30];
	v12 =	vadd.f32 v14, v12;
	v13 =	vadd.f32 v20, v16;
	v16 =	vmul.f32 v15, v15  }
0x161: {  	v14 =	vadd.f32 v23, v18;
	v18 =	vld [tilespmem:s19+$0xFFFFFFA0];
	v20 =	vmul.f32 v17, v17;
	v11 =	vadd.f32 v15, v11  }
0x162: {  	v25 =	vmul.f32 v21, v21;
	v15 =	vld [tilespmem:s19+$0xFFFFFFB0];
	v12 =	vadd.f32 v17, v12;
	v16 =	vadd.f32 v16, v13  }
0x163: {  	v23 =	vmul.f32 v19, v19;
	v17 =	vadd.f32 v20, v14;
	v20 =	vld [tilespmem:s19+$0x20];
	v13 =	vadd.f32 v19, v11  }
0x164: {  	v32 =	vld [tilespmem:s19+$0xFFFFFFE0];
	v19 =	vmul.f32 v22, v22;
	v14 =	vadd.f32 v21, v12;
	v21 =	vadd.f32 v22, v10  }
0x165: {  	v11 =	vadd.f32 v23, v16;
	v16 =	vmul.f32 v24, v24;
	v12 =	vadd.f32 v25, v17;
	v17 =	vld [tilespmem:s19+$0xA0]  }
0x166: {  	v19 =	vadd.f32 v19, v10;
	v24 =	vadd.f32 v24, v10;
	v25 =	vld [tilespmem:s19+$0xFFFFFF40];
	v22 =	vmul.f32 v18, v18  }
0x167: {  	v23 =	vld [tilespmem:s19+$0xB0];
	v27 =	vmul.f32 v15, v15;
	v18 =	vadd.f32 v18, v21;
	v16 =	vadd.f32 v16, v10  }
0x168: {  	v21 =	vld [tilespmem:s19+$0xFFFFFF50];
	v15 =	vadd.f32 v15, v24;
	v19 =	vadd.f32 v22, v19;
	v22 =	vmul.f32 v20, v20  }
0x169: {  	v24 =	vld [tilespmem:s19+$0xFFFFFFC0];
	v18 =	vadd.f32 v20, v18;
	v16 =	vadd.f32 v27, v16;
	v27 =	vmul.f32 v26, v26  }
0x16a: {  	v20 =	vld [tilespmem:s19+$0xFFFFFFD0];
	v15 =	vadd.f32 v26, v15;
	v19 =	vadd.f32 v22, v19;
	v22 =	vmul.f32 v17, v17  }
0x16b: {  	v31 =	vld [tilespmem:s19+$0x50];
	v18 =	vadd.f32 v17, v18;
	v29 =	vmul.f32 v25, v25;
	v26 =	vadd.f32 v27, v16  }
0x16c: {  	v28 =	vld [tilespmem:s19+$0x40];
	v27 =	vmul.f32 v23, v23;
	v16 =	vadd.f32 v23, v15;
	v23 =	vadd.f32 v25, v10  }
0x16d: {  	v62 =	vld [tilespmem:s19+$0xD0];
	v34 =	vmul.f32 v32, v32;
	v17 =	vadd.f32 v22, v19;
	v25 =	vadd.f32 v29, v10  }
0x16e: {  	v19 =	vmul.f32 v21, v21;
	v22 =	vld [tilespmem:s19+$0xC0];
	v21 =	vadd.f32 v21, v10;
	v15 =	vadd.f32 v27, v26  }
0x16f: {  	v63 =	vld [tilespmem:s19+$0xFFFFFF60];
	v26 =	vmul.f32 v24, v24;
	v29 =	vmul.f32 v20, v20;
	v23 =	vadd.f32 v24, v23  }
0x170: {  	v27 =	vld [tilespmem:s19+$0xFFFFFF70];
	v19 =	vadd.f32 v19, v10;
	v20 =	vadd.f32 v20, v21;
	v21 =	vmul.f32 v31, v31  }
0x171: {  	v24 =	vadd.f32 v26, v25;
	v25 =	vmul.f32 v28, v28;
	v23 =	vadd.f32 v28, v23  }
0x172: {  	v30 =	vld [tilespmem:s19+$0xFFFFFFF0];
	v26 =	vmul.f32 v62, v62;
	v19 =	vadd.f32 v29, v19;
	v20 =	vadd.f32 v31, v20  }
0x173: {  	v31 =	vld [tilespmem:s19+$0x60];
	v24 =	vadd.f32 v25, v24;
	v25 =	vmul.f32 v22, v22;
	v22 =	vadd.f32 v22, v23  }
0x174: {  	s18 =	smul.f32 $5.000000000e-01, s18;
	s22 =	sadd.f32 s22, s1;
	v29 =	vld [tilespmem:s19+$0x70];
	v23 =	vmul.f32 v63, v63;
	v19 =	vadd.f32 v21, v19;
	v20 =	vadd.f32 v62, v20  }
0x175: {  	v28 =	vld [tilespmem:s19+$0xE0];
	v33 =	vmul.f32 v27, v27;
	v21 =	vadd.f32 v25, v24;
	v24 =	vadd.f32 v63, v10  }
0x176: {  	s16 =	sadd.f32 s22, s18;
	s18 =	simm.s32 $0x0;
	v25 =	vadd.f32 v23, v10;
	v23 =	vimm.f32 $0.0e+00;
	v19 =	vadd.f32 v26, v19;
	v26 =	vld [tilespmem:s19+$0xF0];
	s19 =	simm.s32 $0xAC00  }
.LBB2_7:
0x177: {  	v35 =	vld [tilespmem:s19+$0xFFFFFF00];
	v10 =	vadd.f32 v27, v10;
	v23 =	vadd.f32 v33, v23;
	v27 =	vmul.f32 v30, v30  }
0x178: {  	v33 =	vld [tilespmem:s19+$0xFFFFFF10];
	v24 =	vadd.f32 v32, v24;
	v25 =	vadd.f32 v34, v25;
	v32 =	vmul.f32 v31, v31  }
0x179: {  	v34 =	vld [tilespmem:s19+$0xFFFFFF80];
	v10 =	vadd.f32 v30, v10;
	v23 =	vadd.f32 v27, v23;
	v27 =	vmul.f32 v29, v29  }
0x17a: {  	v30 =	vld [tilespmem:s19+$0xFFFFFF90];
	v24 =	vadd.f32 v31, v24;
	v25 =	vadd.f32 v32, v25;
	v31 =	vmul.f32 v28, v28  }
0x17b: {  	v32 =	vld [tilespmem:s19+$0x0];
	v10 =	vadd.f32 v29, v10;
	v23 =	vadd.f32 v27, v23;
	v27 =	vmul.f32 v26, v26  }
0x17c: {  	v29 =	vmul.f32 v35, v35;
	v36 =	vld [tilespmem:s19+$0x10];
	v24 =	vadd.f32 v28, v24;
	v25 =	vadd.f32 v31, v25  }
0x17d: {  	v28 =	vmul.f32 v33, v33;
	v31 =	vld [tilespmem:s19+$0x80];
	v10 =	vadd.f32 v26, v10;
	v23 =	vadd.f32 v27, v23  }
0x17e: {  	v13 =	vadd.f32 v35, v13;
	v11 =	vadd.f32 v29, v11;
	v26 =	vmul.f32 v34, v34;
	v27 =	vld [tilespmem:s19+$0x90]  }
0x17f: {  	v14 =	vadd.f32 v33, v14;
	v12 =	vadd.f32 v28, v12;
	v28 =	vld [tilespmem:s19+$0xFFFFFF20];
	v29 =	vmul.f32 v30, v30  }
0x180: {  	v13 =	vadd.f32 v34, v13;
	v33 =	vld [tilespmem:s19+$0xFFFFFF30];
	v11 =	vadd.f32 v26, v11;
	v26 =	vmul.f32 v32, v32  }
0x181: {  	v14 =	vadd.f32 v30, v14;
	v12 =	vadd.f32 v29, v12;
	v29 =	vld [tilespmem:s19+$0xFFFFFFA0];
	v30 =	vmul.f32 v36, v36  }
0x182: {  	v13 =	vadd.f32 v32, v13;
	v34 =	vld [tilespmem:s19+$0xFFFFFFB0];
	v11 =	vadd.f32 v26, v11;
	v26 =	vmul.f32 v31, v31  }
0x183: {  	v14 =	vadd.f32 v36, v14;
	v12 =	vadd.f32 v30, v12;
	v30 =	vld [tilespmem:s19+$0x20];
	v32 =	vmul.f32 v27, v27  }
0x184: {  	v13 =	vadd.f32 v31, v13;
	v35 =	vmul.f32 v28, v28;
	v36 =	vld [tilespmem:s19+$0x30];
	v11 =	vadd.f32 v26, v11  }
0x185: {  	v14 =	vadd.f32 v27, v14;
	v26 =	vmul.f32 v33, v33;
	v12 =	vadd.f32 v32, v12;
	v27 =	vld [tilespmem:s19+$0xA0]  }
0x186: {  	v18 =	vadd.f32 v28, v18;
	v17 =	vadd.f32 v35, v17;
	v28 =	vmul.f32 v29, v29;
	v31 =	vld [tilespmem:s19+$0xB0]  }
0x187: {  	v16 =	vadd.f32 v33, v16;
	v15 =	vadd.f32 v26, v15;
	v26 =	vld [tilespmem:s19+$0xFFFFFF40];
	v32 =	vmul.f32 v34, v34  }
0x188: {  	v18 =	vadd.f32 v29, v18;
	v33 =	vld [tilespmem:s19+$0xFFFFFF50];
	v17 =	vadd.f32 v28, v17;
	v28 =	vmul.f32 v30, v30  }
0x189: {  	v16 =	vadd.f32 v34, v16;
	v15 =	vadd.f32 v32, v15;
	v29 =	vld [tilespmem:s19+$0xFFFFFFC0];
	v32 =	vmul.f32 v36, v36  }
0x18a: {  	v18 =	vadd.f32 v30, v18;
	v34 =	vld [tilespmem:s19+$0xFFFFFFD0];
	v17 =	vadd.f32 v28, v17;
	v28 =	vmul.f32 v27, v27  }
0x18b: {  	v16 =	vadd.f32 v36, v16;
	v15 =	vadd.f32 v32, v15;
	v35 =	vld [tilespmem:s19+$0x40];
	v30 =	vmul.f32 v31, v31  }
0x18c: {  	v18 =	vadd.f32 v27, v18;
	v32 =	vmul.f32 v26, v26;
	v36 =	vld [tilespmem:s19+$0x50];
	v17 =	vadd.f32 v28, v17  }
0x18d: {  	v16 =	vadd.f32 v31, v16;
	v27 =	vmul.f32 v33, v33;
	v15 =	vadd.f32 v30, v15;
	v28 =	vld [tilespmem:s19+$0xC0]  }
0x18e: {  	v22 =	vadd.f32 v26, v22;
	v21 =	vadd.f32 v32, v21;
	v26 =	vmul.f32 v29, v29;
	v37 =	vld [tilespmem:s19+$0xD0]  }
0x18f: {  	v20 =	vadd.f32 v33, v20;
	v19 =	vadd.f32 v27, v19;
	v38 =	vld [tilespmem:s19+$0xFFFFFF60];
	v30 =	vmul.f32 v34, v34  }
0x190: {  	s18 =	sadd.s32 $0x4, s18;
	v22 =	vadd.f32 v29, v22;
	v27 =	vld [tilespmem:s19+$0xFFFFFF70];
	v21 =	vadd.f32 v26, v21;
	v26 =	vmul.f32 v35, v35  }
0x191: {  	p1 =	slt.u32 s18, $0x60;
	v20 =	vadd.f32 v34, v20;
	v19 =	vadd.f32 v30, v19;
	v32 =	vld [tilespmem:s19+$0xFFFFFFE0];
	v29 =	vmul.f32 v36, v36  }
.Ltmp2:
0x192: {  	v22 =	vadd.f32 v35, v22;
	v30 =	vld [tilespmem:s19+$0xFFFFFFF0];
	v21 =	vadd.f32 v26, v21;
	v26 =	vmul.f32 v28, v28;
	(pc) =	sbr.rel @p1 .LBB2_7-.Ltmp2, $4  }
0x193: {  	v20 =	vadd.f32 v36, v20;
	v19 =	vadd.f32 v29, v19;
	v31 =	vld [tilespmem:s19+$0x60];
	v34 =	vmul.f32 v37, v37  }
0x194: {  	v22 =	vadd.f32 v28, v22;
	v35 =	vmul.f32 v38, v38;
	v29 =	vld [tilespmem:s19+$0x70];
	v21 =	vadd.f32 v26, v21  }
0x195: {  	v20 =	vadd.f32 v37, v20;
	v33 =	vmul.f32 v27, v27;
	v19 =	vadd.f32 v34, v19;
	v28 =	vld [tilespmem:s19+$0xE0]  }
0x196: {  	v24 =	vadd.f32 v38, v24;
	v25 =	vadd.f32 v35, v25;
	v34 =	vmul.f32 v32, v32;
	v26 =	vld [tilespmem:s19+$0xF0];
	s19 =	sadd.s32 $0x200, s19  }
0x197: {  	v10 =	vadd.f32 v27, v10  }
0x198: {  	v23 =	vadd.f32 v33, v23;
	v27 =	vmul.f32 v30, v30;
	v13 =	vmul.f32 v13, v13  }
0x199: {  	v14 =	vmul.f32 v14, v14;
	v24 =	vadd.f32 v32, v24;
	v25 =	vadd.f32 v34, v25  }
0x19a: {  	v61 =	vmul.f32 v31, v31;
	v10 =	vadd.f32 v30, v10;
	v23 =	vadd.f32 v27, v23  }
0x19b: {  	v11 =	vsub.f32 v13, v11;
	v12 =	vsub.f32 v14, v12;
	v13 =	vmul.f32 v18, v18;
	v14 =	vld [tilespmem:$0x11200]  }
0x19c: {  	v18 =	vmul.f32 v29, v29;
	v24 =	vadd.f32 v31, v24;
	v25 =	vadd.f32 v61, v25  }
0x19d: {  	v11 =	vadd.f32 v12, v11;
	v12 =	vsub.f32 v13, v17;
	v13 =	vmul.f32 v16, v16;
	v16 =	vld [tilespmem:$0x11210]  }
0x19e: {  	v10 =	vadd.f32 v29, v10;
	v17 =	vadd.f32 v18, v23  }
0x19f: {  	v11 =	vadd.f32 v12, v11;
	v12 =	vsub.f32 v13, v15;
	v13 =	vmul.f32 v22, v22;
	v15 =	vld [tilespmem:$0x11220]  }
0x1a0: {  	v18 =	vmul.f32 v28, v28;
	v22 =	vadd.f32 v28, v24;
	v14 =	vadd.f32 $0.0e+00, v14  }
0x1a1: {  	v11 =	vadd.f32 v12, v11;
	v12 =	vsub.f32 v13, v21;
	v13 =	vmul.f32 v20, v20;
	v20 =	vld [tilespmem:$0x11230]  }
0x1a2: {  	v18 =	vadd.f32 v18, v25;
	v14 =	vadd.f32 v16, v14  }
0x1a3: {  	v16 =	vld [tilespmem:$0x11240];
	v11 =	vadd.f32 v12, v11;
	v12 =	vsub.f32 v13, v19;
	v13 =	vmul.f32 v22, v22  }
0x1a4: {  	v10 =	vadd.f32 v26, v10;
	v19 =	vmul.f32 v26, v26;
	v14 =	vadd.f32 v15, v14  }
0x1a5: {  	v11 =	vadd.f32 v12, v11;
	v12 =	vsub.f32 v13, v18;
	v13 =	vld [tilespmem:$0x11250]  }
0x1a6: {  	v10 =	vmul.f32 v10, v10;
	v15 =	vadd.f32 v19, v17;
	v14 =	vadd.f32 v20, v14  }
0x1a7: {  	v11 =	vadd.f32 v12, v11;
	v12 =	vld [tilespmem:$0x11260]  }
0x1a8: {  	v10 =	vsub.f32 v10, v15;
	v14 =	vadd.f32 v16, v14;
	_ =	sdelay $0x1  }
0x1a9: {  	v10 =	vadd.f32 v10, v11;
	v11 =	vadd.f32 v13, v14;
	_ =	sdelay $0x1  }
0x1aa: {  	(xrf2) =	vadd.scan.msk.f32 $0xffff, v10;
	v10 =	vadd.f32 v12, v11;
	_ =	sdelay $0x1  }
0x1ab: {  	(xrf2) =	vadd.scan.msk.f32 $0xffff, v10;
	_ =	sdelay $0x7  }
0x1ac: {  	v10, _, _ =	vpop (xrf2)  }
0x1ad: {  	(v2sf) =	vpush v10, $0xF  }
0x1ae: {  	v11 =	vld @!p0 [tilespmem:s13+$0x300];
	v10, _, _ =	vpop (xrf2)  }
0x1af: {  	(v2sf) =	vpush v10, $0xF;
	v10 =	vld @!p0 [tilespmem:s13+$0x310]  }
0x1b0: {  	v13 =	vld @!p0 [tilespmem:s13+$0x320];
	v12 =	vlaneseq.u32 @!p0  }
0x1b1: {  	v14 =	vld @!p0 [tilespmem:s13+$0x330];
	v12 =	vmul.u32 @!p0 $0x3E8, v12  }
0x1b2: {  	v15 =	vld @!p0 [tilespmem:s13+$0x340]  }
0x1b3: {  	v17 =	vld @!p0 [tilespmem:s13+$0x350];
	v16 =	vadd.s32 @!p0 $0x3E80, v12;
	v11 =	vadd.s32 @!p0 v12, v11  }
0x1b4: {  	v18 =	vld @!p0 [tilespmem:s13+$0x354];
	[tilespmem:s13+$0x300] =	vst @!p0 v11;
	v11 =	vadd.s32 @!p0 $0x7D00, v12;
	v10 =	vadd.s32 @!p0 v16, v10  }
0x1b5: {  	[tilespmem:s13+$0x310] =	vst @!p0 v10;
	v10 =	vadd.s32 @!p0 v11, v13;
	v11 =	vadd.s32 @!p0 $0xBB80, v12  }
0x1b6: {  	[tilespmem:s13+$0x320] =	vst @!p0 v10;
	v10 =	vadd.s32 @!p0 v11, v14;
	v11 =	vadd.s32 @!p0 $0xFA00, v12  }
0x1b7: {  	[tilespmem:s13+$0x330] =	vst @!p0 v10;
	v10 =	vadd.s32 @!p0 v11, v15;
	v11 =	vadd.s32 @!p0 $0x13880, v12  }
0x1b8: {  	[tilespmem:s13+$0x340] =	vst @!p0 v10;
	v10 =	vadd.s32 @!p0 v11, v17;
	v11 =	vadd.s32 @!p0 $0x14820, v12  }
0x1b9: {  	[tilespmem:s13+$0x350] =	vst @!p0 v10;
	v10 =	vadd.s32 @!p0 v11, v18  }
0x1ba: {  	s19 =	sadd.s32 @!p0 $0x300, s13;
	s21 =	simm.s32 @!p0 $0x64;
	s18 =	simm.s32 @!p0 $0xA900;
	[tilespmem:s13+$0x354] =	vst @!p0 v10  }
0x1bb: {  	[tilespmem:s18], [sflag:$0x3] =	stream.indirect.gather @!p0 [hbm4b:s3+s21], $0x80, s19, s21, $0xb8;
	[tilespmem:$0x11300] =	vst v63  }
0x1bc: {  	s22 =	simm.s32 @!p0 $0x11200;
	s18 =	spop (v2sf)  }
0x1bd: {  	[tilespmem:s22], [sflag:$0x7] =	stream.indirect.gather @!p0 [hbm4b:s5+s21], $0x1, s19, s21, $0xb8;
	[tilespmem:$0x11300] =	vst v63  }
0x1be: {  	s21 =	spop (v2sf)  }
0x1bf: {  	_ =	swait.ge [sflag:s30], $0x3200  }
0x1c0: {  	[sflag:s30] =	ssyncset.done $0x0  }
0x1c1: {  	[sflag:s30] =	ssyncadd.s32 $0xFFFFCE00  }
0x1c2: {  	_ =	swait.ge [sflag:s31], $0x64  }
0x1c3: {  	[sflag:s31] =	ssyncset.done $0x0  }
0x1c4: {  	s19 =	simm.s32 $0xDE00;
	[sflag:s31] =	ssyncadd.s32 $0xFFFFFF9C  }
0x1c5: {  	v11 =	vld [tilespmem:s19+$0xFFFFFF00]  }
0x1c6: {  	v12 =	vld [tilespmem:s19+$0xFFFFFF10]  }
0x1c7: {  	v13 =	vld [tilespmem:s19+$0xFFFFFF80]  }
0x1c8: {  	v14 =	vld [tilespmem:s19+$0xFFFFFF90]  }
0x1c9: {  	s22 =	sor.u32 $0x1, s15;
	v15 =	vld [tilespmem:s19+$0x0]  }
0x1ca: {  	v10 =	vmov s22;
	v17 =	vld [tilespmem:s19+$0x10]  }
0x1cb: {  	vm0 =	veq.s32 v10, v0;
	v10 =	vimm.f32 $0.0e+00;
	v19 =	vld [tilespmem:s19+$0x80];
	v16 =	vmul.f32 v11, v11  }
0x1cc: {  	v9 =	vsel vm0, s16, v9;
	v21 =	vld [tilespmem:s19+$0x90];
	v18 =	vmul.f32 v12, v12;
	v11 =	vadd.f32 v11, v10  }
0x1cd: {  	v22 =	vld [tilespmem:s19+$0xFFFFFF20];
	v20 =	vmul.f32 v13, v13;
	v12 =	vadd.f32 v12, v10;
	v16 =	vadd.f32 v16, v10  }
0x1ce: {  	v24 =	vld [tilespmem:s19+$0xFFFFFF30];
	v23 =	vmul.f32 v14, v14;
	v18 =	vadd.f32 v18, v10;
	v11 =	vadd.f32 v13, v11  }
0x1cf: {  	v26 =	vld [tilespmem:s19+$0x30];
	v12 =	vadd.f32 v14, v12;
	v13 =	vadd.f32 v20, v16;
	v16 =	vmul.f32 v15, v15  }
0x1d0: {  	v14 =	vadd.f32 v23, v18;
	v18 =	vld [tilespmem:s19+$0xFFFFFFA0];
	v20 =	vmul.f32 v17, v17;
	v11 =	vadd.f32 v15, v11  }
0x1d1: {  	v25 =	vmul.f32 v21, v21;
	v15 =	vld [tilespmem:s19+$0xFFFFFFB0];
	v12 =	vadd.f32 v17, v12;
	v16 =	vadd.f32 v16, v13  }
0x1d2: {  	v23 =	vmul.f32 v19, v19;
	v17 =	vadd.f32 v20, v14;
	v20 =	vld [tilespmem:s19+$0x20];
	v13 =	vadd.f32 v19, v11  }
0x1d3: {  	v31 =	vld [tilespmem:s19+$0xFFFFFFE0];
	v19 =	vmul.f32 v22, v22;
	v14 =	vadd.f32 v21, v12;
	v21 =	vadd.f32 v22, v10  }
0x1d4: {  	v11 =	vadd.f32 v23, v16;
	v16 =	vmul.f32 v24, v24;
	v12 =	vadd.f32 v25, v17;
	v17 =	vld [tilespmem:s19+$0xA0]  }
0x1d5: {  	v19 =	vadd.f32 v19, v10;
	v24 =	vadd.f32 v24, v10;
	v25 =	vld [tilespmem:s19+$0xFFFFFF40];
	v22 =	vmul.f32 v18, v18  }
0x1d6: {  	v23 =	vld [tilespmem:s19+$0xB0];
	v27 =	vmul.f32 v15, v15;
	v18 =	vadd.f32 v18, v21;
	v16 =	vadd.f32 v16, v10  }
0x1d7: {  	v21 =	vld [tilespmem:s19+$0xFFFFFF50];
	v15 =	vadd.f32 v15, v24;
	v19 =	vadd.f32 v22, v19;
	v22 =	vmul.f32 v20, v20  }
0x1d8: {  	v24 =	vld [tilespmem:s19+$0xFFFFFFC0];
	v18 =	vadd.f32 v20, v18;
	v16 =	vadd.f32 v27, v16;
	v27 =	vmul.f32 v26, v26  }
0x1d9: {  	v20 =	vld [tilespmem:s19+$0xFFFFFFD0];
	v15 =	vadd.f32 v26, v15;
	v19 =	vadd.f32 v22, v19;
	v22 =	vmul.f32 v17, v17  }
0x1da: {  	v30 =	vld [tilespmem:s19+$0x50];
	v18 =	vadd.f32 v17, v18;
	v29 =	vmul.f32 v25, v25;
	v26 =	vadd.f32 v27, v16  }
0x1db: {  	v28 =	vld [tilespmem:s19+$0x40];
	v27 =	vmul.f32 v23, v23;
	v16 =	vadd.f32 v23, v15;
	v23 =	vadd.f32 v25, v10  }
0x1dc: {  	v62 =	vld [tilespmem:s19+$0xD0];
	v17 =	vadd.f32 v22, v19;
	v19 =	vmul.f32 v21, v21;
	v25 =	vadd.f32 v29, v10  }
0x1dd: {  	v34 =	vmul.f32 v31, v31;
	v22 =	vld [tilespmem:s19+$0xC0];
	v21 =	vadd.f32 v21, v10;
	v15 =	vadd.f32 v27, v26  }
0x1de: {  	v63 =	vld [tilespmem:s19+$0xFFFFFF60];
	v26 =	vmul.f32 v24, v24;
	v29 =	vmul.f32 v20, v20;
	v19 =	vadd.f32 v19, v10  }
0x1df: {  	v23 =	vadd.f32 v24, v23;
	v27 =	vld [tilespmem:s19+$0xFFFFFF70];
	v20 =	vadd.f32 v20, v21;
	v21 =	vmul.f32 v30, v30  }
0x1e0: {  	v24 =	vadd.f32 v26, v25;
	v25 =	vmul.f32 v28, v28;
	v19 =	vadd.f32 v29, v19  }
0x1e1: {  	v23 =	vadd.f32 v28, v23;
	v26 =	vmul.f32 v62, v62;
	v29 =	vld [tilespmem:s19+$0xFFFFFFF0];
	v20 =	vadd.f32 v30, v20  }
0x1e2: {  	v32 =	vld [tilespmem:s19+$0x60];
	v24 =	vadd.f32 v25, v24;
	v25 =	vmul.f32 v22, v22;
	v19 =	vadd.f32 v21, v19  }
0x1e3: {  	s18 =	smul.f32 $5.000000000e-01, s18;
	s22 =	sadd.f32 s21, s1;
	v30 =	vld [tilespmem:s19+$0x70];
	v21 =	vadd.f32 v22, v23;
	v23 =	vmul.f32 v63, v63;
	v20 =	vadd.f32 v62, v20  }
0x1e4: {  	v28 =	vld [tilespmem:s19+$0xE0];
	v33 =	vmul.f32 v27, v27;
	v22 =	vadd.f32 v25, v24;
	v24 =	vadd.f32 v63, v10  }
0x1e5: {  	s16 =	sadd.f32 s22, s18;
	s18 =	simm.s32 $0x0;
	v19 =	vadd.f32 v26, v19;
	v25 =	vadd.f32 v23, v10;
	v26 =	vld [tilespmem:s19+$0xF0];
	s19 =	simm.s32 $0xE000;
	v23 =	vimm.f32 $0.0e+00  }
.LBB2_9:
0x1e6: {  	v35 =	vld [tilespmem:s19+$0xFFFFFF00];
	v10 =	vadd.f32 v27, v10;
	v23 =	vadd.f32 v33, v23;
	v27 =	vmul.f32 v29, v29  }
0x1e7: {  	v33 =	vld [tilespmem:s19+$0xFFFFFF10];
	v24 =	vadd.f32 v31, v24;
	v25 =	vadd.f32 v34, v25;
	v31 =	vmul.f32 v32, v32  }
0x1e8: {  	v34 =	vld [tilespmem:s19+$0xFFFFFF80];
	v10 =	vadd.f32 v29, v10;
	v23 =	vadd.f32 v27, v23;
	v27 =	vmul.f32 v30, v30  }
0x1e9: {  	v29 =	vld [tilespmem:s19+$0xFFFFFF90];
	v24 =	vadd.f32 v32, v24;
	v25 =	vadd.f32 v31, v25;
	v31 =	vmul.f32 v28, v28  }
0x1ea: {  	v32 =	vld [tilespmem:s19+$0x0];
	v10 =	vadd.f32 v30, v10;
	v23 =	vadd.f32 v27, v23;
	v27 =	vmul.f32 v26, v26  }
0x1eb: {  	v30 =	vmul.f32 v35, v35;
	v36 =	vld [tilespmem:s19+$0x10];
	v24 =	vadd.f32 v28, v24;
	v25 =	vadd.f32 v31, v25  }
0x1ec: {  	v28 =	vmul.f32 v33, v33;
	v31 =	vld [tilespmem:s19+$0x80];
	v10 =	vadd.f32 v26, v10;
	v23 =	vadd.f32 v27, v23  }
0x1ed: {  	v13 =	vadd.f32 v35, v13;
	v11 =	vadd.f32 v30, v11;
	v26 =	vmul.f32 v34, v34;
	v27 =	vld [tilespmem:s19+$0x90]  }
0x1ee: {  	v14 =	vadd.f32 v33, v14;
	v12 =	vadd.f32 v28, v12;
	v28 =	vld [tilespmem:s19+$0xFFFFFF20];
	v30 =	vmul.f32 v29, v29  }
0x1ef: {  	v13 =	vadd.f32 v34, v13;
	v33 =	vld [tilespmem:s19+$0xFFFFFF30];
	v11 =	vadd.f32 v26, v11;
	v26 =	vmul.f32 v32, v32  }
0x1f0: {  	v14 =	vadd.f32 v29, v14;
	v12 =	vadd.f32 v30, v12;
	v29 =	vld [tilespmem:s19+$0xFFFFFFA0];
	v30 =	vmul.f32 v36, v36  }
0x1f1: {  	v13 =	vadd.f32 v32, v13;
	v34 =	vld [tilespmem:s19+$0xFFFFFFB0];
	v11 =	vadd.f32 v26, v11;
	v26 =	vmul.f32 v31, v31  }
0x1f2: {  	v14 =	vadd.f32 v36, v14;
	v12 =	vadd.f32 v30, v12;
	v30 =	vld [tilespmem:s19+$0x20];
	v32 =	vmul.f32 v27, v27  }
0x1f3: {  	v13 =	vadd.f32 v31, v13;
	v35 =	vmul.f32 v28, v28;
	v36 =	vld [tilespmem:s19+$0x30];
	v11 =	vadd.f32 v26, v11  }
0x1f4: {  	v14 =	vadd.f32 v27, v14;
	v26 =	vmul.f32 v33, v33;
	v12 =	vadd.f32 v32, v12;
	v27 =	vld [tilespmem:s19+$0xA0]  }
0x1f5: {  	v18 =	vadd.f32 v28, v18;
	v17 =	vadd.f32 v35, v17;
	v28 =	vmul.f32 v29, v29;
	v31 =	vld [tilespmem:s19+$0xB0]  }
0x1f6: {  	v16 =	vadd.f32 v33, v16;
	v15 =	vadd.f32 v26, v15;
	v26 =	vld [tilespmem:s19+$0xFFFFFF40];
	v32 =	vmul.f32 v34, v34  }
0x1f7: {  	v18 =	vadd.f32 v29, v18;
	v33 =	vld [tilespmem:s19+$0xFFFFFF50];
	v17 =	vadd.f32 v28, v17;
	v28 =	vmul.f32 v30, v30  }
0x1f8: {  	v16 =	vadd.f32 v34, v16;
	v15 =	vadd.f32 v32, v15;
	v29 =	vld [tilespmem:s19+$0xFFFFFFC0];
	v32 =	vmul.f32 v36, v36  }
0x1f9: {  	v18 =	vadd.f32 v30, v18;
	v34 =	vld [tilespmem:s19+$0xFFFFFFD0];
	v17 =	vadd.f32 v28, v17;
	v28 =	vmul.f32 v27, v27  }
0x1fa: {  	v16 =	vadd.f32 v36, v16;
	v15 =	vadd.f32 v32, v15;
	v30 =	vld [tilespmem:s19+$0x40];
	v32 =	vmul.f32 v31, v31  }
0x1fb: {  	v18 =	vadd.f32 v27, v18;
	v35 =	vmul.f32 v26, v26;
	v36 =	vld [tilespmem:s19+$0x50];
	v17 =	vadd.f32 v28, v17  }
0x1fc: {  	v16 =	vadd.f32 v31, v16;
	v27 =	vmul.f32 v33, v33;
	v15 =	vadd.f32 v32, v15;
	v28 =	vld [tilespmem:s19+$0xC0]  }
0x1fd: {  	v21 =	vadd.f32 v26, v21;
	v22 =	vadd.f32 v35, v22;
	v26 =	vmul.f32 v29, v29;
	v35 =	vld [tilespmem:s19+$0xD0]  }
0x1fe: {  	v20 =	vadd.f32 v33, v20;
	v19 =	vadd.f32 v27, v19;
	v37 =	vld [tilespmem:s19+$0xFFFFFF60];
	v31 =	vmul.f32 v34, v34  }
0x1ff: {  	s18 =	sadd.s32 $0x4, s18;
	v21 =	vadd.f32 v29, v21;
	v27 =	vld [tilespmem:s19+$0xFFFFFF70];
	v22 =	vadd.f32 v26, v22;
	v26 =	vmul.f32 v30, v30  }
0x200: {  	p1 =	slt.u32 s18, $0x60;
	v20 =	vadd.f32 v34, v20;
	v19 =	vadd.f32 v31, v19;
	v31 =	vld [tilespmem:s19+$0xFFFFFFE0];
	v32 =	vmul.f32 v36, v36  }
.Ltmp3:
0x201: {  	v21 =	vadd.f32 v30, v21;
	v29 =	vld [tilespmem:s19+$0xFFFFFFF0];
	v22 =	vadd.f32 v26, v22;
	v26 =	vmul.f32 v28, v28;
	(pc) =	sbr.rel @p1 .LBB2_9-.Ltmp3, $4  }
0x202: {  	v20 =	vadd.f32 v36, v20;
	v19 =	vadd.f32 v32, v19;
	v32 =	vld [tilespmem:s19+$0x60];
	v34 =	vmul.f32 v35, v35  }
0x203: {  	v21 =	vadd.f32 v28, v21;
	v36 =	vmul.f32 v37, v37;
	v30 =	vld [tilespmem:s19+$0x70];
	v22 =	vadd.f32 v26, v22  }
0x204: {  	v20 =	vadd.f32 v35, v20;
	v33 =	vmul.f32 v27, v27;
	v19 =	vadd.f32 v34, v19;
	v28 =	vld [tilespmem:s19+$0xE0]  }
0x205: {  	v24 =	vadd.f32 v37, v24;
	v25 =	vadd.f32 v36, v25;
	v34 =	vmul.f32 v31, v31;
	v26 =	vld [tilespmem:s19+$0xF0];
	s19 =	sadd.s32 $0x200, s19  }
0x206: {  	v10 =	vadd.f32 v27, v10;
	v38 =	vmul.f32 v29, v29;
	v13 =	vmul.f32 v13, v13  }
0x207: {  	v23 =	vadd.f32 v33, v23;
	v14 =	vmul.f32 v14, v14;
	v42 =	vmul.f32 v18, v18  }
0x208: {  	v46 =	vmul.f32 v16, v16;
	v24 =	vadd.f32 v31, v24;
	v25 =	vadd.f32 v34, v25  }
0x209: {  	v40 =	vld [tilespmem:$0x11280];
	v52 =	vmul.f32 v21, v21;
	v10 =	vadd.f32 v29, v10;
	v23 =	vadd.f32 v38, v23  }
0x20a: {  	v55 =	vmul.f32 v20, v20;
	v11 =	vsub.f32 v13, v11;
	v12 =	vsub.f32 v14, v12  }
0x20b: {  	v43 =	vld [tilespmem:$0x11290];
	v45 =	vsub.f32 v42, v17;
	v51 =	vsub.f32 v46, v15  }
0x20c: {  	v39 =	vmul.f32 v32, v32;
	v54 =	vsub.f32 v52, v22;
	v58 =	vsub.f32 v55, v19  }
0x20d: {  	v47 =	vld [tilespmem:$0x112A0];
	v24 =	vadd.f32 v32, v24;
	v11 =	vadd.f32 v12, v11  }
0x20e: {  	v41 =	vmul.f32 v30, v30;
	v25 =	vadd.f32 v39, v25;
	v50 =	vadd.f32 $0.0e+00, v40  }
0x20f: {  	v53 =	vld [tilespmem:$0x112B0];
	v10 =	vadd.f32 v30, v10;
	v11 =	vadd.f32 v45, v11  }
0x210: {  	v48 =	vmul.f32 v28, v28;
	v44 =	vadd.f32 v41, v23;
	v14 =	vadd.f32 v43, v50  }
0x211: {  	v56 =	vld [tilespmem:$0x112C0];
	v49 =	vadd.f32 v28, v24;
	v11 =	vadd.f32 v51, v11  }
0x212: {  	v57 =	vmul.f32 v26, v26;
	v17 =	vadd.f32 v48, v25;
	v14 =	vadd.f32 v47, v14  }
0x213: {  	v60 =	vld [tilespmem:$0x112D0];
	v10 =	vadd.f32 v26, v10;
	v59 =	vmul.f32 v49, v49;
	v11 =	vadd.f32 v54, v11  }
0x214: {  	v18 =	vadd.f32 v57, v44;
	v14 =	vadd.f32 v53, v14  }
0x215: {  	v62 =	vld [tilespmem:$0x112E0];
	v10 =	vmul.f32 v10, v10;
	v61 =	vsub.f32 v59, v17;
	v11 =	vadd.f32 v58, v11  }
0x216: {  	v14 =	vadd.f32 v56, v14  }
0x217: {  	v10 =	vsub.f32 v10, v18;
	v11 =	vadd.f32 v61, v11  }
0x218: {  	v63 =	vadd.f32 v60, v14  }
0x219: {  	v10 =	vadd.f32 v10, v11  }
0x21a: {  	v11 =	vadd.f32 v62, v63  }
0x21b: {  	(xrf2) =	vadd.scan.msk.f32 $0xffff, v10  }
0x21c: {  	(xrf2) =	vadd.scan.msk.f32 $0xffff, v11;
	_ =	sdelay $0x8  }
0x21d: {  	v11 =	vld @!p0 [tilespmem:s13+$0x380];
	v10, _, _ =	vpop (xrf2)  }
0x21e: {  	v12 =	vld @!p0 [tilespmem:s13+$0x390];
	(v2sf) =	vpush v10, $0xF;
	v10, _, _ =	vpop (xrf2)  }
0x21f: {  	v13 =	vld @!p0 [tilespmem:s13+$0x3A0];
	(v2sf) =	vpush v10, $0xF;
	v10 =	vlaneseq.u32 @!p0  }
0x220: {  	v14 =	vld @!p0 [tilespmem:s13+$0x3B0];
	v10 =	vmul.u32 @!p0 $0x3E8, v10  }
0x221: {  	v15 =	vld @!p0 [tilespmem:s13+$0x3C0]  }
0x222: {  	v17 =	vld @!p0 [tilespmem:s13+$0x3D0];
	v11 =	vadd.s32 @!p0 v10, v11;
	v16 =	vadd.s32 @!p0 $0x3E80, v10  }
0x223: {  	v18 =	vld @!p0 [tilespmem:s13+$0x3D4];
	[tilespmem:s13+$0x380] =	vst @!p0 v11;
	v11 =	vadd.s32 @!p0 v16, v12;
	v12 =	vadd.s32 @!p0 $0x7D00, v10  }
0x224: {  	[tilespmem:s13+$0x390] =	vst @!p0 v11;
	v11 =	vadd.s32 @!p0 v12, v13;
	v12 =	vadd.s32 @!p0 $0xBB80, v10  }
0x225: {  	[tilespmem:s13+$0x3A0] =	vst @!p0 v11;
	v11 =	vadd.s32 @!p0 v12, v14;
	v12 =	vadd.s32 @!p0 $0xFA00, v10  }
0x226: {  	[tilespmem:s13+$0x3B0] =	vst @!p0 v11;
	v11 =	vadd.s32 @!p0 v12, v15;
	v12 =	vadd.s32 @!p0 $0x13880, v10  }
0x227: {  	v10 =	vadd.s32 @!p0 $0x14820, v10;
	[tilespmem:s13+$0x3C0] =	vst @!p0 v11;
	v11 =	vadd.s32 @!p0 v12, v17  }
0x228: {  	v10 =	vadd.s32 @!p0 v10, v18;
	[tilespmem:s13+$0x3D0] =	vst @!p0 v11  }
0x229: {  	s18 =	sadd.s32 @!p0 $0x380, s13;
	s19 =	simm.s32 @!p0 $0xDD00;
	[tilespmem:s13+$0x3D4] =	vst @!p0 v10;
	s13 =	simm.s32 @!p0 $0x64  }
0x22a: {  	[tilespmem:s19], [sflag:$0x4] =	stream.indirect.gather @!p0 [hbm4b:s3+s13], $0x80, s18, s13, $0xb8;
	[tilespmem:$0x11300] =	vst v63  }
0x22b: {  	s19 =	simm.s32 @!p0 $0x11280  }
0x22c: {  	[tilespmem:s19], [sflag:$0x8] =	stream.indirect.gather @!p0 [hbm4b:s5+s13], $0x1, s18, s13, $0xb8;
	[tilespmem:$0x11300] =	vst v63  }
0x22d: {  	s18 =	spop (v2sf)  }
0x22e: {  	s22 =	spop (v2sf)  }
0x22f: {  	s12 =	sand.u32 $0xC, s12;
	s13 =	smul.f32 $5.000000000e-01, s18;
	s19 =	sadd.f32 s22, s1  }
0x230: {  	p0 =	sne.s32 s12, $0x0  }
0x231: {  	s22 =	sadd.f32 s19, s13;
	s13 =	sshll.u32 @!p0 s10, $0x2;
	s10 =	sadd.s32 $0x1, s10  }
0x232: {  	s21 =	sor.u32 $0x2, s15;
	p1 =	sne.s32 s10, $0x20  }
.Ltmp4:
0x233: {  	v10 =	vmov s21;
	s21 =	sor.u32 $0x3, s15;
	(pc) =	sbr.rel @p1 .LBB2_2-.Ltmp4, $4  }
0x234: {  	vm0 =	veq.s32 v10, v0;
	v10 =	vmov s21  }
0x235: {  	v9 =	vsel vm0, s16, v9;
	vm15 =	veq.s32 v10, v0  }
0x236: {  	s12 =	sand.u32 @!p0 $0x70, s13;
	v9 =	vsel vm15, s22, v9  }
0x237: {  	[tilespmem:s12+$0x4000] =	vst @!p0 v9  }
0x238: {  	s0 =	sadd.s32 $0x1, s0  }
0x239: {  	p0 =	sne.s32 s0, s8  }
.Ltmp5:
0x23a: {  	_ = 	snop;
	(pc) =	sbr.rel @p0 .LBB2_1-.Ltmp5, $4  }
0x23b: {  	[hbm4b:s7+s4] =	stream.linear.scatter [tilespmem:s2], [sflag:$0x9], $0x80, $0x38;
	[tilespmem:$0x11300] =	vst v63  }
0x23c: {  	_ =	swait.ge [sflag:s9], $0x80  }
0x23d: {  	[sflag:s9] =	ssyncset.done $0x0  }
0x23e: {  	[sflag:s9] =	ssyncadd.s32 $0xFFFFFF80  }
0x23f: {  	_ =	sfence.sel $0x180000  }
0x240: {  	[bflag:$0x0] =	sbarrier.arrive $0xFFFF  }
0x241: {  	_ =	strace $0x90000047  }
0x242: {  	s0 =	stileid.u32;
	[bflag:$0x2] =	sbarrier.arrive $0xFFFF  }
0x243: {  	p0 =	sne.s32 s0, $0x0;
	s0 =	rddreg [dreg:$0x4]  }
0x244: {  	s0 =	sadd.s32 @!p0 $0x100000, s0  }
0x245: {  	[sflag:s0] =	ssyncadd.tile.s32 @!p0 $0x1;
	_ =	shalt  }
.Lfunc_end2:
_tile_overlayer_lowered:
.L_overlay_start_2:
0x246: {  	(tag) =	ssettag $0x2  }
0x247: {  	s0 =	rddreg [dreg:$0x0];
	s2 =	stileid.u32  }
0x248: {  	s1 =	rddreg [dreg:$0x1];
	p0 =	sne.s32 s2, $0x0  }
0x249: {  	s3 =	rddreg [dreg:$0x2];
	[bflag:$0x3] =	sbarrier.arrive $0xFFFF;
	s2 =	simm.s32 @!p0 $0x1C09  }
0x24a: {  	[timem:s3], [sflag:s2] =	dma.local @!p0 [hbm:s0], s1  }
0x24b: {  	s0 =	simm.s32 @!p0 $0x9  }
0x24c: {  	_ =	swait.ge @!p0 [sflag:s0], s1  }
0x24d: {  	s1 =	ssub.s32 @!p0 $0x0, s1;
	[sflag:s0] =	ssyncset.done @!p0 $0x0  }
0x24e: {  	[sflag:s0] =	ssyncadd.s32 @!p0 s1  }
0x24f: {  	[bflag:$0x3] =	sbarrier.arrive $0xFFFF  }
0x250: {  	_ =	shalt  }

</sc_bundles>
